<compile_context>
chip_gen: v7x
topology: tpu7x:2x2x1
jax: 0.10.2.dev20260603
libtpu: 0.0.44.dev20260713+nightly
codegen_flags: <defaults>
</compile_context>

<pallas_src>
import functools

import jax
import jax.numpy as jnp
from jax import lax
from jax.experimental import pallas as pl
from jax.experimental.pallas import tpu as pltpu
from jax.experimental.pallas import tpu_sc as plsc

V = 32000
S = 2048
D = 768
DI = 1536
DS = 16
DC = 4
E = 8
K = 2
DFF = 2048
CAP = 640

EPAD = 648
HPAD = S + 8
NSLOT = E * CAP
SENT = NSLOT

NC = 2
NS = 16
NW = NC * NS

_f32 = jnp.float32
_bf16 = jnp.bfloat16
_i32 = jnp.int32


def _ln_rows(x, w, b):
    m = jnp.mean(x, axis=-1, keepdims=True)
    v = jnp.mean((x - m) ** 2, axis=-1, keepdims=True)
    return (x - m) * lax.rsqrt(v + 1e-5) * w + b



def _sc_mesh():
    return plsc.VectorSubcoreMesh(core_axis_name="c", subcore_axis_name="s")


def _sc_gather_rows(table, idx, n_rows, d, per_chunk):
    n_per_w = n_rows // NW
    n_chunks = n_per_w // per_chunk
    assert n_per_w % per_chunk == 0 and per_chunk <= 128 and per_chunk % 8 == 0

    @functools.partial(
        pl.kernel,
        mesh=_sc_mesh(),
        out_type=jax.ShapeDtypeStruct((n_rows, d), _f32),
        scratch_types=[
            [pltpu.VMEM((per_chunk,), _i32) for _ in range(n_chunks)],
            [pltpu.VMEM((per_chunk, d), _f32) for _ in range(n_chunks)],
            [pltpu.SemaphoreType.DMA for _ in range(n_chunks)],
        ],
    )
    def k(table_hbm, idx_hbm, out_hbm, idx_vs, row_vs, sems):
        wid = lax.axis_index("s") * NC + lax.axis_index("c")
        base = wid * n_per_w
        copies = []
        for c in range(n_chunks):
            pltpu.sync_copy(idx_hbm.at[pl.ds(base + c * per_chunk, per_chunk)],
                            idx_vs[c])
            copies.append(
                pltpu.async_copy(table_hbm.at[idx_vs[c]], row_vs[c], sems[c]))
        for c in range(n_chunks):
            copies[c].wait()
            pltpu.sync_copy(
                row_vs[c], out_hbm.at[pl.ds(base + c * per_chunk, per_chunk)])

    return k(table, idx)



_CH = 256
_NCH = S // _CH


def _ssm_body(x_ref, win_ref, winb_ref, convw_ref, convb_ref, wdt_ref,
              dtb_ref, wb_ref, bb_ref, wc_ref, cb_ref, at_ref, sd_ref,
              wout_ref, woutb_ref, lnw_ref, lnb_ref,
              out_ref,
              h_ref, tail_ref, xc_ref, u_ref, ys_ref, da_ref,
              dt_ref, bm_ref, cm_ref):
    pid = pl.program_id(0)

    @pl.when(pid == 0)
    def _():
        h_ref[...] = jnp.zeros((DS, DI), _f32)
        tail_ref[...] = jnp.zeros((8, DI), _f32)

    x = x_ref[...]
    h = _ln_rows(x, lnw_ref[...], lnb_ref[...])
    xz = jnp.dot(h, win_ref[...],
                 preferred_element_type=_f32) + winb_ref[...]
    xs = xz[:, :DI]
    z = xz[:, DI:]

    tail = tail_ref[5:8, :]
    xs_ext = jnp.concatenate([tail, xs], axis=0)
    xc = convb_ref[...]
    for kk in range(DC):
        xc = xc + xs_ext[kk:kk + _CH, :] * convw_ref[kk:kk + 1, :]
    xc = xc * jax.nn.sigmoid(xc)
    tail_ref[5:8, :] = xs[_CH - 3:_CH, :]

    dt_pre = jnp.dot(xc, wdt_ref[...], preferred_element_type=_f32)
    dt_pre = dt_pre + dtb_ref[...]
    dt = jnp.maximum(dt_pre, 0.0) + jnp.log1p(jnp.exp(-jnp.abs(dt_pre)))
    bm = jnp.dot(xc, wb_ref[...], preferred_element_type=_f32) \
        + bb_ref[...]
    cm = jnp.dot(xc, wc_ref[...], preferred_element_type=_f32) \
        + cb_ref[...]

    xc_ref[...] = xc
    u_ref[...] = dt * xc
    dt_ref[...] = dt
    bm_ref[...] = bm
    cm_ref[...] = cm

    at = at_ref[...]
    eye16 = jnp.eye(DS, dtype=_f32)
    hstate = h_ref[...]

    def blk_body(blk, hstate):
        t0 = blk * 16
        dt16 = dt_ref[pl.ds(t0, 16), :]
        b16 = bm_ref[pl.ds(t0, 16), :]
        c16 = cm_ref[pl.ds(t0, 16), :]
        bt = lax.dot_general(b16, eye16, (((0,), (0,)), ((), ())),
                             preferred_element_type=_f32)
        ct = lax.dot_general(c16, eye16, (((0,), (0,)), ((), ())),
                             preferred_element_type=_f32)
        da_ref[...] = jnp.exp(dt16[:, None, :] * at[None, :, :])
        u16 = u_ref[pl.ds(t0, 16), :]
        for tl in range(16):
            da = da_ref[tl]
            hstate = da * hstate + bt[:, tl:tl + 1] * u16[tl:tl + 1, :]
            y = jnp.sum(hstate * ct[:, tl:tl + 1], axis=0, keepdims=True)
            ys_ref[pl.ds(t0 + tl, 1), :] = y
        return hstate

    hstate = lax.fori_loop(0, _CH // 16, blk_body, hstate, unroll=False)
    h_ref[...] = hstate

    y = ys_ref[...] + sd_ref[...] * xc_ref[...]
    y = y * (z * jax.nn.sigmoid(z))
    out = jnp.dot(y, wout_ref[...],
                  preferred_element_type=_f32) + woutb_ref[...]
    out_ref[...] = x + out


def _ssm_block(x, win_bf, winb, convw_t, convb, wdt_bf, dtb, wb_bf, bb,
               wc_bf, cb, a_t, sd, wout_bf, woutb, lnw, lnb):
    const = pl.BlockSpec((None,), lambda i: (0,))
    full2 = lambda shape: pl.BlockSpec(shape, lambda i: (0, 0))
    return pl.pallas_call(
        _ssm_body,
        grid=(_NCH,),
        in_specs=[
            pl.BlockSpec((_CH, D), lambda i: (i, 0)),
            full2((D, 2 * DI)), full2((1, 2 * DI)),
            full2((DC, DI)), full2((1, DI)),
            full2((DI, DI)), full2((1, DI)),
            full2((DI, DS)), full2((1, DS)),
            full2((DI, DS)), full2((1, DS)),
            full2((DS, DI)), full2((1, DI)),
            full2((DI, D)), full2((1, D)),
            full2((1, D)), full2((1, D)),
        ],
        out_specs=pl.BlockSpec((_CH, D), lambda i: (i, 0)),
        out_shape=jax.ShapeDtypeStruct((S, D), _f32),
        scratch_shapes=[
            pltpu.VMEM((DS, DI), _f32),
            pltpu.VMEM((8, DI), _f32),
            pltpu.VMEM((_CH, DI), _f32),
            pltpu.VMEM((_CH, DI), _f32),
            pltpu.VMEM((_CH, DI), _f32),
            pltpu.VMEM((16, DS, DI), _f32),
            pltpu.VMEM((_CH, DI), _f32),
            pltpu.VMEM((_CH, DS), _f32),
            pltpu.VMEM((_CH, DS), _f32),
        ],
    )(x, win_bf, winb, convw_t, convb, wdt_bf, dtb, wb_bf, bb, wc_bf, cb,
      a_t, sd, wout_bf, woutb, lnw, lnb)



def _route_body(x_ref, lnw_ref, lnb_ref, wr_ref,
                hh_ref, src_ref, comb_ref, gate_ref):
    x = x_ref[...]
    hh = _ln_rows(x, lnw_ref[...], lnb_ref[...])
    hh_ref[0:S, :] = hh
    hh_ref[S:HPAD, :] = jnp.zeros((HPAD - S, D), _f32)

    rl = jnp.dot(hh, wr_ref[...], preferred_element_type=_f32)
    ei = lax.broadcasted_iota(_i32, (S, E), 1)
    v1 = jnp.max(rl, axis=1, keepdims=True)
    i1 = jnp.min(jnp.where(rl == v1, ei, E), axis=1, keepdims=True)
    rl2 = jnp.where(ei == i1, -1e30, rl)
    v2 = jnp.max(rl2, axis=1, keepdims=True)
    i2 = jnp.min(jnp.where(rl2 == v2, ei, E), axis=1, keepdims=True)

    g0 = 1.0 / (1.0 + jnp.exp(v2 - v1))
    gate_ref[...] = jnp.concatenate([g0, 1.0 - g0], axis=1)

    oh0 = (ei == i1).astype(_f32)
    oh1 = (ei == i2).astype(_f32)
    ohsum = oh0 + oh1

    cs = 512
    ri = lax.broadcasted_iota(_i32, (cs, cs), 0)
    ci = lax.broadcasted_iota(_i32, (cs, cs), 1)
    tri = (ri > ci).astype(_f32)
    prefs = []
    carry = jnp.zeros((1, E), _f32)
    for c in range(S // cs):
        ohc = ohsum[c * cs:(c + 1) * cs, :]
        prefs.append(jnp.dot(tri, ohc, preferred_element_type=_f32) + carry)
        carry = carry + jnp.sum(ohc, axis=0, keepdims=True)
    pref = jnp.concatenate(prefs, axis=0)

    pos0 = jnp.sum(pref * oh0, axis=1, keepdims=True).astype(_i32)
    pos1 = jnp.sum(pref * oh1, axis=1, keepdims=True).astype(_i32)

    slot0 = jnp.where(pos0 < CAP, i1 * CAP + pos0, SENT)
    slot1 = jnp.where(pos1 < CAP, i2 * CAP + pos1, SENT)

    comb0 = i1 * EPAD + jnp.minimum(pos0, CAP)
    comb1 = i2 * EPAD + jnp.minimum(pos1, CAP)
    comb_ref[...] = jnp.concatenate([comb0, comb1], axis=1)

    tokp1 = lax.broadcasted_iota(_i32, (S, 1), 0) + 1
    scs = 512
    for c in range(NSLOT // scs):
        sids = lax.broadcasted_iota(_i32, (S, scs), 1) + c * scs
        acc = jnp.sum(jnp.where(slot0 == sids, tokp1, 0)
                      + jnp.where(slot1 == sids, tokp1, 0),
                      axis=0, keepdims=True)
        src_ref[:, c * scs:(c + 1) * scs] = jnp.where(acc == 0, S, acc - 1)


def _route(x, lnw, lnb, wr):
    return pl.pallas_call(
        _route_body,
        out_shape=(
            jax.ShapeDtypeStruct((HPAD, D), _f32),
            jax.ShapeDtypeStruct((1, NSLOT), _i32),
            jax.ShapeDtypeStruct((S, K), _i32),
            jax.ShapeDtypeStruct((S, K), _f32),
        ),
    )(x, lnw, lnb, wr)



def _expert_body(buf_ref, w1_ref, b1_ref, w2_ref, b2_ref, out_ref):
    xb = buf_ref[0].astype(_bf16)
    h1 = jnp.dot(xb, w1_ref[0], preferred_element_type=_f32) + b1_ref[0]
    c0 = 0.7978845608028654
    h1g = 0.5 * h1 * (1.0 + jnp.tanh(c0 * (h1 + 0.044715 * h1 * h1 * h1)))
    eo = jnp.dot(h1g.astype(_bf16), w2_ref[0],
                 preferred_element_type=_f32) + b2_ref[0]
    out_ref[0, 0:CAP, :] = eo
    out_ref[0, CAP:EPAD, :] = jnp.zeros((EPAD - CAP, D), _f32)


def _experts(buf, w1_bf, b1, w2_bf, b2):
    return pl.pallas_call(
        _expert_body,
        grid=(E,),
        in_specs=[
            pl.BlockSpec((1, CAP, D), lambda e: (e, 0, 0)),
            pl.BlockSpec((1, D, DFF), lambda e: (e, 0, 0)),
            pl.BlockSpec((1, 1, DFF), lambda e: (e, 0, 0)),
            pl.BlockSpec((1, DFF, D), lambda e: (e, 0, 0)),
            pl.BlockSpec((1, 1, D), lambda e: (e, 0, 0)),
        ],
        out_specs=pl.BlockSpec((1, EPAD, D), lambda e: (e, 0, 0)),
        out_shape=jax.ShapeDtypeStruct((E, EPAD, D), _f32),
    )(buf, w1_bf, b1, w2_bf, b2)



def _combine_body(x_ref, rows_ref, gate_ref, lnw_ref, lnb_ref, out_ref):
    g0 = gate_ref[:, 0:1]
    g1 = gate_ref[:, 1:2]
    x2 = x_ref[...] + g0 * rows_ref[:, 0:D] + g1 * rows_ref[:, D:2 * D]
    out_ref[...] = _ln_rows(x2, lnw_ref[...], lnb_ref[...]).astype(_bf16)


def _combine(x, rows2, gates, lnw, lnb):
    return pl.pallas_call(
        _combine_body,
        out_shape=jax.ShapeDtypeStruct((S, D), _bf16),
    )(x, rows2, gates, lnw, lnb)


_VT = 1280
_NVT = V // _VT


def _lmhead_body(xo_ref, emb_ref, out_ref):
    eb = emb_ref[...].astype(_bf16)
    out_ref[...] = lax.dot_general(
        xo_ref[...], eb, (((1,), (1,)), ((), ())),
        preferred_element_type=_f32)


def _lmhead(xo_bf, emb):
    return pl.pallas_call(
        _lmhead_body,
        grid=(_NVT,),
        in_specs=[
            pl.BlockSpec((S, D), lambda i: (0, 0)),
            pl.BlockSpec((_VT, D), lambda i: (i, 0)),
        ],
        out_specs=pl.BlockSpec((S, _VT), lambda i: (0, i)),
        out_shape=jax.ShapeDtypeStruct((S, V), _f32),
    )(xo_bf, emb)



def kernel(input_ids, emb, s_ln_w, s_ln_b, s_Win, s_Win_b, s_conv_w,
           s_conv_b, s_Wbcdt, s_Wbcdt_b, s_dt_bias, s_Alog, s_D, s_Wout,
           s_Wout_b, m_ln_w, m_ln_b, m_Wr, m_W1, m_b1, m_W2, m_b2,
           f_ln_w, f_ln_b):
    ids = input_ids.reshape(S).astype(_i32)

    win_f = s_Win
    convw_t = s_conv_w.T
    wdt_f = s_Wbcdt[:, :DI]
    wb_f = s_Wbcdt[:, DI:DI + DS]
    wc_f = s_Wbcdt[:, DI + DS:]
    dtb = (s_Wbcdt_b[:DI] + s_dt_bias).reshape(1, DI)
    bb = s_Wbcdt_b[DI:DI + DS].reshape(1, DS)
    cb = s_Wbcdt_b[DI + DS:].reshape(1, DS)
    a_t = (-jnp.exp(s_Alog)).T
    wout_f = s_Wout
    w1_bf = m_W1.astype(_bf16)
    w2_bf = m_W2.astype(_bf16)

    x0 = _sc_gather_rows(emb, ids, S, D, per_chunk=64)

    x1 = _ssm_block(
        x0, win_f, s_Win_b.reshape(1, 2 * DI), convw_t,
        s_conv_b.reshape(1, DI), wdt_f, dtb, wb_f, bb, wc_f, cb, a_t,
        s_D.reshape(1, DI), wout_f, s_Wout_b.reshape(1, D),
        s_ln_w.reshape(1, D), s_ln_b.reshape(1, D))

    hh_pad, src, comb, gates = _route(
        x1, m_ln_w.reshape(1, D), m_ln_b.reshape(1, D), m_Wr)

    buf = _sc_gather_rows(hh_pad, src.reshape(NSLOT), NSLOT, D, per_chunk=80)

    eo = _experts(buf.reshape(E, CAP, D), w1_bf, m_b1.reshape(E, 1, DFF),
                  w2_bf, m_b2.reshape(E, 1, D))

    rows = _sc_gather_rows(eo.reshape(E * EPAD, D), comb.reshape(S * K),
                           S * K, D, per_chunk=128)

    xo_bf = _combine(x1, rows.reshape(S, K * D), gates,
                     f_ln_w.reshape(1, D), f_ln_b.reshape(1, D))

    logits = _lmhead(xo_bf, emb)
    return logits.reshape(1, S, V)

# --- scband reference (transcript-rebuilt; emitter-appended) ---
"""Pipeline reference for scband-hybrid-mamba-mo-e-18253611008335 (READ-ONLY COPY).

The authoritative reference and input builder live on the scoring server;
editing this copy changes nothing except your own understanding.
"""

import jax, jax.numpy as jnp
import numpy as np

V=32000; B=1; S=2048; D=768; DI=1536; DS=16; DC=4; E=8; K=2; DFF=2048; CAP=640

def _ln(x, w, b):
    m = x.mean(-1, keepdims=True)
    v = x.var(-1, keepdims=True)
    return (x - m) / jnp.sqrt(v + 1e-5) * w + b

def setup_inputs(seed: int = 0) -> dict:
    key = jax.random.key(seed)
    ks = [jax.random.fold_in(key, i) for i in range(24)]
    def nrm(k, shape, s=0.02):
        return jax.random.normal(k, shape, dtype=jnp.float32) * s
    inp = {}
    inp['input_ids'] = jax.random.randint(ks[0], (B, S), 0, V, dtype=jnp.int32)
    inp['emb'] = nrm(ks[1], (V, D))
    inp['s_ln_w'] = jnp.ones((D,)); inp['s_ln_b'] = jnp.zeros((D,))
    inp['s_Win'] = nrm(ks[2], (D, 2 * DI)); inp['s_Win_b'] = jnp.zeros((2 * DI,))
    inp['s_conv_w'] = nrm(ks[3], (DI, DC), 0.1); inp['s_conv_b'] = jnp.zeros((DI,))
    inp['s_Wbcdt'] = nrm(ks[4], (DI, DI + 2 * DS)); inp['s_Wbcdt_b'] = jnp.zeros((DI + 2 * DS,))
    inp['s_dt_bias'] = jnp.full((DI,), -4.0)
    inp['s_Alog'] = jnp.log(jnp.tile(jnp.arange(1, DS + 1, dtype=jnp.float32)[None, :], (DI, 1)))
    inp['s_D'] = jnp.ones((DI,))
    inp['s_Wout'] = nrm(ks[5], (DI, D)); inp['s_Wout_b'] = jnp.zeros((D,))
    inp['m_ln_w'] = jnp.ones((D,)); inp['m_ln_b'] = jnp.zeros((D,))
    inp['m_Wr'] = nrm(ks[6], (D, E))
    inp['m_W1'] = nrm(ks[7], (E, D, DFF)); inp['m_b1'] = jnp.zeros((E, DFF))
    inp['m_W2'] = nrm(ks[8], (E, DFF, D)); inp['m_b2'] = jnp.zeros((E, D))
    inp['f_ln_w'] = jnp.ones((D,)); inp['f_ln_b'] = jnp.zeros((D,))
    return inp

def _forward(input_ids, emb, s_ln_w, s_ln_b, s_Win, s_Win_b, s_conv_w, s_conv_b, s_Wbcdt, s_Wbcdt_b, s_dt_bias, s_Alog, s_D, s_Wout, s_Wout_b, m_ln_w, m_ln_b, m_Wr, m_W1, m_b1, m_W2, m_b2, f_ln_w, f_ln_b):
    x = emb[input_ids]
    # --- SSMBlock (layer 0): Mamba-style selective scan ---
    h = _ln(x, s_ln_w, s_ln_b)
    xz = h @ s_Win + s_Win_b
    xs, z = xz[..., :DI], xz[..., DI:]
    xp = jnp.pad(xs, ((0, 0), (DC - 1, 0), (0, 0)))
    xc = sum(xp[:, k:k + S, :] * s_conv_w[:, k] for k in range(DC)) + s_conv_b
    xc = xc * jax.nn.sigmoid(xc)
    bcdt = xc @ s_Wbcdt + s_Wbcdt_b
    dt = jax.nn.softplus(bcdt[..., :DI] + s_dt_bias)
    Bm = bcdt[..., DI:DI + DS]
    Cm = bcdt[..., DI + DS:]
    A = -jnp.exp(s_Alog)
    def step(hprev, inps):
        x_t, dt_t, B_t, C_t = inps
        dA = jnp.exp(dt_t[:, :, None] * A[None])
        hnew = dA * hprev + dt_t[:, :, None] * B_t[:, None, :] * x_t[:, :, None]
        y_t = (hnew * C_t[:, None, :]).sum(-1)
        return hnew, y_t
    h0 = jnp.zeros((B, DI, DS))
    _, ys = jax.lax.scan(step, h0, (jnp.moveaxis(xc, 1, 0), jnp.moveaxis(dt, 1, 0), jnp.moveaxis(Bm, 1, 0), jnp.moveaxis(Cm, 1, 0)))
    y = jnp.moveaxis(ys, 0, 1) + s_D * xc
    y = y * (z * jax.nn.sigmoid(z))
    x = x + y @ s_Wout + s_Wout_b
    # --- SparseMoELayer (layer 1): top-k routing with capacity dispatch ---
    hh = _ln(x, m_ln_w, m_ln_b)
    T = B * S
    xf = hh.reshape(T, D)
    rl = xf @ m_Wr
    topv, topi = jax.lax.top_k(rl, K)
    gates = jax.nn.softmax(topv, axis=-1)
    ef = topi.reshape(-1)
    gf = gates.reshape(-1)
    tf = jnp.repeat(jnp.arange(T), K)
    order = jnp.argsort(ef)
    se = ef[order]; st = tf[order]; sg = gf[order]
    counts = jnp.bincount(ef, length=E)
    starts = jnp.cumsum(counts) - counts
    pos = jnp.arange(T * K) - starts[se]
    posc = jnp.where(pos < CAP, pos, CAP)
    buf = jnp.zeros((E, CAP + 1, D)).at[se, posc].set(xf[st])[:, :CAP]
    h1 = jax.nn.gelu(jnp.einsum('ecd,edf->ecf', buf, m_W1) + m_b1[:, None, :])
    eo = jnp.einsum('ecf,efd->ecd', h1, m_W2) + m_b2[:, None, :]
    eop = jnp.concatenate([eo, jnp.zeros((E, 1, D))], axis=1)
    yf = eop[se, posc] * sg[:, None]
    ymoe = jnp.zeros((T, D)).at[st].add(yf)
    x = x + ymoe.reshape(B, S, D)
    # --- final norm + tied lm_head ---
    xo = _ln(x, f_ln_w, f_ln_b)
    logits = xo @ emb.T
    return logits

def reference(input_ids, emb, s_ln_w, s_ln_b, s_Win, s_Win_b, s_conv_w, s_conv_b, s_Wbcdt, s_Wbcdt_b, s_dt_bias, s_Alog, s_D, s_Wout, s_Wout_b, m_ln_w, m_ln_b, m_Wr, m_W1, m_b1, m_W2, m_b2, f_ln_w, f_ln_b):
    return _forward(input_ids=input_ids, emb=emb, s_ln_w=s_ln_w, s_ln_b=s_ln_b, s_Win=s_Win, s_Win_b=s_Win_b, s_conv_w=s_conv_w, s_conv_b=s_conv_b, s_Wbcdt=s_Wbcdt, s_Wbcdt_b=s_Wbcdt_b, s_dt_bias=s_dt_bias, s_Alog=s_Alog, s_D=s_D, s_Wout=s_Wout, s_Wout_b=s_Wout_b, m_ln_w=m_ln_w, m_ln_b=m_ln_b, m_Wr=m_Wr, m_W1=m_W1, m_b1=m_b1, m_W2=m_W2, m_b2=m_b2, f_ln_w=f_ln_w, f_ln_b=f_ln_b)

if __name__ == "__main__":
    import jax
    _d = setup_inputs()
    print(jax.jit(kernel)(*tuple(_d.values())))

</pallas_src>

<mosaic_0001>
#map = affine_map<(d0, d1) -> (0, 0)>
#map1 = affine_map<(d0, d1) -> (0)>
module attributes {stable_mosaic.version = 14 : i64} {
  func.func @k(%arg0: i32, %arg1: i32, %arg2: memref<2056x768xf32, #tpu.memory_space<hbm>>, %arg3: memref<5120xi32, #tpu.memory_space<hbm>>, %arg4: memref<5120x768xf32, #tpu.memory_space<hbm>>, %arg5: memref<80xi32, #tpu.memory_space<vmem>>, %arg6: memref<80xi32, #tpu.memory_space<vmem>>, %arg7: memref<80x768xf32, #tpu.memory_space<vmem>>, %arg8: memref<80x768xf32, #tpu.memory_space<vmem>>, %arg9: memref<!tpu.dma_semaphore, #tpu.memory_space<semaphore_mem>>, %arg10: memref<!tpu.dma_semaphore, #tpu.memory_space<semaphore_mem>>) attributes {dimension_semantics = [#tpu.dimension_semantics<core_parallel>, #tpu.dimension_semantics<subcore_parallel>], iteration_bounds = array<i64: 2, 16>, scalar_prefetch = 0 : i64, scratch_operands = 6 : i64, tpu.core_type = #tpu.core_type<sc_vector_subcore>, window_params = [{transform_indices = #map}, {transform_indices = #map1}, {transform_indices = #map}]} {
    %mul3A = arith.constant 2 : i32
    %mul3A_0 = arith.muli %arg1, %mul3A : i32
    %add3A = arith.addi %mul3A_0, %arg0 : i32
    %mul3A_1 = arith.constant 160 : i32
    %mul3A_2 = arith.muli %add3A, %mul3A_1 : i32
    %add3A_3 = arith.constant 0 : i32
    %add3A_4 = arith.addi %mul3A_2, %add3A_3 : i32
    "tpu.region"() ({
      %run_scoped3A = tpu.sem_alloc : memref<!tpu.dma_semaphore, #tpu.memory_space<semaphore_mem>>
      %dma_start3A_21 = tpu.memref_slice %arg3[%add3A_4] : memref<5120xi32, #tpu.memory_space<hbm>> -> memref<80xi32, #tpu.memory_space<hbm>>
      %dma_start3A_22 = tpu.memref_slice %arg3[%add3A_4] : memref<5120xi32, #tpu.memory_space<hbm>> -> memref<80xi32, #tpu.memory_space<hbm>>
      tpu.enqueue_dma source(%dma_start3A_22 : memref<80xi32, #tpu.memory_space<hbm>>) target(%arg5 : memref<80xi32, #tpu.memory_space<vmem>>) target_semaphore(%run_scoped3A : memref<!tpu.dma_semaphore, #tpu.memory_space<semaphore_mem>>)
      %dma_wait3A_23 = tpu.memref_slice %arg3[%add3A_4] : memref<5120xi32, #tpu.memory_space<hbm>> -> memref<80xi32, #tpu.memory_space<hbm>>
      %dma_wait3A_24 = tpu.memref_slice %arg3[%add3A_4] : memref<5120xi32, #tpu.memory_space<hbm>> -> memref<80xi32, #tpu.memory_space<hbm>>
      tpu.wait_dma2 semaphore(%run_scoped3A : memref<!tpu.dma_semaphore, #tpu.memory_space<semaphore_mem>>) src(%dma_wait3A_24 : memref<80xi32, #tpu.memory_space<hbm>>) dst(%arg5 : memref<80xi32, #tpu.memory_space<vmem>>)
      tpu.yield
    }) : () -> ()
    %dma_start3A = arith.constant 0 : i32
    %dma_start3A_5 = arith.constant 0 : i32
    %dma_start3A_6 = tpu.memref_slice %arg2[%dma_start3A, %dma_start3A_5] : memref<2056x768xf32, #tpu.memory_space<hbm>> -> memref<2056x768xf32, #tpu.memory_space<hbm>>
    tpu.enqueue_indirect_dma source(%dma_start3A_6 : memref<2056x768xf32, #tpu.memory_space<hbm>>) target(%arg7 : memref<80x768xf32, #tpu.memory_space<vmem>>) offsets(%arg5 : memref<80xi32, #tpu.memory_space<vmem>>) semaphore(%arg9 : memref<!tpu.dma_semaphore, #tpu.memory_space<semaphore_mem>>)
    %add3A_7 = arith.constant 80 : i32
    %add3A_8 = arith.addi %mul3A_2, %add3A_7 : i32
    "tpu.region"() ({
      %run_scoped3A = tpu.sem_alloc : memref<!tpu.dma_semaphore, #tpu.memory_space<semaphore_mem>>
      %dma_start3A_21 = tpu.memref_slice %arg3[%add3A_8] : memref<5120xi32, #tpu.memory_space<hbm>> -> memref<80xi32, #tpu.memory_space<hbm>>
      %dma_start3A_22 = tpu.memref_slice %arg3[%add3A_8] : memref<5120xi32, #tpu.memory_space<hbm>> -> memref<80xi32, #tpu.memory_space<hbm>>
      tpu.enqueue_dma source(%dma_start3A_22 : memref<80xi32, #tpu.memory_space<hbm>>) target(%arg6 : memref<80xi32, #tpu.memory_space<vmem>>) target_semaphore(%run_scoped3A : memref<!tpu.dma_semaphore, #tpu.memory_space<semaphore_mem>>)
      %dma_wait3A_23 = tpu.memref_slice %arg3[%add3A_8] : memref<5120xi32, #tpu.memory_space<hbm>> -> memref<80xi32, #tpu.memory_space<hbm>>
      %dma_wait3A_24 = tpu.memref_slice %arg3[%add3A_8] : memref<5120xi32, #tpu.memory_space<hbm>> -> memref<80xi32, #tpu.memory_space<hbm>>
      tpu.wait_dma2 semaphore(%run_scoped3A : memref<!tpu.dma_semaphore, #tpu.memory_space<semaphore_mem>>) src(%dma_wait3A_24 : memref<80xi32, #tpu.memory_space<hbm>>) dst(%arg6 : memref<80xi32, #tpu.memory_space<vmem>>)
      tpu.yield
    }) : () -> ()
    %dma_start3A_9 = arith.constant 0 : i32
    %dma_start3A_10 = arith.constant 0 : i32
    %dma_start3A_11 = tpu.memref_slice %arg2[%dma_start3A_9, %dma_start3A_10] : memref<2056x768xf32, #tpu.memory_space<hbm>> -> memref<2056x768xf32, #tpu.memory_space<hbm>>
    tpu.enqueue_indirect_dma source(%dma_start3A_11 : memref<2056x768xf32, #tpu.memory_space<hbm>>) target(%arg8 : memref<80x768xf32, #tpu.memory_space<vmem>>) offsets(%arg6 : memref<80xi32, #tpu.memory_space<vmem>>) semaphore(%arg10 : memref<!tpu.dma_semaphore, #tpu.memory_space<semaphore_mem>>)
    %dma_wait3A = arith.constant 0 : i32
    %dma_wait3A_12 = arith.constant 0 : i32
    %dma_wait3A_13 = tpu.memref_slice %arg2[%dma_wait3A, %dma_wait3A_12] : memref<2056x768xf32, #tpu.memory_space<hbm>> -> memref<2056x768xf32, #tpu.memory_space<hbm>>
    tpu.wait_indirect_dma semaphore(%arg9 : memref<!tpu.dma_semaphore, #tpu.memory_space<semaphore_mem>>) src(%dma_wait3A_13 : memref<2056x768xf32, #tpu.memory_space<hbm>>) dst(%arg7 : memref<80x768xf32, #tpu.memory_space<vmem>>)
    %add3A_14 = arith.constant 0 : i32
    %add3A_15 = arith.addi %mul3A_2, %add3A_14 : i32
    "tpu.region"() ({
      %run_scoped3A = tpu.sem_alloc : memref<!tpu.dma_semaphore, #tpu.memory_space<semaphore_mem>>
      %dma_start3A_21 = arith.constant 0 : i32
      %dma_start3A_22 = tpu.memref_slice %arg4[%add3A_15, %dma_start3A_21] : memref<5120x768xf32, #tpu.memory_space<hbm>> -> memref<80x768xf32, #tpu.memory_space<hbm>>
      %dma_start3A_23 = arith.constant 0 : i32
      %dma_start3A_24 = tpu.memref_slice %arg4[%add3A_15, %dma_start3A_23] : memref<5120x768xf32, #tpu.memory_space<hbm>> -> memref<80x768xf32, #tpu.memory_space<hbm>>
      tpu.enqueue_dma source(%arg7 : memref<80x768xf32, #tpu.memory_space<vmem>>) target(%dma_start3A_24 : memref<80x768xf32, #tpu.memory_space<hbm>>) target_semaphore(%run_scoped3A : memref<!tpu.dma_semaphore, #tpu.memory_space<semaphore_mem>>)
      %dma_wait3A_25 = arith.constant 0 : i32
      %dma_wait3A_26 = tpu.memref_slice %arg4[%add3A_15, %dma_wait3A_25] : memref<5120x768xf32, #tpu.memory_space<hbm>> -> memref<80x768xf32, #tpu.memory_space<hbm>>
      %dma_wait3A_27 = arith.constant 0 : i32
      %dma_wait3A_28 = tpu.memref_slice %arg4[%add3A_15, %dma_wait3A_27] : memref<5120x768xf32, #tpu.memory_space<hbm>> -> memref<80x768xf32, #tpu.memory_space<hbm>>
      tpu.wait_dma2 semaphore(%run_scoped3A : memref<!tpu.dma_semaphore, #tpu.memory_space<semaphore_mem>>) src(%arg7 : memref<80x768xf32, #tpu.memory_space<vmem>>) dst(%dma_wait3A_28 : memref<80x768xf32, #tpu.memory_space<hbm>>)
      tpu.yield
    }) : () -> ()
    %dma_wait3A_16 = arith.constant 0 : i32
    %dma_wait3A_17 = arith.constant 0 : i32
    %dma_wait3A_18 = tpu.memref_slice %arg2[%dma_wait3A_16, %dma_wait3A_17] : memref<2056x768xf32, #tpu.memory_space<hbm>> -> memref<2056x768xf32, #tpu.memory_space<hbm>>
    tpu.wait_indirect_dma semaphore(%arg10 : memref<!tpu.dma_semaphore, #tpu.memory_space<semaphore_mem>>) src(%dma_wait3A_18 : memref<2056x768xf32, #tpu.memory_space<hbm>>) dst(%arg8 : memref<80x768xf32, #tpu.memory_space<vmem>>)
    %add3A_19 = arith.constant 80 : i32
    %add3A_20 = arith.addi %mul3A_2, %add3A_19 : i32
    "tpu.region"() ({
      %run_scoped3A = tpu.sem_alloc : memref<!tpu.dma_semaphore, #tpu.memory_space<semaphore_mem>>
      %dma_start3A_21 = arith.constant 0 : i32
      %dma_start3A_22 = tpu.memref_slice %arg4[%add3A_20, %dma_start3A_21] : memref<5120x768xf32, #tpu.memory_space<hbm>> -> memref<80x768xf32, #tpu.memory_space<hbm>>
      %dma_start3A_23 = arith.constant 0 : i32
      %dma_start3A_24 = tpu.memref_slice %arg4[%add3A_20, %dma_start3A_23] : memref<5120x768xf32, #tpu.memory_space<hbm>> -> memref<80x768xf32, #tpu.memory_space<hbm>>
      tpu.enqueue_dma source(%arg8 : memref<80x768xf32, #tpu.memory_space<vmem>>) target(%dma_start3A_24 : memref<80x768xf32, #tpu.memory_space<hbm>>) target_semaphore(%run_scoped3A : memref<!tpu.dma_semaphore, #tpu.memory_space<semaphore_mem>>)
      %dma_wait3A_25 = arith.constant 0 : i32
      %dma_wait3A_26 = tpu.memref_slice %arg4[%add3A_20, %dma_wait3A_25] : memref<5120x768xf32, #tpu.memory_space<hbm>> -> memref<80x768xf32, #tpu.memory_space<hbm>>
      %dma_wait3A_27 = arith.constant 0 : i32
      %dma_wait3A_28 = tpu.memref_slice %arg4[%add3A_20, %dma_wait3A_27] : memref<5120x768xf32, #tpu.memory_space<hbm>> -> memref<80x768xf32, #tpu.memory_space<hbm>>
      tpu.wait_dma2 semaphore(%run_scoped3A : memref<!tpu.dma_semaphore, #tpu.memory_space<semaphore_mem>>) src(%arg8 : memref<80x768xf32, #tpu.memory_space<vmem>>) dst(%dma_wait3A_28 : memref<80x768xf32, #tpu.memory_space<hbm>>)
      tpu.yield
    }) : () -> ()
    return
  }
}

#map = affine_map<(d0, d1) -> (0, 0)>
#map1 = affine_map<(d0, d1) -> (0)>
module attributes {stable_mosaic.version = 14 : i64} {
  func.func @k(%arg0: i32, %arg1: i32, %arg2: memref<5184x768xf32, #tpu.memory_space<hbm>>, %arg3: memref<4096xi32, #tpu.memory_space<hbm>>, %arg4: memref<4096x768xf32, #tpu.memory_space<hbm>>, %arg5: memref<128xi32, #tpu.memory_space<vmem>>, %arg6: memref<128x768xf32, #tpu.memory_space<vmem>>, %arg7: memref<!tpu.dma_semaphore, #tpu.memory_space<semaphore_mem>>) attributes {dimension_semantics = [#tpu.dimension_semantics<core_parallel>, #tpu.dimension_semantics<subcore_parallel>], iteration_bounds = array<i64: 2, 16>, scalar_prefetch = 0 : i64, scratch_operands = 3 : i64, tpu.core_type = #tpu.core_type<sc_vector_subcore>, window_params = [{transform_indices = #map}, {transform_indices = #map1}, {transform_indices = #map}]} {
    %mul3A = arith.constant 2 : i32
    %mul3A_0 = arith.muli %arg1, %mul3A : i32
    %add3A = arith.addi %mul3A_0, %arg0 : i32
    %mul3A_1 = arith.constant 128 : i32
    %mul3A_2 = arith.muli %add3A, %mul3A_1 : i32
    %add3A_3 = arith.constant 0 : i32
    %add3A_4 = arith.addi %mul3A_2, %add3A_3 : i32
    "tpu.region"() ({
      %run_scoped3A = tpu.sem_alloc : memref<!tpu.dma_semaphore, #tpu.memory_space<semaphore_mem>>
      %dma_start3A_11 = tpu.memref_slice %arg3[%add3A_4] : memref<4096xi32, #tpu.memory_space<hbm>> -> memref<128xi32, #tpu.memory_space<hbm>>
      %dma_start3A_12 = tpu.memref_slice %arg3[%add3A_4] : memref<4096xi32, #tpu.memory_space<hbm>> -> memref<128xi32, #tpu.memory_space<hbm>>
      tpu.enqueue_dma source(%dma_start3A_12 : memref<128xi32, #tpu.memory_space<hbm>>) target(%arg5 : memref<128xi32, #tpu.memory_space<vmem>>) target_semaphore(%run_scoped3A : memref<!tpu.dma_semaphore, #tpu.memory_space<semaphore_mem>>)
      %dma_wait3A_13 = tpu.memref_slice %arg3[%add3A_4] : memref<4096xi32, #tpu.memory_space<hbm>> -> memref<128xi32, #tpu.memory_space<hbm>>
      %dma_wait3A_14 = tpu.memref_slice %arg3[%add3A_4] : memref<4096xi32, #tpu.memory_space<hbm>> -> memref<128xi32, #tpu.memory_space<hbm>>
      tpu.wait_dma2 semaphore(%run_scoped3A : memref<!tpu.dma_semaphore, #tpu.memory_space<semaphore_mem>>) src(%dma_wait3A_14 : memref<128xi32, #tpu.memory_space<hbm>>) dst(%arg5 : memref<128xi32, #tpu.memory_space<vmem>>)
      tpu.yield
    }) : () -> ()
    %dma_start3A = arith.constant 0 : i32
    %dma_start3A_5 = arith.constant 0 : i32
    %dma_start3A_6 = tpu.memref_slice %arg2[%dma_start3A, %dma_start3A_5] : memref<5184x768xf32, #tpu.memory_space<hbm>> -> memref<5184x768xf32, #tpu.memory_space<hbm>>
    tpu.enqueue_indirect_dma source(%dma_start3A_6 : memref<5184x768xf32, #tpu.memory_space<hbm>>) target(%arg6 : memref<128x768xf32, #tpu.memory_space<vmem>>) offsets(%arg5 : memref<128xi32, #tpu.memory_space<vmem>>) semaphore(%arg7 : memref<!tpu.dma_semaphore, #tpu.memory_space<semaphore_mem>>)
    %dma_wait3A = arith.constant 0 : i32
    %dma_wait3A_7 = arith.constant 0 : i32
    %dma_wait3A_8 = tpu.memref_slice %arg2[%dma_wait3A, %dma_wait3A_7] : memref<5184x768xf32, #tpu.memory_space<hbm>> -> memref<5184x768xf32, #tpu.memory_space<hbm>>
    tpu.wait_indirect_dma semaphore(%arg7 : memref<!tpu.dma_semaphore, #tpu.memory_space<semaphore_mem>>) src(%dma_wait3A_8 : memref<5184x768xf32, #tpu.memory_space<hbm>>) dst(%arg6 : memref<128x768xf32, #tpu.memory_space<vmem>>)
    %add3A_9 = arith.constant 0 : i32
    %add3A_10 = arith.addi %mul3A_2, %add3A_9 : i32
    "tpu.region"() ({
      %run_scoped3A = tpu.sem_alloc : memref<!tpu.dma_semaphore, #tpu.memory_space<semaphore_mem>>
      %dma_start3A_11 = arith.constant 0 : i32
      %dma_start3A_12 = tpu.memref_slice %arg4[%add3A_10, %dma_start3A_11] : memref<4096x768xf32, #tpu.memory_space<hbm>> -> memref<128x768xf32, #tpu.memory_space<hbm>>
      %dma_start3A_13 = arith.constant 0 : i32
      %dma_start3A_14 = tpu.memref_slice %arg4[%add3A_10, %dma_start3A_13] : memref<4096x768xf32, #tpu.memory_space<hbm>> -> memref<128x768xf32, #tpu.memory_space<hbm>>
      tpu.enqueue_dma source(%arg6 : memref<128x768xf32, #tpu.memory_space<vmem>>) target(%dma_start3A_14 : memref<128x768xf32, #tpu.memory_space<hbm>>) target_semaphore(%run_scoped3A : memref<!tpu.dma_semaphore, #tpu.memory_space<semaphore_mem>>)
      %dma_wait3A_15 = arith.constant 0 : i32
      %dma_wait3A_16 = tpu.memref_slice %arg4[%add3A_10, %dma_wait3A_15] : memref<4096x768xf32, #tpu.memory_space<hbm>> -> memref<128x768xf32, #tpu.memory_space<hbm>>
      %dma_wait3A_17 = arith.constant 0 : i32
      %dma_wait3A_18 = tpu.memref_slice %arg4[%add3A_10, %dma_wait3A_17] : memref<4096x768xf32, #tpu.memory_space<hbm>> -> memref<128x768xf32, #tpu.memory_space<hbm>>
      tpu.wait_dma2 semaphore(%run_scoped3A : memref<!tpu.dma_semaphore, #tpu.memory_space<semaphore_mem>>) src(%arg6 : memref<128x768xf32, #tpu.memory_space<vmem>>) dst(%dma_wait3A_18 : memref<128x768xf32, #tpu.memory_space<hbm>>)
      tpu.yield
    }) : () -> ()
    return
  }
}

#map = affine_map<(d0, d1) -> (0, 0)>
#map1 = affine_map<(d0, d1) -> (0)>
module attributes {stable_mosaic.version = 14 : i64} {
  func.func @k(%arg0: i32, %arg1: i32, %arg2: memref<32000x768xf32, #tpu.memory_space<hbm>>, %arg3: memref<2048xi32, #tpu.memory_space<hbm>>, %arg4: memref<2048x768xf32, #tpu.memory_space<hbm>>, %arg5: memref<64xi32, #tpu.memory_space<vmem>>, %arg6: memref<64x768xf32, #tpu.memory_space<vmem>>, %arg7: memref<!tpu.dma_semaphore, #tpu.memory_space<semaphore_mem>>) attributes {dimension_semantics = [#tpu.dimension_semantics<core_parallel>, #tpu.dimension_semantics<subcore_parallel>], iteration_bounds = array<i64: 2, 16>, scalar_prefetch = 0 : i64, scratch_operands = 3 : i64, tpu.core_type = #tpu.core_type<sc_vector_subcore>, window_params = [{transform_indices = #map}, {transform_indices = #map1}, {transform_indices = #map}]} {
    %mul3A = arith.constant 2 : i32
    %mul3A_0 = arith.muli %arg1, %mul3A : i32
    %add3A = arith.addi %mul3A_0, %arg0 : i32
    %mul3A_1 = arith.constant 64 : i32
    %mul3A_2 = arith.muli %add3A, %mul3A_1 : i32
    %add3A_3 = arith.constant 0 : i32
    %add3A_4 = arith.addi %mul3A_2, %add3A_3 : i32
    "tpu.region"() ({
      %run_scoped3A = tpu.sem_alloc : memref<!tpu.dma_semaphore, #tpu.memory_space<semaphore_mem>>
      %dma_start3A_11 = tpu.memref_slice %arg3[%add3A_4] : memref<2048xi32, #tpu.memory_space<hbm>> -> memref<64xi32, #tpu.memory_space<hbm>>
      %dma_start3A_12 = tpu.memref_slice %arg3[%add3A_4] : memref<2048xi32, #tpu.memory_space<hbm>> -> memref<64xi32, #tpu.memory_space<hbm>>
      tpu.enqueue_dma source(%dma_start3A_12 : memref<64xi32, #tpu.memory_space<hbm>>) target(%arg5 : memref<64xi32, #tpu.memory_space<vmem>>) target_semaphore(%run_scoped3A : memref<!tpu.dma_semaphore, #tpu.memory_space<semaphore_mem>>)
      %dma_wait3A_13 = tpu.memref_slice %arg3[%add3A_4] : memref<2048xi32, #tpu.memory_space<hbm>> -> memref<64xi32, #tpu.memory_space<hbm>>
      %dma_wait3A_14 = tpu.memref_slice %arg3[%add3A_4] : memref<2048xi32, #tpu.memory_space<hbm>> -> memref<64xi32, #tpu.memory_space<hbm>>
      tpu.wait_dma2 semaphore(%run_scoped3A : memref<!tpu.dma_semaphore, #tpu.memory_space<semaphore_mem>>) src(%dma_wait3A_14 : memref<64xi32, #tpu.memory_space<hbm>>) dst(%arg5 : memref<64xi32, #tpu.memory_space<vmem>>)
      tpu.yield
    }) : () -> ()
    %dma_start3A = arith.constant 0 : i32
    %dma_start3A_5 = arith.constant 0 : i32
    %dma_start3A_6 = tpu.memref_slice %arg2[%dma_start3A, %dma_start3A_5] : memref<32000x768xf32, #tpu.memory_space<hbm>> -> memref<32000x768xf32, #tpu.memory_space<hbm>>
    tpu.enqueue_indirect_dma source(%dma_start3A_6 : memref<32000x768xf32, #tpu.memory_space<hbm>>) target(%arg6 : memref<64x768xf32, #tpu.memory_space<vmem>>) offsets(%arg5 : memref<64xi32, #tpu.memory_space<vmem>>) semaphore(%arg7 : memref<!tpu.dma_semaphore, #tpu.memory_space<semaphore_mem>>)
    %dma_wait3A = arith.constant 0 : i32
    %dma_wait3A_7 = arith.constant 0 : i32
    %dma_wait3A_8 = tpu.memref_slice %arg2[%dma_wait3A, %dma_wait3A_7] : memref<32000x768xf32, #tpu.memory_space<hbm>> -> memref<32000x768xf32, #tpu.memory_space<hbm>>
    tpu.wait_indirect_dma semaphore(%arg7 : memref<!tpu.dma_semaphore, #tpu.memory_space<semaphore_mem>>) src(%dma_wait3A_8 : memref<32000x768xf32, #tpu.memory_space<hbm>>) dst(%arg6 : memref<64x768xf32, #tpu.memory_space<vmem>>)
    %add3A_9 = arith.constant 0 : i32
    %add3A_10 = arith.addi %mul3A_2, %add3A_9 : i32
    "tpu.region"() ({
      %run_scoped3A = tpu.sem_alloc : memref<!tpu.dma_semaphore, #tpu.memory_space<semaphore_mem>>
      %dma_start3A_11 = arith.constant 0 : i32
      %dma_start3A_12 = tpu.memref_slice %arg4[%add3A_10, %dma_start3A_11] : memref<2048x768xf32, #tpu.memory_space<hbm>> -> memref<64x768xf32, #tpu.memory_space<hbm>>
      %dma_start3A_13 = arith.constant 0 : i32
      %dma_start3A_14 = tpu.memref_slice %arg4[%add3A_10, %dma_start3A_13] : memref<2048x768xf32, #tpu.memory_space<hbm>> -> memref<64x768xf32, #tpu.memory_space<hbm>>
      tpu.enqueue_dma source(%arg6 : memref<64x768xf32, #tpu.memory_space<vmem>>) target(%dma_start3A_14 : memref<64x768xf32, #tpu.memory_space<hbm>>) target_semaphore(%run_scoped3A : memref<!tpu.dma_semaphore, #tpu.memory_space<semaphore_mem>>)
      %dma_wait3A_15 = arith.constant 0 : i32
      %dma_wait3A_16 = tpu.memref_slice %arg4[%add3A_10, %dma_wait3A_15] : memref<2048x768xf32, #tpu.memory_space<hbm>> -> memref<64x768xf32, #tpu.memory_space<hbm>>
      %dma_wait3A_17 = arith.constant 0 : i32
      %dma_wait3A_18 = tpu.memref_slice %arg4[%add3A_10, %dma_wait3A_17] : memref<2048x768xf32, #tpu.memory_space<hbm>> -> memref<64x768xf32, #tpu.memory_space<hbm>>
      tpu.wait_dma2 semaphore(%run_scoped3A : memref<!tpu.dma_semaphore, #tpu.memory_space<semaphore_mem>>) src(%arg6 : memref<64x768xf32, #tpu.memory_space<vmem>>) dst(%dma_wait3A_18 : memref<64x768xf32, #tpu.memory_space<hbm>>)
      tpu.yield
    }) : () -> ()
    return
  }
}

module attributes {stable_mosaic.version = 14 : i64} {
  func.func @_ssm_body(%arg0: i32, %arg1: memref<256x768xf32, #tpu.memory_space<vmem>>, %arg2: memref<768x3072xf32, #tpu.memory_space<vmem>>, %arg3: memref<1x3072xf32, #tpu.memory_space<vmem>>, %arg4: memref<4x1536xf32, #tpu.memory_space<vmem>>, %arg5: memref<1x1536xf32, #tpu.memory_space<vmem>>, %arg6: memref<1536x1536xf32, #tpu.memory_space<vmem>>, %arg7: memref<1x1536xf32, #tpu.memory_space<vmem>>, %arg8: memref<1536x16xf32, #tpu.memory_space<vmem>>, %arg9: memref<1x16xf32, #tpu.memory_space<vmem>>, %arg10: memref<1536x16xf32, #tpu.memory_space<vmem>>, %arg11: memref<1x16xf32, #tpu.memory_space<vmem>>, %arg12: memref<16x1536xf32, #tpu.memory_space<vmem>>, %arg13: memref<1x1536xf32, #tpu.memory_space<vmem>>, %arg14: memref<1536x768xf32, #tpu.memory_space<vmem>>, %arg15: memref<1x768xf32, #tpu.memory_space<vmem>>, %arg16: memref<1x768xf32, #tpu.memory_space<vmem>>, %arg17: memref<1x768xf32, #tpu.memory_space<vmem>>, %arg18: memref<256x768xf32, #tpu.memory_space<vmem>>, %arg19: memref<16x1536xf32, #tpu.memory_space<vmem>>, %arg20: memref<8x1536xf32, #tpu.memory_space<vmem>>, %arg21: memref<256x1536xf32, #tpu.memory_space<vmem>>, %arg22: memref<256x1536xf32, #tpu.memory_space<vmem>>, %arg23: memref<256x1536xf32, #tpu.memory_space<vmem>>, %arg24: memref<16x16x1536xf32, #tpu.memory_space<vmem>>, %arg25: memref<256x1536xf32, #tpu.memory_space<vmem>>, %arg26: memref<256x16xf32, #tpu.memory_space<vmem>>, %arg27: memref<256x16xf32, #tpu.memory_space<vmem>>) attributes {dimension_semantics = [#tpu.dimension_semantics<arbitrary>], iteration_bounds = array<i64: 8>, scalar_prefetch = 0 : i64, scratch_operands = 9 : i64, tpu.core_type = #tpu.core_type<tc>, window_params = [{transform_indices = @transform_0, window_bounds = array<i64: 256, 768>}, {pipeline_mode = #tpu.pipeline_mode<synchronous>, transform_indices = @transform_1, window_bounds = array<i64: 768, 3072>}, {pipeline_mode = #tpu.pipeline_mode<synchronous>, transform_indices = @transform_2, window_bounds = array<i64: 1, 3072>}, {pipeline_mode = #tpu.pipeline_mode<synchronous>, transform_indices = @transform_3, window_bounds = array<i64: 4, 1536>}, {pipeline_mode = #tpu.pipeline_mode<synchronous>, transform_indices = @transform_4, window_bounds = array<i64: 1, 1536>}, {pipeline_mode = #tpu.pipeline_mode<synchronous>, transform_indices = @transform_5, window_bounds = array<i64: 1536, 1536>}, {pipeline_mode = #tpu.pipeline_mode<synchronous>, transform_indices = @transform_6, window_bounds = array<i64: 1, 1536>}, {pipeline_mode = #tpu.pipeline_mode<synchronous>, transform_indices = @transform_7, window_bounds = array<i64: 1536, 16>}, {pipeline_mode = #tpu.pipeline_mode<synchronous>, transform_indices = @transform_8, window_bounds = array<i64: 1, 16>}, {pipeline_mode = #tpu.pipeline_mode<synchronous>, transform_indices = @transform_9, window_bounds = array<i64: 1536, 16>}, {pipeline_mode = #tpu.pipeline_mode<synchronous>, transform_indices = @transform_10, window_bounds = array<i64: 1, 16>}, {pipeline_mode = #tpu.pipeline_mode<synchronous>, transform_indices = @transform_11, window_bounds = array<i64: 16, 1536>}, {pipeline_mode = #tpu.pipeline_mode<synchronous>, transform_indices = @transform_12, window_bounds = array<i64: 1, 1536>}, {pipeline_mode = #tpu.pipeline_mode<synchronous>, transform_indices = @transform_13, window_bounds = array<i64: 1536, 768>}, {pipeline_mode = #tpu.pipeline_mode<synchronous>, transform_indices = @transform_14, window_bounds = array<i64: 1, 768>}, {pipeline_mode = #tpu.pipeline_mode<synchronous>, transform_indices = @transform_15, window_bounds = array<i64: 1, 768>}, {pipeline_mode = #tpu.pipeline_mode<synchronous>, transform_indices = @transform_16, window_bounds = array<i64: 1, 768>}, {transform_indices = @transform_17, window_bounds = array<i64: 256, 768>}]} {
    %eq3A = arith.constant 0 : i32
    %eq3A_0 = arith.cmpi eq, %arg0, %eq3A : i32
    %convert_element_type3A = arith.extui %eq3A_0 : i1 to i32
    %cond3A = arith.constant 0 : i32
    %cond3A_1 = arith.cmpi ne, %convert_element_type3A, %cond3A : i32
    scf.if %cond3A_1 {
      %broadcast_in_dim3A_189 = arith.constant 0.000000e+00 : f32
      %broadcast_in_dim3A_190 = vector.broadcast %broadcast_in_dim3A_189 : f32 to vector<16x1536xf32>
      %swap3A_191 = arith.constant 0 : index
      %swap3A_192 = arith.constant 0 : index
      %swap3A_193 = vector.load %arg19[%swap3A_191, %swap3A_192] : memref<16x1536xf32, #tpu.memory_space<vmem>>, vector<16x1536xf32>
      tpu.vector_store %arg19[%swap3A_191, %swap3A_192], %broadcast_in_dim3A_190 {strides = array<i32>} : memref<16x1536xf32, #tpu.memory_space<vmem>>, vector<16x1536xf32>,
      %broadcast_in_dim3A_194 = arith.constant 0.000000e+00 : f32
      %broadcast_in_dim3A_195 = vector.broadcast %broadcast_in_dim3A_194 : f32 to vector<8x1536xf32>
      %swap3A_196 = arith.constant 0 : index
      %swap3A_197 = arith.constant 0 : index
      %swap3A_198 = vector.load %arg20[%swap3A_196, %swap3A_197] : memref<8x1536xf32, #tpu.memory_space<vmem>>, vector<8x1536xf32>
      tpu.vector_store %arg20[%swap3A_196, %swap3A_197], %broadcast_in_dim3A_195 {strides = array<i32>} : memref<8x1536xf32, #tpu.memory_space<vmem>>, vector<8x1536xf32>,
    } else {
    }
    %get3A = arith.constant 0 : index
    %get3A_2 = arith.constant 0 : index
    %get3A_3 = vector.load %arg1[%get3A, %get3A_2] : memref<256x768xf32, #tpu.memory_space<vmem>>, vector<256x768xf32>
    %get3A_4 = arith.constant 0 : index
    %get3A_5 = arith.constant 0 : index
    %get3A_6 = vector.load %arg16[%get3A_4, %get3A_5] : memref<1x768xf32, #tpu.memory_space<vmem>>, vector<1x768xf32>
    %get3A_7 = arith.constant 0 : index
    %get3A_8 = arith.constant 0 : index
    %get3A_9 = vector.load %arg17[%get3A_7, %get3A_8] : memref<1x768xf32, #tpu.memory_space<vmem>>, vector<1x768xf32>
    %reduce_sum3A = arith.constant dense<0.000000e+00> : vector<256xf32>
    %reduce_sum3A_10 = vector.multi_reduction <add>, %get3A_3, %reduce_sum3A [1] : vector<256x768xf32> to vector<256xf32>
    %broadcast_in_dim3A = vector.shape_cast %reduce_sum3A_10 : vector<256xf32> to vector<256x1xf32>
    %div3A = arith.constant 7.680000e+02 : f32
    %div3A_11 = vector.broadcast %div3A : f32 to vector<256x1xf32>
    %div3A_12 = arith.divf %broadcast_in_dim3A, %div3A_11 : vector<256x1xf32>
    %sub3A = vector.broadcast %div3A_12 : vector<256x1xf32> to vector<256x768xf32>
    %sub3A_13 = arith.subf %get3A_3, %sub3A : vector<256x768xf32>
    %integer_pow3A = arith.mulf %sub3A_13, %sub3A_13 : vector<256x768xf32>
    %reduce_sum3A_14 = arith.constant dense<0.000000e+00> : vector<256xf32>
    %reduce_sum3A_15 = vector.multi_reduction <add>, %integer_pow3A, %reduce_sum3A_14 [1] : vector<256x768xf32> to vector<256xf32>
    %broadcast_in_dim3A_16 = vector.shape_cast %reduce_sum3A_15 : vector<256xf32> to vector<256x1xf32>
    %div3A_17 = arith.constant 7.680000e+02 : f32
    %div3A_18 = vector.broadcast %div3A_17 : f32 to vector<256x1xf32>
    %div3A_19 = arith.divf %broadcast_in_dim3A_16, %div3A_18 : vector<256x1xf32>
    %sub3A_20 = vector.broadcast %div3A_12 : vector<256x1xf32> to vector<256x768xf32>
    %sub3A_21 = arith.subf %get3A_3, %sub3A_20 : vector<256x768xf32>
    %add3A = arith.constant 9.99999974E-6 : f32
    %add3A_22 = vector.broadcast %add3A : f32 to vector<256x1xf32>
    %add3A_23 = arith.addf %div3A_19, %add3A_22 : vector<256x1xf32>
    %rsqrt3A = math.rsqrt %add3A_23 : vector<256x1xf32>
    %mul3A = vector.broadcast %rsqrt3A : vector<256x1xf32> to vector<256x768xf32>
    %mul3A_24 = arith.mulf %sub3A_21, %mul3A : vector<256x768xf32>
    %mul3A_25 = vector.broadcast %get3A_6 : vector<1x768xf32> to vector<256x768xf32>
    %mul3A_26 = arith.mulf %mul3A_24, %mul3A_25 : vector<256x768xf32>
    %add3A_27 = vector.broadcast %get3A_9 : vector<1x768xf32> to vector<256x768xf32>
    %add3A_28 = arith.addf %mul3A_26, %add3A_27 : vector<256x768xf32>
    %get3A_29 = arith.constant 0 : index
    %get3A_30 = arith.constant 0 : index
    %get3A_31 = vector.load %arg2[%get3A_29, %get3A_30] : memref<768x3072xf32, #tpu.memory_space<vmem>>, vector<768x3072xf32>
    %dot_general3A = arith.constant dense<0.000000e+00> : vector<256x3072xf32>
    %dot_general3A_32 = tpu.matmul %add3A_28, %get3A_31, %dot_general3A {dimension_numbers = #tpu.dot_dimension_numbers<[1], [0], [0], [1], [0, 0, 1, 1], [], []>, transpose_lhs_hint = false} : vector<256x768xf32>, vector<768x3072xf32>, vector<256x3072xf32> -> vector<256x3072xf32>
    %get3A_33 = arith.constant 0 : index
    %get3A_34 = arith.constant 0 : index
    %get3A_35 = vector.load %arg3[%get3A_33, %get3A_34] : memref<1x3072xf32, #tpu.memory_space<vmem>>, vector<1x3072xf32>
    %add3A_36 = vector.broadcast %get3A_35 : vector<1x3072xf32> to vector<256x3072xf32>
    %add3A_37 = arith.addf %dot_general3A_32, %add3A_36 : vector<256x3072xf32>
    %slice3A = vector.extract_strided_slice %add3A_37 {offsets = [0, 0], sizes = [256, 1536], strides = [1, 1]} : vector<256x3072xf32> to vector<256x1536xf32>
    %slice3A_38 = vector.extract_strided_slice %add3A_37 {offsets = [0, 1536], sizes = [256, 1536], strides = [1, 1]} : vector<256x3072xf32> to vector<256x1536xf32>
    %get3A_39 = arith.constant 5 : index
    %get3A_40 = arith.constant 0 : index
    %get3A_41 = vector.load %arg20[%get3A_39, %get3A_40] : memref<8x1536xf32, #tpu.memory_space<vmem>>, vector<3x1536xf32>
    %concatenate3A = tpu.concatenate %get3A_41, %slice3A in 0 : vector<3x1536xf32>, vector<256x1536xf32> -> vector<259x1536xf32>
    %get3A_42 = arith.constant 0 : index
    %get3A_43 = arith.constant 0 : index
    %get3A_44 = vector.load %arg5[%get3A_42, %get3A_43] : memref<1x1536xf32, #tpu.memory_space<vmem>>, vector<1x1536xf32>
    %slice3A_45 = vector.extract_strided_slice %concatenate3A {offsets = [0, 0], sizes = [256, 1536], strides = [1, 1]} : vector<259x1536xf32> to vector<256x1536xf32>
    %get3A_46 = arith.constant 0 : index
    %get3A_47 = arith.constant 0 : index
    %get3A_48 = vector.load %arg4[%get3A_46, %get3A_47] : memref<4x1536xf32, #tpu.memory_space<vmem>>, vector<1x1536xf32>
    %mul3A_49 = vector.broadcast %get3A_48 : vector<1x1536xf32> to vector<256x1536xf32>
    %mul3A_50 = arith.mulf %slice3A_45, %mul3A_49 : vector<256x1536xf32>
    %add3A_51 = vector.broadcast %get3A_44 : vector<1x1536xf32> to vector<256x1536xf32>
    %add3A_52 = arith.addf %add3A_51, %mul3A_50 : vector<256x1536xf32>
    %slice3A_53 = vector.extract_strided_slice %concatenate3A {offsets = [1, 0], sizes = [256, 1536], strides = [1, 1]} : vector<259x1536xf32> to vector<256x1536xf32>
    %get3A_54 = arith.constant 1 : index
    %get3A_55 = arith.constant 0 : index
    %get3A_56 = vector.load %arg4[%get3A_54, %get3A_55] : memref<4x1536xf32, #tpu.memory_space<vmem>>, vector<1x1536xf32>
    %mul3A_57 = vector.broadcast %get3A_56 : vector<1x1536xf32> to vector<256x1536xf32>
    %mul3A_58 = arith.mulf %slice3A_53, %mul3A_57 : vector<256x1536xf32>
    %add3A_59 = arith.addf %add3A_52, %mul3A_58 : vector<256x1536xf32>
    %slice3A_60 = vector.extract_strided_slice %concatenate3A {offsets = [2, 0], sizes = [256, 1536], strides = [1, 1]} : vector<259x1536xf32> to vector<256x1536xf32>
    %get3A_61 = arith.constant 2 : index
    %get3A_62 = arith.constant 0 : index
    %get3A_63 = vector.load %arg4[%get3A_61, %get3A_62] : memref<4x1536xf32, #tpu.memory_space<vmem>>, vector<1x1536xf32>
    %mul3A_64 = vector.broadcast %get3A_63 : vector<1x1536xf32> to vector<256x1536xf32>
    %mul3A_65 = arith.mulf %slice3A_60, %mul3A_64 : vector<256x1536xf32>
    %add3A_66 = arith.addf %add3A_59, %mul3A_65 : vector<256x1536xf32>
    %slice3A_67 = vector.extract_strided_slice %concatenate3A {offsets = [3, 0], sizes = [256, 1536], strides = [1, 1]} : vector<259x1536xf32> to vector<256x1536xf32>
    %get3A_68 = arith.constant 3 : index
    %get3A_69 = arith.constant 0 : index
    %get3A_70 = vector.load %arg4[%get3A_68, %get3A_69] : memref<4x1536xf32, #tpu.memory_space<vmem>>, vector<1x1536xf32>
    %mul3A_71 = vector.broadcast %get3A_70 : vector<1x1536xf32> to vector<256x1536xf32>
    %mul3A_72 = arith.mulf %slice3A_67, %mul3A_71 : vector<256x1536xf32>
    %add3A_73 = arith.addf %add3A_66, %mul3A_72 : vector<256x1536xf32>
    %logistic3A = arith.negf %add3A_73 : vector<256x1536xf32>
    %logistic3A_74 = math.exp %logistic3A : vector<256x1536xf32>
    %logistic3A_75 = arith.constant 1.000000e+00 : f32
    %logistic3A_76 = vector.broadcast %logistic3A_75 : f32 to vector<256x1536xf32>
    %logistic3A_77 = arith.addf %logistic3A_76, %logistic3A_74 : vector<256x1536xf32>
    %logistic3A_78 = arith.divf %logistic3A_76, %logistic3A_77 : vector<256x1536xf32>
    %mul3A_79 = arith.mulf %add3A_73, %logistic3A_78 : vector<256x1536xf32>
    %slice3A_80 = vector.extract_strided_slice %slice3A {offsets = [253, 0], sizes = [3, 1536], strides = [1, 1]} : vector<256x1536xf32> to vector<3x1536xf32>
    %swap3A = arith.constant 5 : index
    %swap3A_81 = arith.constant 0 : index
    %swap3A_82 = vector.load %arg20[%swap3A, %swap3A_81] : memref<8x1536xf32, #tpu.memory_space<vmem>>, vector<3x1536xf32>
    tpu.vector_store %arg20[%swap3A, %swap3A_81], %slice3A_80 {strides = array<i32>} : memref<8x1536xf32, #tpu.memory_space<vmem>>, vector<3x1536xf32>,
    %get3A_83 = arith.constant 0 : index
    %get3A_84 = arith.constant 0 : index
    %get3A_85 = vector.load %arg6[%get3A_83, %get3A_84] : memref<1536x1536xf32, #tpu.memory_space<vmem>>, vector<1536x1536xf32>
    %dot_general3A_86 = arith.constant dense<0.000000e+00> : vector<256x1536xf32>
    %dot_general3A_87 = tpu.matmul %mul3A_79, %get3A_85, %dot_general3A_86 {dimension_numbers = #tpu.dot_dimension_numbers<[1], [0], [0], [1], [0, 0, 1, 1], [], []>, transpose_lhs_hint = false} : vector<256x1536xf32>, vector<1536x1536xf32>, vector<256x1536xf32> -> vector<256x1536xf32>
    %get3A_88 = arith.constant 0 : index
    %get3A_89 = arith.constant 0 : index
    %get3A_90 = vector.load %arg7[%get3A_88, %get3A_89] : memref<1x1536xf32, #tpu.memory_space<vmem>>, vector<1x1536xf32>
    %add3A_91 = vector.broadcast %get3A_90 : vector<1x1536xf32> to vector<256x1536xf32>
    %add3A_92 = arith.addf %dot_general3A_87, %add3A_91 : vector<256x1536xf32>
    %max3A = arith.constant 0.000000e+00 : f32
    %max3A_93 = vector.broadcast %max3A : f32 to vector<256x1536xf32>
    %max3A_94 = arith.maximumf %add3A_92, %max3A_93 : vector<256x1536xf32>
    %abs3A = math.absf %add3A_92 : vector<256x1536xf32>
    %neg3A = arith.constant 0.000000e+00 : f32
    %neg3A_95 = vector.broadcast %neg3A : f32 to vector<256x1536xf32>
    %neg3A_96 = arith.subf %neg3A_95, %abs3A : vector<256x1536xf32>
    %exp3A = math.exp %neg3A_96 : vector<256x1536xf32>
    %log1p3A = math.log1p %exp3A : vector<256x1536xf32>
    %add3A_97 = arith.addf %max3A_94, %log1p3A : vector<256x1536xf32>
    %get3A_98 = arith.constant 0 : index
    %get3A_99 = arith.constant 0 : index
    %get3A_100 = vector.load %arg8[%get3A_98, %get3A_99] : memref<1536x16xf32, #tpu.memory_space<vmem>>, vector<1536x16xf32>
    %dot_general3A_101 = arith.constant dense<0.000000e+00> : vector<256x16xf32>
    %dot_general3A_102 = tpu.matmul %mul3A_79, %get3A_100, %dot_general3A_101 {dimension_numbers = #tpu.dot_dimension_numbers<[1], [0], [0], [1], [0, 0, 1, 1], [], []>, transpose_lhs_hint = false} : vector<256x1536xf32>, vector<1536x16xf32>, vector<256x16xf32> -> vector<256x16xf32>
    %get3A_103 = arith.constant 0 : index
    %get3A_104 = arith.constant 0 : index
    %get3A_105 = vector.load %arg9[%get3A_103, %get3A_104] : memref<1x16xf32, #tpu.memory_space<vmem>>, vector<1x16xf32>
    %add3A_106 = vector.broadcast %get3A_105 : vector<1x16xf32> to vector<256x16xf32>
    %add3A_107 = arith.addf %dot_general3A_102, %add3A_106 : vector<256x16xf32>
    %get3A_108 = arith.constant 0 : index
    %get3A_109 = arith.constant 0 : index
    %get3A_110 = vector.load %arg10[%get3A_108, %get3A_109] : memref<1536x16xf32, #tpu.memory_space<vmem>>, vector<1536x16xf32>
    %dot_general3A_111 = arith.constant dense<0.000000e+00> : vector<256x16xf32>
    %dot_general3A_112 = tpu.matmul %mul3A_79, %get3A_110, %dot_general3A_111 {dimension_numbers = #tpu.dot_dimension_numbers<[1], [0], [0], [1], [0, 0, 1, 1], [], []>, transpose_lhs_hint = false} : vector<256x1536xf32>, vector<1536x16xf32>, vector<256x16xf32> -> vector<256x16xf32>
    %get3A_113 = arith.constant 0 : index
    %get3A_114 = arith.constant 0 : index
    %get3A_115 = vector.load %arg11[%get3A_113, %get3A_114] : memref<1x16xf32, #tpu.memory_space<vmem>>, vector<1x16xf32>
    %add3A_116 = vector.broadcast %get3A_115 : vector<1x16xf32> to vector<256x16xf32>
    %add3A_117 = arith.addf %dot_general3A_112, %add3A_116 : vector<256x16xf32>
    %swap3A_118 = arith.constant 0 : index
    %swap3A_119 = arith.constant 0 : index
    %swap3A_120 = vector.load %arg21[%swap3A_118, %swap3A_119] : memref<256x1536xf32, #tpu.memory_space<vmem>>, vector<256x1536xf32>
    tpu.vector_store %arg21[%swap3A_118, %swap3A_119], %mul3A_79 {strides = array<i32>} : memref<256x1536xf32, #tpu.memory_space<vmem>>, vector<256x1536xf32>,
    %mul3A_121 = arith.mulf %add3A_97, %mul3A_79 : vector<256x1536xf32>
    %swap3A_122 = arith.constant 0 : index
    %swap3A_123 = arith.constant 0 : index
    %swap3A_124 = vector.load %arg22[%swap3A_122, %swap3A_123] : memref<256x1536xf32, #tpu.memory_space<vmem>>, vector<256x1536xf32>
    tpu.vector_store %arg22[%swap3A_122, %swap3A_123], %mul3A_121 {strides = array<i32>} : memref<256x1536xf32, #tpu.memory_space<vmem>>, vector<256x1536xf32>,
    %swap3A_125 = arith.constant 0 : index
    %swap3A_126 = arith.constant 0 : index
    %swap3A_127 = vector.load %arg25[%swap3A_125, %swap3A_126] : memref<256x1536xf32, #tpu.memory_space<vmem>>, vector<256x1536xf32>
    tpu.vector_store %arg25[%swap3A_125, %swap3A_126], %add3A_97 {strides = array<i32>} : memref<256x1536xf32, #tpu.memory_space<vmem>>, vector<256x1536xf32>,
    %swap3A_128 = arith.constant 0 : index
    %swap3A_129 = arith.constant 0 : index
    %swap3A_130 = vector.load %arg26[%swap3A_128, %swap3A_129] : memref<256x16xf32, #tpu.memory_space<vmem>>, vector<256x16xf32>
    tpu.vector_store %arg26[%swap3A_128, %swap3A_129], %add3A_107 {strides = array<i32>} : memref<256x16xf32, #tpu.memory_space<vmem>>, vector<256x16xf32>,
    %swap3A_131 = arith.constant 0 : index
    %swap3A_132 = arith.constant 0 : index
    %swap3A_133 = vector.load %arg27[%swap3A_131, %swap3A_132] : memref<256x16xf32, #tpu.memory_space<vmem>>, vector<256x16xf32>
    tpu.vector_store %arg27[%swap3A_131, %swap3A_132], %add3A_117 {strides = array<i32>} : memref<256x16xf32, #tpu.memory_space<vmem>>, vector<256x16xf32>,
    %get3A_134 = arith.constant 0 : index
    %get3A_135 = arith.constant 0 : index
    %get3A_136 = vector.load %arg12[%get3A_134, %get3A_135] : memref<16x1536xf32, #tpu.memory_space<vmem>>, vector<16x1536xf32>
    %iota3A = tpu.iota {dimensions = array<i32: 0>} : vector<16x16xi32>
    %iota3A_137 = tpu.iota {dimensions = array<i32: 1>} : vector<16x16xi32>
    %add3A_138 = arith.constant 0 : i32
    %add3A_139 = vector.broadcast %add3A_138 : i32 to vector<16x16xi32>
    %add3A_140 = arith.addi %iota3A, %add3A_139 : vector<16x16xi32>
    %eq3A_141 = arith.cmpi eq, %add3A_140, %iota3A_137 : vector<16x16xi32>
    %convert_element_type3A_142 = arith.extui %eq3A_141 : vector<16x16xi1> to vector<16x16xi32>
    %convert_element_type3A_143 = arith.sitofp %convert_element_type3A_142 : vector<16x16xi32> to vector<16x16xf32>
    %get3A_144 = arith.constant 0 : index
    %get3A_145 = arith.constant 0 : index
    %get3A_146 = vector.load %arg19[%get3A_144, %get3A_145] : memref<16x1536xf32, #tpu.memory_space<vmem>>, vector<16x1536xf32>
    %scan3A = arith.constant 0 : i32
    %scan3A_147 = arith.constant 16 : i32
    %scan3A_148 = arith.addi %scan3A, %scan3A_147 : i32
    %scan3A_149 = arith.constant 1 : i32
    %scan3A_150 = scf.for %scan3A_189 = %scan3A to %scan3A_148 step %scan3A_149 iter_args(%scan3A_190 = %get3A_146) -> (vector<16x1536xf32>)  : i32 {
      %mul3A_191 = arith.constant 16 : i32
      %mul3A_192 = arith.muli %scan3A_189, %mul3A_191 : i32
      %get3A_193 = arith.index_cast %mul3A_192 : i32 to index
      %get3A_194 = arith.constant 0 : index
      %get3A_195 = vector.load %arg25[%get3A_193, %get3A_194] : memref<256x1536xf32, #tpu.memory_space<vmem>>, vector<16x1536xf32>
      %get3A_196 = arith.index_cast %mul3A_192 : i32 to index
      %get3A_197 = arith.constant 0 : index
      %get3A_198 = vector.load %arg26[%get3A_196, %get3A_197] : memref<256x16xf32, #tpu.memory_space<vmem>>, vector<16x16xf32>
      %get3A_199 = arith.index_cast %mul3A_192 : i32 to index
      %get3A_200 = arith.constant 0 : index
      %get3A_201 = vector.load %arg27[%get3A_199, %get3A_200] : memref<256x16xf32, #tpu.memory_space<vmem>>, vector<16x16xf32>
      %dot_general3A_202 = arith.constant dense<0.000000e+00> : vector<16x16xf32>
      %dot_general3A_203 = tpu.matmul %get3A_198, %convert_element_type3A_143, %dot_general3A_202 {dimension_numbers = #tpu.dot_dimension_numbers<[0], [0], [1], [1], [0, 1, 1, 1], [], []>, transpose_lhs_hint = false} : vector<16x16xf32>, vector<16x16xf32>, vector<16x16xf32> -> vector<16x16xf32>
      %dot_general3A_204 = arith.constant dense<0.000000e+00> : vector<16x16xf32>
      %dot_general3A_205 = tpu.matmul %get3A_201, %convert_element_type3A_143, %dot_general3A_204 {dimension_numbers = #tpu.dot_dimension_numbers<[0], [0], [1], [1], [0, 1, 1, 1], [], []>, transpose_lhs_hint = false} : vector<16x16xf32>, vector<16x16xf32>, vector<16x16xf32> -> vector<16x16xf32>
      %broadcast_in_dim3A_206 = vector.shape_cast %get3A_195 : vector<16x1536xf32> to vector<16x1x1536xf32>
      %broadcast_in_dim3A_207 = vector.shape_cast %get3A_136 : vector<16x1536xf32> to vector<1x16x1536xf32>
      %mul3A_208 = vector.broadcast %broadcast_in_dim3A_206 : vector<16x1x1536xf32> to vector<16x16x1536xf32>
      %mul3A_209 = vector.broadcast %broadcast_in_dim3A_207 : vector<1x16x1536xf32> to vector<16x16x1536xf32>
      %mul3A_210 = arith.mulf %mul3A_208, %mul3A_209 : vector<16x16x1536xf32>
      %exp3A_211 = math.exp %mul3A_210 : vector<16x16x1536xf32>
      %swap3A_212 = arith.constant 0 : index
      %swap3A_213 = arith.constant 0 : index
      %swap3A_214 = arith.constant 0 : index
      %swap3A_215 = vector.load %arg24[%swap3A_212, %swap3A_213, %swap3A_214] : memref<16x16x1536xf32, #tpu.memory_space<vmem>>, vector<16x16x1536xf32>
      tpu.vector_store %arg24[%swap3A_212, %swap3A_213, %swap3A_214], %exp3A_211 {strides = array<i32>} : memref<16x16x1536xf32, #tpu.memory_space<vmem>>, vector<16x16x1536xf32>,
      %get3A_216 = arith.index_cast %mul3A_192 : i32 to index
      %get3A_217 = arith.constant 0 : index
      %get3A_218 = vector.load %arg22[%get3A_216, %get3A_217] : memref<256x1536xf32, #tpu.memory_space<vmem>>, vector<16x1536xf32>
      %get3A_219 = arith.constant 0 : index
      %get3A_220 = arith.constant 0 : index
      %get3A_221 = arith.constant 0 : index
      %get3A_222 = vector.load %arg24[%get3A_219, %get3A_220, %get3A_221] : memref<16x16x1536xf32, #tpu.memory_space<vmem>>, vector<1x16x1536xf32>
      %get3A_223 = vector.shape_cast %get3A_222 : vector<1x16x1536xf32> to vector<16x1536xf32>
      %mul3A_224 = arith.mulf %get3A_223, %scan3A_190 : vector<16x1536xf32>
      %slice3A_225 = vector.extract_strided_slice %dot_general3A_203 {offsets = [0, 0], sizes = [16, 1], strides = [1, 1]} : vector<16x16xf32> to vector<16x1xf32>
      %slice3A_226 = vector.extract_strided_slice %get3A_218 {offsets = [0, 0], sizes = [1, 1536], strides = [1, 1]} : vector<16x1536xf32> to vector<1x1536xf32>
      %mul3A_227 = vector.broadcast %slice3A_225 : vector<16x1xf32> to vector<16x1536xf32>
      %mul3A_228 = vector.broadcast %slice3A_226 : vector<1x1536xf32> to vector<16x1536xf32>
      %mul3A_229 = arith.mulf %mul3A_227, %mul3A_228 : vector<16x1536xf32>
      %add3A_230 = arith.addf %mul3A_224, %mul3A_229 : vector<16x1536xf32>
      %slice3A_231 = vector.extract_strided_slice %dot_general3A_205 {offsets = [0, 0], sizes = [16, 1], strides = [1, 1]} : vector<16x16xf32> to vector<16x1xf32>
      %mul3A_232 = vector.broadcast %slice3A_231 : vector<16x1xf32> to vector<16x1536xf32>
      %mul3A_233 = arith.mulf %add3A_230, %mul3A_232 : vector<16x1536xf32>
      %reduce_sum3A_234 = arith.constant dense<0.000000e+00> : vector<1536xf32>
      %reduce_sum3A_235 = vector.multi_reduction <add>, %mul3A_233, %reduce_sum3A_234 [0] : vector<16x1536xf32> to vector<1536xf32>
      %broadcast_in_dim3A_236 = vector.shape_cast %reduce_sum3A_235 : vector<1536xf32> to vector<1x1536xf32>
      %add3A_237 = arith.constant 0 : i32
      %add3A_238 = arith.addi %mul3A_192, %add3A_237 : i32
      %swap3A_239 = arith.index_cast %add3A_238 : i32 to index
      %swap3A_240 = arith.constant 0 : index
      %swap3A_241 = vector.load %arg23[%swap3A_239, %swap3A_240] : memref<256x1536xf32, #tpu.memory_space<vmem>>, vector<1x1536xf32>
      tpu.vector_store %arg23[%swap3A_239, %swap3A_240], %broadcast_in_dim3A_236 {strides = array<i32>} : memref<256x1536xf32, #tpu.memory_space<vmem>>, vector<1x1536xf32>,
      %get3A_242 = arith.constant 1 : index
      %get3A_243 = arith.constant 0 : index
      %get3A_244 = arith.constant 0 : index
      %get3A_245 = vector.load %arg24[%get3A_242, %get3A_243, %get3A_244] : memref<16x16x1536xf32, #tpu.memory_space<vmem>>, vector<1x16x1536xf32>
      %get3A_246 = vector.shape_cast %get3A_245 : vector<1x16x1536xf32> to vector<16x1536xf32>
      %mul3A_247 = arith.mulf %get3A_246, %add3A_230 : vector<16x1536xf32>
      %slice3A_248 = vector.extract_strided_slice %dot_general3A_203 {offsets = [0, 1], sizes = [16, 1], strides = [1, 1]} : vector<16x16xf32> to vector<16x1xf32>
      %slice3A_249 = vector.extract_strided_slice %get3A_218 {offsets = [1, 0], sizes = [1, 1536], strides = [1, 1]} : vector<16x1536xf32> to vector<1x1536xf32>
      %mul3A_250 = vector.broadcast %slice3A_248 : vector<16x1xf32> to vector<16x1536xf32>
      %mul3A_251 = vector.broadcast %slice3A_249 : vector<1x1536xf32> to vector<16x1536xf32>
      %mul3A_252 = arith.mulf %mul3A_250, %mul3A_251 : vector<16x1536xf32>
      %add3A_253 = arith.addf %mul3A_247, %mul3A_252 : vector<16x1536xf32>
      %slice3A_254 = vector.extract_strided_slice %dot_general3A_205 {offsets = [0, 1], sizes = [16, 1], strides = [1, 1]} : vector<16x16xf32> to vector<16x1xf32>
      %mul3A_255 = vector.broadcast %slice3A_254 : vector<16x1xf32> to vector<16x1536xf32>
      %mul3A_256 = arith.mulf %add3A_253, %mul3A_255 : vector<16x1536xf32>
      %reduce_sum3A_257 = arith.constant dense<0.000000e+00> : vector<1536xf32>
      %reduce_sum3A_258 = vector.multi_reduction <add>, %mul3A_256, %reduce_sum3A_257 [0] : vector<16x1536xf32> to vector<1536xf32>
      %broadcast_in_dim3A_259 = vector.shape_cast %reduce_sum3A_258 : vector<1536xf32> to vector<1x1536xf32>
      %add3A_260 = arith.constant 1 : i32
      %add3A_261 = arith.addi %mul3A_192, %add3A_260 : i32
      %swap3A_262 = arith.index_cast %add3A_261 : i32 to index
      %swap3A_263 = arith.constant 0 : index
      %swap3A_264 = vector.load %arg23[%swap3A_262, %swap3A_263] : memref<256x1536xf32, #tpu.memory_space<vmem>>, vector<1x1536xf32>
      tpu.vector_store %arg23[%swap3A_262, %swap3A_263], %broadcast_in_dim3A_259 {strides = array<i32>} : memref<256x1536xf32, #tpu.memory_space<vmem>>, vector<1x1536xf32>,
      %get3A_265 = arith.constant 2 : index
      %get3A_266 = arith.constant 0 : index
      %get3A_267 = arith.constant 0 : index
      %get3A_268 = vector.load %arg24[%get3A_265, %get3A_266, %get3A_267] : memref<16x16x1536xf32, #tpu.memory_space<vmem>>, vector<1x16x1536xf32>
      %get3A_269 = vector.shape_cast %get3A_268 : vector<1x16x1536xf32> to vector<16x1536xf32>
      %mul3A_270 = arith.mulf %get3A_269, %add3A_253 : vector<16x1536xf32>
      %slice3A_271 = vector.extract_strided_slice %dot_general3A_203 {offsets = [0, 2], sizes = [16, 1], strides = [1, 1]} : vector<16x16xf32> to vector<16x1xf32>
      %slice3A_272 = vector.extract_strided_slice %get3A_218 {offsets = [2, 0], sizes = [1, 1536], strides = [1, 1]} : vector<16x1536xf32> to vector<1x1536xf32>
      %mul3A_273 = vector.broadcast %slice3A_271 : vector<16x1xf32> to vector<16x1536xf32>
      %mul3A_274 = vector.broadcast %slice3A_272 : vector<1x1536xf32> to vector<16x1536xf32>
      %mul3A_275 = arith.mulf %mul3A_273, %mul3A_274 : vector<16x1536xf32>
      %add3A_276 = arith.addf %mul3A_270, %mul3A_275 : vector<16x1536xf32>
      %slice3A_277 = vector.extract_strided_slice %dot_general3A_205 {offsets = [0, 2], sizes = [16, 1], strides = [1, 1]} : vector<16x16xf32> to vector<16x1xf32>
      %mul3A_278 = vector.broadcast %slice3A_277 : vector<16x1xf32> to vector<16x1536xf32>
      %mul3A_279 = arith.mulf %add3A_276, %mul3A_278 : vector<16x1536xf32>
      %reduce_sum3A_280 = arith.constant dense<0.000000e+00> : vector<1536xf32>
      %reduce_sum3A_281 = vector.multi_reduction <add>, %mul3A_279, %reduce_sum3A_280 [0] : vector<16x1536xf32> to vector<1536xf32>
      %broadcast_in_dim3A_282 = vector.shape_cast %reduce_sum3A_281 : vector<1536xf32> to vector<1x1536xf32>
      %add3A_283 = arith.constant 2 : i32
      %add3A_284 = arith.addi %mul3A_192, %add3A_283 : i32
      %swap3A_285 = arith.index_cast %add3A_284 : i32 to index
      %swap3A_286 = arith.constant 0 : index
      %swap3A_287 = vector.load %arg23[%swap3A_285, %swap3A_286] : memref<256x1536xf32, #tpu.memory_space<vmem>>, vector<1x1536xf32>
      tpu.vector_store %arg23[%swap3A_285, %swap3A_286], %broadcast_in_dim3A_282 {strides = array<i32>} : memref<256x1536xf32, #tpu.memory_space<vmem>>, vector<1x1536xf32>,
      %get3A_288 = arith.constant 3 : index
      %get3A_289 = arith.constant 0 : index
      %get3A_290 = arith.constant 0 : index
      %get3A_291 = vector.load %arg24[%get3A_288, %get3A_289, %get3A_290] : memref<16x16x1536xf32, #tpu.memory_space<vmem>>, vector<1x16x1536xf32>
      %get3A_292 = vector.shape_cast %get3A_291 : vector<1x16x1536xf32> to vector<16x1536xf32>
      %mul3A_293 = arith.mulf %get3A_292, %add3A_276 : vector<16x1536xf32>
      %slice3A_294 = vector.extract_strided_slice %dot_general3A_203 {offsets = [0, 3], sizes = [16, 1], strides = [1, 1]} : vector<16x16xf32> to vector<16x1xf32>
      %slice3A_295 = vector.extract_strided_slice %get3A_218 {offsets = [3, 0], sizes = [1, 1536], strides = [1, 1]} : vector<16x1536xf32> to vector<1x1536xf32>
      %mul3A_296 = vector.broadcast %slice3A_294 : vector<16x1xf32> to vector<16x1536xf32>
      %mul3A_297 = vector.broadcast %slice3A_295 : vector<1x1536xf32> to vector<16x1536xf32>
      %mul3A_298 = arith.mulf %mul3A_296, %mul3A_297 : vector<16x1536xf32>
      %add3A_299 = arith.addf %mul3A_293, %mul3A_298 : vector<16x1536xf32>
      %slice3A_300 = vector.extract_strided_slice %dot_general3A_205 {offsets = [0, 3], sizes = [16, 1], strides = [1, 1]} : vector<16x16xf32> to vector<16x1xf32>
      %mul3A_301 = vector.broadcast %slice3A_300 : vector<16x1xf32> to vector<16x1536xf32>
      %mul3A_302 = arith.mulf %add3A_299, %mul3A_301 : vector<16x1536xf32>
      %reduce_sum3A_303 = arith.constant dense<0.000000e+00> : vector<1536xf32>
      %reduce_sum3A_304 = vector.multi_reduction <add>, %mul3A_302, %reduce_sum3A_303 [0] : vector<16x1536xf32> to vector<1536xf32>
      %broadcast_in_dim3A_305 = vector.shape_cast %reduce_sum3A_304 : vector<1536xf32> to vector<1x1536xf32>
      %add3A_306 = arith.constant 3 : i32
      %add3A_307 = arith.addi %mul3A_192, %add3A_306 : i32
      %swap3A_308 = arith.index_cast %add3A_307 : i32 to index
      %swap3A_309 = arith.constant 0 : index
      %swap3A_310 = vector.load %arg23[%swap3A_308, %swap3A_309] : memref<256x1536xf32, #tpu.memory_space<vmem>>, vector<1x1536xf32>
      tpu.vector_store %arg23[%swap3A_308, %swap3A_309], %broadcast_in_dim3A_305 {strides = array<i32>} : memref<256x1536xf32, #tpu.memory_space<vmem>>, vector<1x1536xf32>,
      %get3A_311 = arith.constant 4 : index
      %get3A_312 = arith.constant 0 : index
      %get3A_313 = arith.constant 0 : index
      %get3A_314 = vector.load %arg24[%get3A_311, %get3A_312, %get3A_313] : memref<16x16x1536xf32, #tpu.memory_space<vmem>>, vector<1x16x1536xf32>
      %get3A_315 = vector.shape_cast %get3A_314 : vector<1x16x1536xf32> to vector<16x1536xf32>
      %mul3A_316 = arith.mulf %get3A_315, %add3A_299 : vector<16x1536xf32>
      %slice3A_317 = vector.extract_strided_slice %dot_general3A_203 {offsets = [0, 4], sizes = [16, 1], strides = [1, 1]} : vector<16x16xf32> to vector<16x1xf32>
      %slice3A_318 = vector.extract_strided_slice %get3A_218 {offsets = [4, 0], sizes = [1, 1536], strides = [1, 1]} : vector<16x1536xf32> to vector<1x1536xf32>
      %mul3A_319 = vector.broadcast %slice3A_317 : vector<16x1xf32> to vector<16x1536xf32>
      %mul3A_320 = vector.broadcast %slice3A_318 : vector<1x1536xf32> to vector<16x1536xf32>
      %mul3A_321 = arith.mulf %mul3A_319, %mul3A_320 : vector<16x1536xf32>
      %add3A_322 = arith.addf %mul3A_316, %mul3A_321 : vector<16x1536xf32>
      %slice3A_323 = vector.extract_strided_slice %dot_general3A_205 {offsets = [0, 4], sizes = [16, 1], strides = [1, 1]} : vector<16x16xf32> to vector<16x1xf32>
      %mul3A_324 = vector.broadcast %slice3A_323 : vector<16x1xf32> to vector<16x1536xf32>
      %mul3A_325 = arith.mulf %add3A_322, %mul3A_324 : vector<16x1536xf32>
      %reduce_sum3A_326 = arith.constant dense<0.000000e+00> : vector<1536xf32>
      %reduce_sum3A_327 = vector.multi_reduction <add>, %mul3A_325, %reduce_sum3A_326 [0] : vector<16x1536xf32> to vector<1536xf32>
      %broadcast_in_dim3A_328 = vector.shape_cast %reduce_sum3A_327 : vector<1536xf32> to vector<1x1536xf32>
      %add3A_329 = arith.constant 4 : i32
      %add3A_330 = arith.addi %mul3A_192, %add3A_329 : i32
      %swap3A_331 = arith.index_cast %add3A_330 : i32 to index
      %swap3A_332 = arith.constant 0 : index
      %swap3A_333 = vector.load %arg23[%swap3A_331, %swap3A_332] : memref<256x1536xf32, #tpu.memory_space<vmem>>, vector<1x1536xf32>
      tpu.vector_store %arg23[%swap3A_331, %swap3A_332], %broadcast_in_dim3A_328 {strides = array<i32>} : memref<256x1536xf32, #tpu.memory_space<vmem>>, vector<1x1536xf32>,
      %get3A_334 = arith.constant 5 : index
      %get3A_335 = arith.constant 0 : index
      %get3A_336 = arith.constant 0 : index
      %get3A_337 = vector.load %arg24[%get3A_334, %get3A_335, %get3A_336] : memref<16x16x1536xf32, #tpu.memory_space<vmem>>, vector<1x16x1536xf32>
      %get3A_338 = vector.shape_cast %get3A_337 : vector<1x16x1536xf32> to vector<16x1536xf32>
      %mul3A_339 = arith.mulf %get3A_338, %add3A_322 : vector<16x1536xf32>
      %slice3A_340 = vector.extract_strided_slice %dot_general3A_203 {offsets = [0, 5], sizes = [16, 1], strides = [1, 1]} : vector<16x16xf32> to vector<16x1xf32>
      %slice3A_341 = vector.extract_strided_slice %get3A_218 {offsets = [5, 0], sizes = [1, 1536], strides = [1, 1]} : vector<16x1536xf32> to vector<1x1536xf32>
      %mul3A_342 = vector.broadcast %slice3A_340 : vector<16x1xf32> to vector<16x1536xf32>
      %mul3A_343 = vector.broadcast %slice3A_341 : vector<1x1536xf32> to vector<16x1536xf32>
      %mul3A_344 = arith.mulf %mul3A_342, %mul3A_343 : vector<16x1536xf32>
      %add3A_345 = arith.addf %mul3A_339, %mul3A_344 : vector<16x1536xf32>
      %slice3A_346 = vector.extract_strided_slice %dot_general3A_205 {offsets = [0, 5], sizes = [16, 1], strides = [1, 1]} : vector<16x16xf32> to vector<16x1xf32>
      %mul3A_347 = vector.broadcast %slice3A_346 : vector<16x1xf32> to vector<16x1536xf32>
      %mul3A_348 = arith.mulf %add3A_345, %mul3A_347 : vector<16x1536xf32>
      %reduce_sum3A_349 = arith.constant dense<0.000000e+00> : vector<1536xf32>
      %reduce_sum3A_350 = vector.multi_reduction <add>, %mul3A_348, %reduce_sum3A_349 [0] : vector<16x1536xf32> to vector<1536xf32>
      %broadcast_in_dim3A_351 = vector.shape_cast %reduce_sum3A_350 : vector<1536xf32> to vector<1x1536xf32>
      %add3A_352 = arith.constant 5 : i32
      %add3A_353 = arith.addi %mul3A_192, %add3A_352 : i32
      %swap3A_354 = arith.index_cast %add3A_353 : i32 to index
      %swap3A_355 = arith.constant 0 : index
      %swap3A_356 = vector.load %arg23[%swap3A_354, %swap3A_355] : memref<256x1536xf32, #tpu.memory_space<vmem>>, vector<1x1536xf32>
      tpu.vector_store %arg23[%swap3A_354, %swap3A_355], %broadcast_in_dim3A_351 {strides = array<i32>} : memref<256x1536xf32, #tpu.memory_space<vmem>>, vector<1x1536xf32>,
      %get3A_357 = arith.constant 6 : index
      %get3A_358 = arith.constant 0 : index
      %get3A_359 = arith.constant 0 : index
      %get3A_360 = vector.load %arg24[%get3A_357, %get3A_358, %get3A_359] : memref<16x16x1536xf32, #tpu.memory_space<vmem>>, vector<1x16x1536xf32>
      %get3A_361 = vector.shape_cast %get3A_360 : vector<1x16x1536xf32> to vector<16x1536xf32>
      %mul3A_362 = arith.mulf %get3A_361, %add3A_345 : vector<16x1536xf32>
      %slice3A_363 = vector.extract_strided_slice %dot_general3A_203 {offsets = [0, 6], sizes = [16, 1], strides = [1, 1]} : vector<16x16xf32> to vector<16x1xf32>
      %slice3A_364 = vector.extract_strided_slice %get3A_218 {offsets = [6, 0], sizes = [1, 1536], strides = [1, 1]} : vector<16x1536xf32> to vector<1x1536xf32>
      %mul3A_365 = vector.broadcast %slice3A_363 : vector<16x1xf32> to vector<16x1536xf32>
      %mul3A_366 = vector.broadcast %slice3A_364 : vector<1x1536xf32> to vector<16x1536xf32>
      %mul3A_367 = arith.mulf %mul3A_365, %mul3A_366 : vector<16x1536xf32>
      %add3A_368 = arith.addf %mul3A_362, %mul3A_367 : vector<16x1536xf32>
      %slice3A_369 = vector.extract_strided_slice %dot_general3A_205 {offsets = [0, 6], sizes = [16, 1], strides = [1, 1]} : vector<16x16xf32> to vector<16x1xf32>
      %mul3A_370 = vector.broadcast %slice3A_369 : vector<16x1xf32> to vector<16x1536xf32>
      %mul3A_371 = arith.mulf %add3A_368, %mul3A_370 : vector<16x1536xf32>
      %reduce_sum3A_372 = arith.constant dense<0.000000e+00> : vector<1536xf32>
      %reduce_sum3A_373 = vector.multi_reduction <add>, %mul3A_371, %reduce_sum3A_372 [0] : vector<16x1536xf32> to vector<1536xf32>
      %broadcast_in_dim3A_374 = vector.shape_cast %reduce_sum3A_373 : vector<1536xf32> to vector<1x1536xf32>
      %add3A_375 = arith.constant 6 : i32
      %add3A_376 = arith.addi %mul3A_192, %add3A_375 : i32
      %swap3A_377 = arith.index_cast %add3A_376 : i32 to index
      %swap3A_378 = arith.constant 0 : index
      %swap3A_379 = vector.load %arg23[%swap3A_377, %swap3A_378] : memref<256x1536xf32, #tpu.memory_space<vmem>>, vector<1x1536xf32>
      tpu.vector_store %arg23[%swap3A_377, %swap3A_378], %broadcast_in_dim3A_374 {strides = array<i32>} : memref<256x1536xf32, #tpu.memory_space<vmem>>, vector<1x1536xf32>,
      %get3A_380 = arith.constant 7 : index
      %get3A_381 = arith.constant 0 : index
      %get3A_382 = arith.constant 0 : index
      %get3A_383 = vector.load %arg24[%get3A_380, %get3A_381, %get3A_382] : memref<16x16x1536xf32, #tpu.memory_space<vmem>>, vector<1x16x1536xf32>
      %get3A_384 = vector.shape_cast %get3A_383 : vector<1x16x1536xf32> to vector<16x1536xf32>
      %mul3A_385 = arith.mulf %get3A_384, %add3A_368 : vector<16x1536xf32>
      %slice3A_386 = vector.extract_strided_slice %dot_general3A_203 {offsets = [0, 7], sizes = [16, 1], strides = [1, 1]} : vector<16x16xf32> to vector<16x1xf32>
      %slice3A_387 = vector.extract_strided_slice %get3A_218 {offsets = [7, 0], sizes = [1, 1536], strides = [1, 1]} : vector<16x1536xf32> to vector<1x1536xf32>
      %mul3A_388 = vector.broadcast %slice3A_386 : vector<16x1xf32> to vector<16x1536xf32>
      %mul3A_389 = vector.broadcast %slice3A_387 : vector<1x1536xf32> to vector<16x1536xf32>
      %mul3A_390 = arith.mulf %mul3A_388, %mul3A_389 : vector<16x1536xf32>
      %add3A_391 = arith.addf %mul3A_385, %mul3A_390 : vector<16x1536xf32>
      %slice3A_392 = vector.extract_strided_slice %dot_general3A_205 {offsets = [0, 7], sizes = [16, 1], strides = [1, 1]} : vector<16x16xf32> to vector<16x1xf32>
      %mul3A_393 = vector.broadcast %slice3A_392 : vector<16x1xf32> to vector<16x1536xf32>
      %mul3A_394 = arith.mulf %add3A_391, %mul3A_393 : vector<16x1536xf32>
      %reduce_sum3A_395 = arith.constant dense<0.000000e+00> : vector<1536xf32>
      %reduce_sum3A_396 = vector.multi_reduction <add>, %mul3A_394, %reduce_sum3A_395 [0] : vector<16x1536xf32> to vector<1536xf32>
      %broadcast_in_dim3A_397 = vector.shape_cast %reduce_sum3A_396 : vector<1536xf32> to vector<1x1536xf32>
      %add3A_398 = arith.constant 7 : i32
      %add3A_399 = arith.addi %mul3A_192, %add3A_398 : i32
      %swap3A_400 = arith.index_cast %add3A_399 : i32 to index
      %swap3A_401 = arith.constant 0 : index
      %swap3A_402 = vector.load %arg23[%swap3A_400, %swap3A_401] : memref<256x1536xf32, #tpu.memory_space<vmem>>, vector<1x1536xf32>
      tpu.vector_store %arg23[%swap3A_400, %swap3A_401], %broadcast_in_dim3A_397 {strides = array<i32>} : memref<256x1536xf32, #tpu.memory_space<vmem>>, vector<1x1536xf32>,
      %get3A_403 = arith.constant 8 : index
      %get3A_404 = arith.constant 0 : index
      %get3A_405 = arith.constant 0 : index
      %get3A_406 = vector.load %arg24[%get3A_403, %get3A_404, %get3A_405] : memref<16x16x1536xf32, #tpu.memory_space<vmem>>, vector<1x16x1536xf32>
      %get3A_407 = vector.shape_cast %get3A_406 : vector<1x16x1536xf32> to vector<16x1536xf32>
      %mul3A_408 = arith.mulf %get3A_407, %add3A_391 : vector<16x1536xf32>
      %slice3A_409 = vector.extract_strided_slice %dot_general3A_203 {offsets = [0, 8], sizes = [16, 1], strides = [1, 1]} : vector<16x16xf32> to vector<16x1xf32>
      %slice3A_410 = vector.extract_strided_slice %get3A_218 {offsets = [8, 0], sizes = [1, 1536], strides = [1, 1]} : vector<16x1536xf32> to vector<1x1536xf32>
      %mul3A_411 = vector.broadcast %slice3A_409 : vector<16x1xf32> to vector<16x1536xf32>
      %mul3A_412 = vector.broadcast %slice3A_410 : vector<1x1536xf32> to vector<16x1536xf32>
      %mul3A_413 = arith.mulf %mul3A_411, %mul3A_412 : vector<16x1536xf32>
      %add3A_414 = arith.addf %mul3A_408, %mul3A_413 : vector<16x1536xf32>
      %slice3A_415 = vector.extract_strided_slice %dot_general3A_205 {offsets = [0, 8], sizes = [16, 1], strides = [1, 1]} : vector<16x16xf32> to vector<16x1xf32>
      %mul3A_416 = vector.broadcast %slice3A_415 : vector<16x1xf32> to vector<16x1536xf32>
      %mul3A_417 = arith.mulf %add3A_414, %mul3A_416 : vector<16x1536xf32>
      %reduce_sum3A_418 = arith.constant dense<0.000000e+00> : vector<1536xf32>
      %reduce_sum3A_419 = vector.multi_reduction <add>, %mul3A_417, %reduce_sum3A_418 [0] : vector<16x1536xf32> to vector<1536xf32>
      %broadcast_in_dim3A_420 = vector.shape_cast %reduce_sum3A_419 : vector<1536xf32> to vector<1x1536xf32>
      %add3A_421 = arith.constant 8 : i32
      %add3A_422 = arith.addi %mul3A_192, %add3A_421 : i32
      %swap3A_423 = arith.index_cast %add3A_422 : i32 to index
      %swap3A_424 = arith.constant 0 : index
      %swap3A_425 = vector.load %arg23[%swap3A_423, %swap3A_424] : memref<256x1536xf32, #tpu.memory_space<vmem>>, vector<1x1536xf32>
      tpu.vector_store %arg23[%swap3A_423, %swap3A_424], %broadcast_in_dim3A_420 {strides = array<i32>} : memref<256x1536xf32, #tpu.memory_space<vmem>>, vector<1x1536xf32>,
      %get3A_426 = arith.constant 9 : index
      %get3A_427 = arith.constant 0 : index
      %get3A_428 = arith.constant 0 : index
      %get3A_429 = vector.load %arg24[%get3A_426, %get3A_427, %get3A_428] : memref<16x16x1536xf32, #tpu.memory_space<vmem>>, vector<1x16x1536xf32>
      %get3A_430 = vector.shape_cast %get3A_429 : vector<1x16x1536xf32> to vector<16x1536xf32>
      %mul3A_431 = arith.mulf %get3A_430, %add3A_414 : vector<16x1536xf32>
      %slice3A_432 = vector.extract_strided_slice %dot_general3A_203 {offsets = [0, 9], sizes = [16, 1], strides = [1, 1]} : vector<16x16xf32> to vector<16x1xf32>
      %slice3A_433 = vector.extract_strided_slice %get3A_218 {offsets = [9, 0], sizes = [1, 1536], strides = [1, 1]} : vector<16x1536xf32> to vector<1x1536xf32>
      %mul3A_434 = vector.broadcast %slice3A_432 : vector<16x1xf32> to vector<16x1536xf32>
      %mul3A_435 = vector.broadcast %slice3A_433 : vector<1x1536xf32> to vector<16x1536xf32>
      %mul3A_436 = arith.mulf %mul3A_434, %mul3A_435 : vector<16x1536xf32>
      %add3A_437 = arith.addf %mul3A_431, %mul3A_436 : vector<16x1536xf32>
      %slice3A_438 = vector.extract_strided_slice %dot_general3A_205 {offsets = [0, 9], sizes = [16, 1], strides = [1, 1]} : vector<16x16xf32> to vector<16x1xf32>
      %mul3A_439 = vector.broadcast %slice3A_438 : vector<16x1xf32> to vector<16x1536xf32>
      %mul3A_440 = arith.mulf %add3A_437, %mul3A_439 : vector<16x1536xf32>
      %reduce_sum3A_441 = arith.constant dense<0.000000e+00> : vector<1536xf32>
      %reduce_sum3A_442 = vector.multi_reduction <add>, %mul3A_440, %reduce_sum3A_441 [0] : vector<16x1536xf32> to vector<1536xf32>
      %broadcast_in_dim3A_443 = vector.shape_cast %reduce_sum3A_442 : vector<1536xf32> to vector<1x1536xf32>
      %add3A_444 = arith.constant 9 : i32
      %add3A_445 = arith.addi %mul3A_192, %add3A_444 : i32
      %swap3A_446 = arith.index_cast %add3A_445 : i32 to index
      %swap3A_447 = arith.constant 0 : index
      %swap3A_448 = vector.load %arg23[%swap3A_446, %swap3A_447] : memref<256x1536xf32, #tpu.memory_space<vmem>>, vector<1x1536xf32>
      tpu.vector_store %arg23[%swap3A_446, %swap3A_447], %broadcast_in_dim3A_443 {strides = array<i32>} : memref<256x1536xf32, #tpu.memory_space<vmem>>, vector<1x1536xf32>,
      %get3A_449 = arith.constant 10 : index
      %get3A_450 = arith.constant 0 : index
      %get3A_451 = arith.constant 0 : index
      %get3A_452 = vector.load %arg24[%get3A_449, %get3A_450, %get3A_451] : memref<16x16x1536xf32, #tpu.memory_space<vmem>>, vector<1x16x1536xf32>
      %get3A_453 = vector.shape_cast %get3A_452 : vector<1x16x1536xf32> to vector<16x1536xf32>
      %mul3A_454 = arith.mulf %get3A_453, %add3A_437 : vector<16x1536xf32>
      %slice3A_455 = vector.extract_strided_slice %dot_general3A_203 {offsets = [0, 10], sizes = [16, 1], strides = [1, 1]} : vector<16x16xf32> to vector<16x1xf32>
      %slice3A_456 = vector.extract_strided_slice %get3A_218 {offsets = [10, 0], sizes = [1, 1536], strides = [1, 1]} : vector<16x1536xf32> to vector<1x1536xf32>
      %mul3A_457 = vector.broadcast %slice3A_455 : vector<16x1xf32> to vector<16x1536xf32>
      %mul3A_458 = vector.broadcast %slice3A_456 : vector<1x1536xf32> to vector<16x1536xf32>
      %mul3A_459 = arith.mulf %mul3A_457, %mul3A_458 : vector<16x1536xf32>
      %add3A_460 = arith.addf %mul3A_454, %mul3A_459 : vector<16x1536xf32>
      %slice3A_461 = vector.extract_strided_slice %dot_general3A_205 {offsets = [0, 10], sizes = [16, 1], strides = [1, 1]} : vector<16x16xf32> to vector<16x1xf32>
      %mul3A_462 = vector.broadcast %slice3A_461 : vector<16x1xf32> to vector<16x1536xf32>
      %mul3A_463 = arith.mulf %add3A_460, %mul3A_462 : vector<16x1536xf32>
      %reduce_sum3A_464 = arith.constant dense<0.000000e+00> : vector<1536xf32>
      %reduce_sum3A_465 = vector.multi_reduction <add>, %mul3A_463, %reduce_sum3A_464 [0] : vector<16x1536xf32> to vector<1536xf32>
      %broadcast_in_dim3A_466 = vector.shape_cast %reduce_sum3A_465 : vector<1536xf32> to vector<1x1536xf32>
      %add3A_467 = arith.constant 10 : i32
      %add3A_468 = arith.addi %mul3A_192, %add3A_467 : i32
      %swap3A_469 = arith.index_cast %add3A_468 : i32 to index
      %swap3A_470 = arith.constant 0 : index
      %swap3A_471 = vector.load %arg23[%swap3A_469, %swap3A_470] : memref<256x1536xf32, #tpu.memory_space<vmem>>, vector<1x1536xf32>
      tpu.vector_store %arg23[%swap3A_469, %swap3A_470], %broadcast_in_dim3A_466 {strides = array<i32>} : memref<256x1536xf32, #tpu.memory_space<vmem>>, vector<1x1536xf32>,
      %get3A_472 = arith.constant 11 : index
      %get3A_473 = arith.constant 0 : index
      %get3A_474 = arith.constant 0 : index
      %get3A_475 = vector.load %arg24[%get3A_472, %get3A_473, %get3A_474] : memref<16x16x1536xf32, #tpu.memory_space<vmem>>, vector<1x16x1536xf32>
      %get3A_476 = vector.shape_cast %get3A_475 : vector<1x16x1536xf32> to vector<16x1536xf32>
      %mul3A_477 = arith.mulf %get3A_476, %add3A_460 : vector<16x1536xf32>
      %slice3A_478 = vector.extract_strided_slice %dot_general3A_203 {offsets = [0, 11], sizes = [16, 1], strides = [1, 1]} : vector<16x16xf32> to vector<16x1xf32>
      %slice3A_479 = vector.extract_strided_slice %get3A_218 {offsets = [11, 0], sizes = [1, 1536], strides = [1, 1]} : vector<16x1536xf32> to vector<1x1536xf32>
      %mul3A_480 = vector.broadcast %slice3A_478 : vector<16x1xf32> to vector<16x1536xf32>
      %mul3A_481 = vector.broadcast %slice3A_479 : vector<1x1536xf32> to vector<16x1536xf32>
      %mul3A_482 = arith.mulf %mul3A_480, %mul3A_481 : vector<16x1536xf32>
      %add3A_483 = arith.addf %mul3A_477, %mul3A_482 : vector<16x1536xf32>
      %slice3A_484 = vector.extract_strided_slice %dot_general3A_205 {offsets = [0, 11], sizes = [16, 1], strides = [1, 1]} : vector<16x16xf32> to vector<16x1xf32>
      %mul3A_485 = vector.broadcast %slice3A_484 : vector<16x1xf32> to vector<16x1536xf32>
      %mul3A_486 = arith.mulf %add3A_483, %mul3A_485 : vector<16x1536xf32>
      %reduce_sum3A_487 = arith.constant dense<0.000000e+00> : vector<1536xf32>
      %reduce_sum3A_488 = vector.multi_reduction <add>, %mul3A_486, %reduce_sum3A_487 [0] : vector<16x1536xf32> to vector<1536xf32>
      %broadcast_in_dim3A_489 = vector.shape_cast %reduce_sum3A_488 : vector<1536xf32> to vector<1x1536xf32>
      %add3A_490 = arith.constant 11 : i32
      %add3A_491 = arith.addi %mul3A_192, %add3A_490 : i32
      %swap3A_492 = arith.index_cast %add3A_491 : i32 to index
      %swap3A_493 = arith.constant 0 : index
      %swap3A_494 = vector.load %arg23[%swap3A_492, %swap3A_493] : memref<256x1536xf32, #tpu.memory_space<vmem>>, vector<1x1536xf32>
      tpu.vector_store %arg23[%swap3A_492, %swap3A_493], %broadcast_in_dim3A_489 {strides = array<i32>} : memref<256x1536xf32, #tpu.memory_space<vmem>>, vector<1x1536xf32>,
      %get3A_495 = arith.constant 12 : index
      %get3A_496 = arith.constant 0 : index
      %get3A_497 = arith.constant 0 : index
      %get3A_498 = vector.load %arg24[%get3A_495, %get3A_496, %get3A_497] : memref<16x16x1536xf32, #tpu.memory_space<vmem>>, vector<1x16x1536xf32>
      %get3A_499 = vector.shape_cast %get3A_498 : vector<1x16x1536xf32> to vector<16x1536xf32>
      %mul3A_500 = arith.mulf %get3A_499, %add3A_483 : vector<16x1536xf32>
      %slice3A_501 = vector.extract_strided_slice %dot_general3A_203 {offsets = [0, 12], sizes = [16, 1], strides = [1, 1]} : vector<16x16xf32> to vector<16x1xf32>
      %slice3A_502 = vector.extract_strided_slice %get3A_218 {offsets = [12, 0], sizes = [1, 1536], strides = [1, 1]} : vector<16x1536xf32> to vector<1x1536xf32>
      %mul3A_503 = vector.broadcast %slice3A_501 : vector<16x1xf32> to vector<16x1536xf32>
      %mul3A_504 = vector.broadcast %slice3A_502 : vector<1x1536xf32> to vector<16x1536xf32>
      %mul3A_505 = arith.mulf %mul3A_503, %mul3A_504 : vector<16x1536xf32>
      %add3A_506 = arith.addf %mul3A_500, %mul3A_505 : vector<16x1536xf32>
      %slice3A_507 = vector.extract_strided_slice %dot_general3A_205 {offsets = [0, 12], sizes = [16, 1], strides = [1, 1]} : vector<16x16xf32> to vector<16x1xf32>
      %mul3A_508 = vector.broadcast %slice3A_507 : vector<16x1xf32> to vector<16x1536xf32>
      %mul3A_509 = arith.mulf %add3A_506, %mul3A_508 : vector<16x1536xf32>
      %reduce_sum3A_510 = arith.constant dense<0.000000e+00> : vector<1536xf32>
      %reduce_sum3A_511 = vector.multi_reduction <add>, %mul3A_509, %reduce_sum3A_510 [0] : vector<16x1536xf32> to vector<1536xf32>
      %broadcast_in_dim3A_512 = vector.shape_cast %reduce_sum3A_511 : vector<1536xf32> to vector<1x1536xf32>
      %add3A_513 = arith.constant 12 : i32
      %add3A_514 = arith.addi %mul3A_192, %add3A_513 : i32
      %swap3A_515 = arith.index_cast %add3A_514 : i32 to index
      %swap3A_516 = arith.constant 0 : index
      %swap3A_517 = vector.load %arg23[%swap3A_515, %swap3A_516] : memref<256x1536xf32, #tpu.memory_space<vmem>>, vector<1x1536xf32>
      tpu.vector_store %arg23[%swap3A_515, %swap3A_516], %broadcast_in_dim3A_512 {strides = array<i32>} : memref<256x1536xf32, #tpu.memory_space<vmem>>, vector<1x1536xf32>,
      %get3A_518 = arith.constant 13 : index
      %get3A_519 = arith.constant 0 : index
      %get3A_520 = arith.constant 0 : index
      %get3A_521 = vector.load %arg24[%get3A_518, %get3A_519, %get3A_520] : memref<16x16x1536xf32, #tpu.memory_space<vmem>>, vector<1x16x1536xf32>
      %get3A_522 = vector.shape_cast %get3A_521 : vector<1x16x1536xf32> to vector<16x1536xf32>
      %mul3A_523 = arith.mulf %get3A_522, %add3A_506 : vector<16x1536xf32>
      %slice3A_524 = vector.extract_strided_slice %dot_general3A_203 {offsets = [0, 13], sizes = [16, 1], strides = [1, 1]} : vector<16x16xf32> to vector<16x1xf32>
      %slice3A_525 = vector.extract_strided_slice %get3A_218 {offsets = [13, 0], sizes = [1, 1536], strides = [1, 1]} : vector<16x1536xf32> to vector<1x1536xf32>
      %mul3A_526 = vector.broadcast %slice3A_524 : vector<16x1xf32> to vector<16x1536xf32>
      %mul3A_527 = vector.broadcast %slice3A_525 : vector<1x1536xf32> to vector<16x1536xf32>
      %mul3A_528 = arith.mulf %mul3A_526, %mul3A_527 : vector<16x1536xf32>
      %add3A_529 = arith.addf %mul3A_523, %mul3A_528 : vector<16x1536xf32>
      %slice3A_530 = vector.extract_strided_slice %dot_general3A_205 {offsets = [0, 13], sizes = [16, 1], strides = [1, 1]} : vector<16x16xf32> to vector<16x1xf32>
      %mul3A_531 = vector.broadcast %slice3A_530 : vector<16x1xf32> to vector<16x1536xf32>
      %mul3A_532 = arith.mulf %add3A_529, %mul3A_531 : vector<16x1536xf32>
      %reduce_sum3A_533 = arith.constant dense<0.000000e+00> : vector<1536xf32>
      %reduce_sum3A_534 = vector.multi_reduction <add>, %mul3A_532, %reduce_sum3A_533 [0] : vector<16x1536xf32> to vector<1536xf32>
      %broadcast_in_dim3A_535 = vector.shape_cast %reduce_sum3A_534 : vector<1536xf32> to vector<1x1536xf32>
      %add3A_536 = arith.constant 13 : i32
      %add3A_537 = arith.addi %mul3A_192, %add3A_536 : i32
      %swap3A_538 = arith.index_cast %add3A_537 : i32 to index
      %swap3A_539 = arith.constant 0 : index
      %swap3A_540 = vector.load %arg23[%swap3A_538, %swap3A_539] : memref<256x1536xf32, #tpu.memory_space<vmem>>, vector<1x1536xf32>
      tpu.vector_store %arg23[%swap3A_538, %swap3A_539], %broadcast_in_dim3A_535 {strides = array<i32>} : memref<256x1536xf32, #tpu.memory_space<vmem>>, vector<1x1536xf32>,
      %get3A_541 = arith.constant 14 : index
      %get3A_542 = arith.constant 0 : index
      %get3A_543 = arith.constant 0 : index
      %get3A_544 = vector.load %arg24[%get3A_541, %get3A_542, %get3A_543] : memref<16x16x1536xf32, #tpu.memory_space<vmem>>, vector<1x16x1536xf32>
      %get3A_545 = vector.shape_cast %get3A_544 : vector<1x16x1536xf32> to vector<16x1536xf32>
      %mul3A_546 = arith.mulf %get3A_545, %add3A_529 : vector<16x1536xf32>
      %slice3A_547 = vector.extract_strided_slice %dot_general3A_203 {offsets = [0, 14], sizes = [16, 1], strides = [1, 1]} : vector<16x16xf32> to vector<16x1xf32>
      %slice3A_548 = vector.extract_strided_slice %get3A_218 {offsets = [14, 0], sizes = [1, 1536], strides = [1, 1]} : vector<16x1536xf32> to vector<1x1536xf32>
      %mul3A_549 = vector.broadcast %slice3A_547 : vector<16x1xf32> to vector<16x1536xf32>
      %mul3A_550 = vector.broadcast %slice3A_548 : vector<1x1536xf32> to vector<16x1536xf32>
      %mul3A_551 = arith.mulf %mul3A_549, %mul3A_550 : vector<16x1536xf32>
      %add3A_552 = arith.addf %mul3A_546, %mul3A_551 : vector<16x1536xf32>
      %slice3A_553 = vector.extract_strided_slice %dot_general3A_205 {offsets = [0, 14], sizes = [16, 1], strides = [1, 1]} : vector<16x16xf32> to vector<16x1xf32>
      %mul3A_554 = vector.broadcast %slice3A_553 : vector<16x1xf32> to vector<16x1536xf32>
      %mul3A_555 = arith.mulf %add3A_552, %mul3A_554 : vector<16x1536xf32>
      %reduce_sum3A_556 = arith.constant dense<0.000000e+00> : vector<1536xf32>
      %reduce_sum3A_557 = vector.multi_reduction <add>, %mul3A_555, %reduce_sum3A_556 [0] : vector<16x1536xf32> to vector<1536xf32>
      %broadcast_in_dim3A_558 = vector.shape_cast %reduce_sum3A_557 : vector<1536xf32> to vector<1x1536xf32>
      %add3A_559 = arith.constant 14 : i32
      %add3A_560 = arith.addi %mul3A_192, %add3A_559 : i32
      %swap3A_561 = arith.index_cast %add3A_560 : i32 to index
      %swap3A_562 = arith.constant 0 : index
      %swap3A_563 = vector.load %arg23[%swap3A_561, %swap3A_562] : memref<256x1536xf32, #tpu.memory_space<vmem>>, vector<1x1536xf32>
      tpu.vector_store %arg23[%swap3A_561, %swap3A_562], %broadcast_in_dim3A_558 {strides = array<i32>} : memref<256x1536xf32, #tpu.memory_space<vmem>>, vector<1x1536xf32>,
      %get3A_564 = arith.constant 15 : index
      %get3A_565 = arith.constant 0 : index
      %get3A_566 = arith.constant 0 : index
      %get3A_567 = vector.load %arg24[%get3A_564, %get3A_565, %get3A_566] : memref<16x16x1536xf32, #tpu.memory_space<vmem>>, vector<1x16x1536xf32>
      %get3A_568 = vector.shape_cast %get3A_567 : vector<1x16x1536xf32> to vector<16x1536xf32>
      %mul3A_569 = arith.mulf %get3A_568, %add3A_552 : vector<16x1536xf32>
      %slice3A_570 = vector.extract_strided_slice %dot_general3A_203 {offsets = [0, 15], sizes = [16, 1], strides = [1, 1]} : vector<16x16xf32> to vector<16x1xf32>
      %slice3A_571 = vector.extract_strided_slice %get3A_218 {offsets = [15, 0], sizes = [1, 1536], strides = [1, 1]} : vector<16x1536xf32> to vector<1x1536xf32>
      %mul3A_572 = vector.broadcast %slice3A_570 : vector<16x1xf32> to vector<16x1536xf32>
      %mul3A_573 = vector.broadcast %slice3A_571 : vector<1x1536xf32> to vector<16x1536xf32>
      %mul3A_574 = arith.mulf %mul3A_572, %mul3A_573 : vector<16x1536xf32>
      %add3A_575 = arith.addf %mul3A_569, %mul3A_574 : vector<16x1536xf32>
      %slice3A_576 = vector.extract_strided_slice %dot_general3A_205 {offsets = [0, 15], sizes = [16, 1], strides = [1, 1]} : vector<16x16xf32> to vector<16x1xf32>
      %mul3A_577 = vector.broadcast %slice3A_576 : vector<16x1xf32> to vector<16x1536xf32>
      %mul3A_578 = arith.mulf %add3A_575, %mul3A_577 : vector<16x1536xf32>
      %reduce_sum3A_579 = arith.constant dense<0.000000e+00> : vector<1536xf32>
      %reduce_sum3A_580 = vector.multi_reduction <add>, %mul3A_578, %reduce_sum3A_579 [0] : vector<16x1536xf32> to vector<1536xf32>
      %broadcast_in_dim3A_581 = vector.shape_cast %reduce_sum3A_580 : vector<1536xf32> to vector<1x1536xf32>
      %add3A_582 = arith.constant 15 : i32
      %add3A_583 = arith.addi %mul3A_192, %add3A_582 : i32
      %swap3A_584 = arith.index_cast %add3A_583 : i32 to index
      %swap3A_585 = arith.constant 0 : index
      %swap3A_586 = vector.load %arg23[%swap3A_584, %swap3A_585] : memref<256x1536xf32, #tpu.memory_space<vmem>>, vector<1x1536xf32>
      tpu.vector_store %arg23[%swap3A_584, %swap3A_585], %broadcast_in_dim3A_581 {strides = array<i32>} : memref<256x1536xf32, #tpu.memory_space<vmem>>, vector<1x1536xf32>,
      scf.yield %add3A_575 : vector<16x1536xf32>
    }
    %scan3A_151 = arith.constant 16 : i32
    %swap3A_152 = arith.constant 0 : index
    %swap3A_153 = arith.constant 0 : index
    %swap3A_154 = vector.load %arg19[%swap3A_152, %swap3A_153] : memref<16x1536xf32, #tpu.memory_space<vmem>>, vector<16x1536xf32>
    tpu.vector_store %arg19[%swap3A_152, %swap3A_153], %scan3A_150 {strides = array<i32>} : memref<16x1536xf32, #tpu.memory_space<vmem>>, vector<16x1536xf32>,
    %get3A_155 = arith.constant 0 : index
    %get3A_156 = arith.constant 0 : index
    %get3A_157 = vector.load %arg23[%get3A_155, %get3A_156] : memref<256x1536xf32, #tpu.memory_space<vmem>>, vector<256x1536xf32>
    %get3A_158 = arith.constant 0 : index
    %get3A_159 = arith.constant 0 : index
    %get3A_160 = vector.load %arg13[%get3A_158, %get3A_159] : memref<1x1536xf32, #tpu.memory_space<vmem>>, vector<1x1536xf32>
    %get3A_161 = arith.constant 0 : index
    %get3A_162 = arith.constant 0 : index
    %get3A_163 = vector.load %arg21[%get3A_161, %get3A_162] : memref<256x1536xf32, #tpu.memory_space<vmem>>, vector<256x1536xf32>
    %mul3A_164 = vector.broadcast %get3A_160 : vector<1x1536xf32> to vector<256x1536xf32>
    %mul3A_165 = arith.mulf %mul3A_164, %get3A_163 : vector<256x1536xf32>
    %add3A_166 = arith.addf %get3A_157, %mul3A_165 : vector<256x1536xf32>
    %logistic3A_167 = arith.negf %slice3A_38 : vector<256x1536xf32>
    %logistic3A_168 = math.exp %logistic3A_167 : vector<256x1536xf32>
    %logistic3A_169 = arith.constant 1.000000e+00 : f32
    %logistic3A_170 = vector.broadcast %logistic3A_169 : f32 to vector<256x1536xf32>
    %logistic3A_171 = arith.addf %logistic3A_170, %logistic3A_168 : vector<256x1536xf32>
    %logistic3A_172 = arith.divf %logistic3A_170, %logistic3A_171 : vector<256x1536xf32>
    %mul3A_173 = arith.mulf %slice3A_38, %logistic3A_172 : vector<256x1536xf32>
    %mul3A_174 = arith.mulf %add3A_166, %mul3A_173 : vector<256x1536xf32>
    %get3A_175 = arith.constant 0 : index
    %get3A_176 = arith.constant 0 : index
    %get3A_177 = vector.load %arg14[%get3A_175, %get3A_176] : memref<1536x768xf32, #tpu.memory_space<vmem>>, vector<1536x768xf32>
    %dot_general3A_178 = arith.constant dense<0.000000e+00> : vector<256x768xf32>
    %dot_general3A_179 = tpu.matmul %mul3A_174, %get3A_177, %dot_general3A_178 {dimension_numbers = #tpu.dot_dimension_numbers<[1], [0], [0], [1], [0, 0, 1, 1], [], []>, transpose_lhs_hint = false} : vector<256x1536xf32>, vector<1536x768xf32>, vector<256x768xf32> -> vector<256x768xf32>
    %get3A_180 = arith.constant 0 : index
    %get3A_181 = arith.constant 0 : index
    %get3A_182 = vector.load %arg15[%get3A_180, %get3A_181] : memref<1x768xf32, #tpu.memory_space<vmem>>, vector<1x768xf32>
    %add3A_183 = vector.broadcast %get3A_182 : vector<1x768xf32> to vector<256x768xf32>
    %add3A_184 = arith.addf %dot_general3A_179, %add3A_183 : vector<256x768xf32>
    %add3A_185 = arith.addf %get3A_3, %add3A_184 : vector<256x768xf32>
    %swap3A_186 = arith.constant 0 : index
    %swap3A_187 = arith.constant 0 : index
    %swap3A_188 = vector.load %arg18[%swap3A_186, %swap3A_187] : memref<256x768xf32, #tpu.memory_space<vmem>>, vector<256x768xf32>
    tpu.vector_store %arg18[%swap3A_186, %swap3A_187], %add3A_185 {strides = array<i32>} : memref<256x768xf32, #tpu.memory_space<vmem>>, vector<256x768xf32>,
    return
  }
  func.func @transform_0(%arg0: i32) -> (i32, i32) {
    %c0_i32 = arith.constant 0 : i32
    %c0_i32_0 = arith.constant 0 : i32
    return %arg0, %c0_i32 : i32, i32
  }
  func.func @transform_1(%arg0: i32) -> (i32, i32) {
    %c0_i32 = arith.constant 0 : i32
    %c0_i32_0 = arith.constant 0 : i32
    %c0_i32_1 = arith.constant 0 : i32
    return %c0_i32, %c0_i32_0 : i32, i32
  }
  func.func @transform_2(%arg0: i32) -> (i32, i32) {
    %c0_i32 = arith.constant 0 : i32
    %c0_i32_0 = arith.constant 0 : i32
    %c0_i32_1 = arith.constant 0 : i32
    return %c0_i32, %c0_i32_0 : i32, i32
  }
  func.func @transform_3(%arg0: i32) -> (i32, i32) {
    %c0_i32 = arith.constant 0 : i32
    %c0_i32_0 = arith.constant 0 : i32
    %c0_i32_1 = arith.constant 0 : i32
    return %c0_i32, %c0_i32_0 : i32, i32
  }
  func.func @transform_4(%arg0: i32) -> (i32, i32) {
    %c0_i32 = arith.constant 0 : i32
    %c0_i32_0 = arith.constant 0 : i32
    %c0_i32_1 = arith.constant 0 : i32
    return %c0_i32, %c0_i32_0 : i32, i32
  }
  func.func @transform_5(%arg0: i32) -> (i32, i32) {
    %c0_i32 = arith.constant 0 : i32
    %c0_i32_0 = arith.constant 0 : i32
    %c0_i32_1 = arith.constant 0 : i32
    return %c0_i32, %c0_i32_0 : i32, i32
  }
  func.func @transform_6(%arg0: i32) -> (i32, i32) {
    %c0_i32 = arith.constant 0 : i32
    %c0_i32_0 = arith.constant 0 : i32
    %c0_i32_1 = arith.constant 0 : i32
    return %c0_i32, %c0_i32_0 : i32, i32
  }
  func.func @transform_7(%arg0: i32) -> (i32, i32) {
    %c0_i32 = arith.constant 0 : i32
    %c0_i32_0 = arith.constant 0 : i32
    %c0_i32_1 = arith.constant 0 : i32
    return %c0_i32, %c0_i32_0 : i32, i32
  }
  func.func @transform_8(%arg0: i32) -> (i32, i32) {
    %c0_i32 = arith.constant 0 : i32
    %c0_i32_0 = arith.constant 0 : i32
    %c0_i32_1 = arith.constant 0 : i32
    return %c0_i32, %c0_i32_0 : i32, i32
  }
  func.func @transform_9(%arg0: i32) -> (i32, i32) {
    %c0_i32 = arith.constant 0 : i32
    %c0_i32_0 = arith.constant 0 : i32
    %c0_i32_1 = arith.constant 0 : i32
    return %c0_i32, %c0_i32_0 : i32, i32
  }
  func.func @transform_10(%arg0: i32) -> (i32, i32) {
    %c0_i32 = arith.constant 0 : i32
    %c0_i32_0 = arith.constant 0 : i32
    %c0_i32_1 = arith.constant 0 : i32
    return %c0_i32, %c0_i32_0 : i32, i32
  }
  func.func @transform_11(%arg0: i32) -> (i32, i32) {
    %c0_i32 = arith.constant 0 : i32
    %c0_i32_0 = arith.constant 0 : i32
    %c0_i32_1 = arith.constant 0 : i32
    return %c0_i32, %c0_i32_0 : i32, i32
  }
  func.func @transform_12(%arg0: i32) -> (i32, i32) {
    %c0_i32 = arith.constant 0 : i32
    %c0_i32_0 = arith.constant 0 : i32
    %c0_i32_1 = arith.constant 0 : i32
    return %c0_i32, %c0_i32_0 : i32, i32
  }
  func.func @transform_13(%arg0: i32) -> (i32, i32) {
    %c0_i32 = arith.constant 0 : i32
    %c0_i32_0 = arith.constant 0 : i32
    %c0_i32_1 = arith.constant 0 : i32
    return %c0_i32, %c0_i32_0 : i32, i32
  }
  func.func @transform_14(%arg0: i32) -> (i32, i32) {
    %c0_i32 = arith.constant 0 : i32
    %c0_i32_0 = arith.constant 0 : i32
    %c0_i32_1 = arith.constant 0 : i32
    return %c0_i32, %c0_i32_0 : i32, i32
  }
  func.func @transform_15(%arg0: i32) -> (i32, i32) {
    %c0_i32 = arith.constant 0 : i32
    %c0_i32_0 = arith.constant 0 : i32
    %c0_i32_1 = arith.constant 0 : i32
    return %c0_i32, %c0_i32_0 : i32, i32
  }
  func.func @transform_16(%arg0: i32) -> (i32, i32) {
    %c0_i32 = arith.constant 0 : i32
    %c0_i32_0 = arith.constant 0 : i32
    %c0_i32_1 = arith.constant 0 : i32
    return %c0_i32, %c0_i32_0 : i32, i32
  }
  func.func @transform_17(%arg0: i32) -> (i32, i32) {
    %c0_i32 = arith.constant 0 : i32
    %c0_i32_0 = arith.constant 0 : i32
    return %arg0, %c0_i32 : i32, i32
  }
}

module attributes {stable_mosaic.version = 14 : i64} {
  func.func @_route_body(%arg0: memref<2048x768xf32, #tpu.memory_space<vmem>>, %arg1: memref<1x768xf32, #tpu.memory_space<vmem>>, %arg2: memref<1x768xf32, #tpu.memory_space<vmem>>, %arg3: memref<768x8xf32, #tpu.memory_space<vmem>>, %arg4: memref<2056x768xf32, #tpu.memory_space<vmem>>, %arg5: memref<1x5120xi32, #tpu.memory_space<vmem>>, %arg6: memref<2048x2xi32, #tpu.memory_space<vmem>>, %arg7: memref<2048x2xf32, #tpu.memory_space<vmem>>) attributes {dimension_semantics = [], scalar_prefetch = 0 : i64, scratch_operands = 0 : i64, tpu.core_type = #tpu.core_type<tc>} {
    %get3A = arith.constant 0 : index
    %get3A_0 = arith.constant 0 : index
    %get3A_1 = vector.load %arg0[%get3A, %get3A_0] : memref<2048x768xf32, #tpu.memory_space<vmem>>, vector<2048x768xf32>
    %get3A_2 = arith.constant 0 : index
    %get3A_3 = arith.constant 0 : index
    %get3A_4 = vector.load %arg1[%get3A_2, %get3A_3] : memref<1x768xf32, #tpu.memory_space<vmem>>, vector<1x768xf32>
    %get3A_5 = arith.constant 0 : index
    %get3A_6 = arith.constant 0 : index
    %get3A_7 = vector.load %arg2[%get3A_5, %get3A_6] : memref<1x768xf32, #tpu.memory_space<vmem>>, vector<1x768xf32>
    %reduce_sum3A = arith.constant dense<0.000000e+00> : vector<2048xf32>
    %reduce_sum3A_8 = vector.multi_reduction <add>, %get3A_1, %reduce_sum3A [1] : vector<2048x768xf32> to vector<2048xf32>
    %broadcast_in_dim3A = vector.shape_cast %reduce_sum3A_8 : vector<2048xf32> to vector<2048x1xf32>
    %div3A = arith.constant 7.680000e+02 : f32
    %div3A_9 = vector.broadcast %div3A : f32 to vector<2048x1xf32>
    %div3A_10 = arith.divf %broadcast_in_dim3A, %div3A_9 : vector<2048x1xf32>
    %sub3A = vector.broadcast %div3A_10 : vector<2048x1xf32> to vector<2048x768xf32>
    %sub3A_11 = arith.subf %get3A_1, %sub3A : vector<2048x768xf32>
    %integer_pow3A = arith.mulf %sub3A_11, %sub3A_11 : vector<2048x768xf32>
    %reduce_sum3A_12 = arith.constant dense<0.000000e+00> : vector<2048xf32>
    %reduce_sum3A_13 = vector.multi_reduction <add>, %integer_pow3A, %reduce_sum3A_12 [1] : vector<2048x768xf32> to vector<2048xf32>
    %broadcast_in_dim3A_14 = vector.shape_cast %reduce_sum3A_13 : vector<2048xf32> to vector<2048x1xf32>
    %div3A_15 = arith.constant 7.680000e+02 : f32
    %div3A_16 = vector.broadcast %div3A_15 : f32 to vector<2048x1xf32>
    %div3A_17 = arith.divf %broadcast_in_dim3A_14, %div3A_16 : vector<2048x1xf32>
    %sub3A_18 = vector.broadcast %div3A_10 : vector<2048x1xf32> to vector<2048x768xf32>
    %sub3A_19 = arith.subf %get3A_1, %sub3A_18 : vector<2048x768xf32>
    %add3A = arith.constant 9.99999974E-6 : f32
    %add3A_20 = vector.broadcast %add3A : f32 to vector<2048x1xf32>
    %add3A_21 = arith.addf %div3A_17, %add3A_20 : vector<2048x1xf32>
    %rsqrt3A = math.rsqrt %add3A_21 : vector<2048x1xf32>
    %mul3A = vector.broadcast %rsqrt3A : vector<2048x1xf32> to vector<2048x768xf32>
    %mul3A_22 = arith.mulf %sub3A_19, %mul3A : vector<2048x768xf32>
    %mul3A_23 = vector.broadcast %get3A_4 : vector<1x768xf32> to vector<2048x768xf32>
    %mul3A_24 = arith.mulf %mul3A_22, %mul3A_23 : vector<2048x768xf32>
    %add3A_25 = vector.broadcast %get3A_7 : vector<1x768xf32> to vector<2048x768xf32>
    %add3A_26 = arith.addf %mul3A_24, %add3A_25 : vector<2048x768xf32>
    %swap3A = arith.constant 0 : index
    %swap3A_27 = arith.constant 0 : index
    %swap3A_28 = vector.load %arg4[%swap3A, %swap3A_27] : memref<2056x768xf32, #tpu.memory_space<vmem>>, vector<2048x768xf32>
    tpu.vector_store %arg4[%swap3A, %swap3A_27], %add3A_26 {strides = array<i32>} : memref<2056x768xf32, #tpu.memory_space<vmem>>, vector<2048x768xf32>,
    %broadcast_in_dim3A_29 = arith.constant 0.000000e+00 : f32
    %broadcast_in_dim3A_30 = vector.broadcast %broadcast_in_dim3A_29 : f32 to vector<8x768xf32>
    %swap3A_31 = arith.constant 2048 : index
    %swap3A_32 = arith.constant 0 : index
    %swap3A_33 = vector.load %arg4[%swap3A_31, %swap3A_32] : memref<2056x768xf32, #tpu.memory_space<vmem>>, vector<8x768xf32>
    tpu.vector_store %arg4[%swap3A_31, %swap3A_32], %broadcast_in_dim3A_30 {strides = array<i32>} : memref<2056x768xf32, #tpu.memory_space<vmem>>, vector<8x768xf32>,
    %get3A_34 = arith.constant 0 : index
    %get3A_35 = arith.constant 0 : index
    %get3A_36 = vector.load %arg3[%get3A_34, %get3A_35] : memref<768x8xf32, #tpu.memory_space<vmem>>, vector<768x8xf32>
    %dot_general3A = arith.constant dense<0.000000e+00> : vector<2048x8xf32>
    %dot_general3A_37 = tpu.matmul %add3A_26, %get3A_36, %dot_general3A {dimension_numbers = #tpu.dot_dimension_numbers<[1], [0], [0], [1], [0, 0, 1, 1], [], []>, transpose_lhs_hint = false} : vector<2048x768xf32>, vector<768x8xf32>, vector<2048x8xf32> -> vector<2048x8xf32>
    %iota3A = tpu.iota {dimensions = array<i32: 1>} : vector<2048x8xi32>
    %reduce_max3A = arith.constant dense<0xFF800000> : vector<2048xf32>
    %reduce_max3A_38 = vector.multi_reduction <maximumf>, %dot_general3A_37, %reduce_max3A [1] : vector<2048x8xf32> to vector<2048xf32>
    %broadcast_in_dim3A_39 = vector.shape_cast %reduce_max3A_38 : vector<2048xf32> to vector<2048x1xf32>
    %eq3A = vector.broadcast %broadcast_in_dim3A_39 : vector<2048x1xf32> to vector<2048x8xf32>
    %eq3A_40 = arith.cmpf oeq, %dot_general3A_37, %eq3A : vector<2048x8xf32>
    %jit3A = arith.constant 8 : i32
    %broadcast_in_dim3A_41 = vector.broadcast %jit3A : i32 to vector<2048x8xi32>
    %select_n3A = arith.select %eq3A_40, %iota3A, %broadcast_in_dim3A_41 : vector<2048x8xi1>, vector<2048x8xi32>
    %reduce_min3A = arith.constant dense<2147483647> : vector<2048xi32>
    %reduce_min3A_42 = vector.multi_reduction <minsi>, %select_n3A, %reduce_min3A [1] : vector<2048x8xi32> to vector<2048xi32>
    %broadcast_in_dim3A_43 = vector.shape_cast %reduce_min3A_42 : vector<2048xi32> to vector<2048x1xi32>
    %eq3A_44 = vector.broadcast %broadcast_in_dim3A_43 : vector<2048x1xi32> to vector<2048x8xi32>
    %eq3A_45 = arith.cmpi eq, %iota3A, %eq3A_44 : vector<2048x8xi32>
    %jit3A_46 = arith.constant -1.000000e+30 : f32
    %broadcast_in_dim3A_47 = vector.broadcast %jit3A_46 : f32 to vector<2048x8xf32>
    %select_n3A_48 = arith.select %eq3A_45, %broadcast_in_dim3A_47, %dot_general3A_37 : vector<2048x8xi1>, vector<2048x8xf32>
    %reduce_max3A_49 = arith.constant dense<0xFF800000> : vector<2048xf32>
    %reduce_max3A_50 = vector.multi_reduction <maximumf>, %select_n3A_48, %reduce_max3A_49 [1] : vector<2048x8xf32> to vector<2048xf32>
    %broadcast_in_dim3A_51 = vector.shape_cast %reduce_max3A_50 : vector<2048xf32> to vector<2048x1xf32>
    %eq3A_52 = vector.broadcast %broadcast_in_dim3A_51 : vector<2048x1xf32> to vector<2048x8xf32>
    %eq3A_53 = arith.cmpf oeq, %select_n3A_48, %eq3A_52 : vector<2048x8xf32>
    %jit3A_54 = arith.constant 8 : i32
    %broadcast_in_dim3A_55 = vector.broadcast %jit3A_54 : i32 to vector<2048x8xi32>
    %select_n3A_56 = arith.select %eq3A_53, %iota3A, %broadcast_in_dim3A_55 : vector<2048x8xi1>, vector<2048x8xi32>
    %reduce_min3A_57 = arith.constant dense<2147483647> : vector<2048xi32>
    %reduce_min3A_58 = vector.multi_reduction <minsi>, %select_n3A_56, %reduce_min3A_57 [1] : vector<2048x8xi32> to vector<2048xi32>
    %broadcast_in_dim3A_59 = vector.shape_cast %reduce_min3A_58 : vector<2048xi32> to vector<2048x1xi32>
    %sub3A_60 = arith.subf %broadcast_in_dim3A_51, %broadcast_in_dim3A_39 : vector<2048x1xf32>
    %exp3A = math.exp %sub3A_60 : vector<2048x1xf32>
    %add3A_61 = arith.constant 1.000000e+00 : f32
    %add3A_62 = vector.broadcast %add3A_61 : f32 to vector<2048x1xf32>
    %add3A_63 = arith.addf %add3A_62, %exp3A : vector<2048x1xf32>
    %div3A_64 = arith.constant 1.000000e+00 : f32
    %div3A_65 = vector.broadcast %div3A_64 : f32 to vector<2048x1xf32>
    %div3A_66 = arith.divf %div3A_65, %add3A_63 : vector<2048x1xf32>
    %sub3A_67 = arith.constant 1.000000e+00 : f32
    %sub3A_68 = vector.broadcast %sub3A_67 : f32 to vector<2048x1xf32>
    %sub3A_69 = arith.subf %sub3A_68, %div3A_66 : vector<2048x1xf32>
    %concatenate3A = tpu.concatenate %div3A_66, %sub3A_69 in 1 : vector<2048x1xf32>, vector<2048x1xf32> -> vector<2048x2xf32>
    %swap3A_70 = arith.constant 0 : index
    %swap3A_71 = arith.constant 0 : index
    %swap3A_72 = vector.load %arg7[%swap3A_70, %swap3A_71] : memref<2048x2xf32, #tpu.memory_space<vmem>>, vector<2048x2xf32>
    tpu.vector_store %arg7[%swap3A_70, %swap3A_71], %concatenate3A {strides = array<i32>} : memref<2048x2xf32, #tpu.memory_space<vmem>>, vector<2048x2xf32>,
    %eq3A_73 = vector.broadcast %broadcast_in_dim3A_43 : vector<2048x1xi32> to vector<2048x8xi32>
    %eq3A_74 = arith.cmpi eq, %iota3A, %eq3A_73 : vector<2048x8xi32>
    %convert_element_type3A = arith.extui %eq3A_74 : vector<2048x8xi1> to vector<2048x8xi32>
    %convert_element_type3A_75 = arith.sitofp %convert_element_type3A : vector<2048x8xi32> to vector<2048x8xf32>
    %eq3A_76 = vector.broadcast %broadcast_in_dim3A_59 : vector<2048x1xi32> to vector<2048x8xi32>
    %eq3A_77 = arith.cmpi eq, %iota3A, %eq3A_76 : vector<2048x8xi32>
    %convert_element_type3A_78 = arith.extui %eq3A_77 : vector<2048x8xi1> to vector<2048x8xi32>
    %convert_element_type3A_79 = arith.sitofp %convert_element_type3A_78 : vector<2048x8xi32> to vector<2048x8xf32>
    %add3A_80 = arith.addf %convert_element_type3A_75, %convert_element_type3A_79 : vector<2048x8xf32>
    %iota3A_81 = tpu.iota {dimensions = array<i32: 0>} : vector<512x512xi32>
    %iota3A_82 = tpu.iota {dimensions = array<i32: 1>} : vector<512x512xi32>
    %gt3A = arith.cmpi sgt, %iota3A_81, %iota3A_82 : vector<512x512xi32>
    %convert_element_type3A_83 = arith.extui %gt3A : vector<512x512xi1> to vector<512x512xi32>
    %convert_element_type3A_84 = arith.sitofp %convert_element_type3A_83 : vector<512x512xi32> to vector<512x512xf32>
    %broadcast_in_dim3A_85 = arith.constant 0.000000e+00 : f32
    %broadcast_in_dim3A_86 = vector.broadcast %broadcast_in_dim3A_85 : f32 to vector<1x8xf32>
    %slice3A = vector.extract_strided_slice %add3A_80 {offsets = [0, 0], sizes = [512, 8], strides = [1, 1]} : vector<2048x8xf32> to vector<512x8xf32>
    %dot_general3A_87 = arith.constant dense<0.000000e+00> : vector<512x8xf32>
    %dot_general3A_88 = tpu.matmul %convert_element_type3A_84, %slice3A, %dot_general3A_87 {dimension_numbers = #tpu.dot_dimension_numbers<[1], [0], [0], [1], [0, 0, 1, 1], [], []>, transpose_lhs_hint = false} : vector<512x512xf32>, vector<512x8xf32>, vector<512x8xf32> -> vector<512x8xf32>
    %add3A_89 = vector.broadcast %broadcast_in_dim3A_86 : vector<1x8xf32> to vector<512x8xf32>
    %add3A_90 = arith.addf %dot_general3A_88, %add3A_89 : vector<512x8xf32>
    %reduce_sum3A_91 = arith.constant dense<0.000000e+00> : vector<8xf32>
    %reduce_sum3A_92 = vector.multi_reduction <add>, %slice3A, %reduce_sum3A_91 [0] : vector<512x8xf32> to vector<8xf32>
    %broadcast_in_dim3A_93 = vector.shape_cast %reduce_sum3A_92 : vector<8xf32> to vector<1x8xf32>
    %add3A_94 = arith.addf %broadcast_in_dim3A_86, %broadcast_in_dim3A_93 : vector<1x8xf32>
    %slice3A_95 = vector.extract_strided_slice %add3A_80 {offsets = [512, 0], sizes = [512, 8], strides = [1, 1]} : vector<2048x8xf32> to vector<512x8xf32>
    %dot_general3A_96 = arith.constant dense<0.000000e+00> : vector<512x8xf32>
    %dot_general3A_97 = tpu.matmul %convert_element_type3A_84, %slice3A_95, %dot_general3A_96 {dimension_numbers = #tpu.dot_dimension_numbers<[1], [0], [0], [1], [0, 0, 1, 1], [], []>, transpose_lhs_hint = false} : vector<512x512xf32>, vector<512x8xf32>, vector<512x8xf32> -> vector<512x8xf32>
    %add3A_98 = vector.broadcast %add3A_94 : vector<1x8xf32> to vector<512x8xf32>
    %add3A_99 = arith.addf %dot_general3A_97, %add3A_98 : vector<512x8xf32>
    %reduce_sum3A_100 = arith.constant dense<0.000000e+00> : vector<8xf32>
    %reduce_sum3A_101 = vector.multi_reduction <add>, %slice3A_95, %reduce_sum3A_100 [0] : vector<512x8xf32> to vector<8xf32>
    %broadcast_in_dim3A_102 = vector.shape_cast %reduce_sum3A_101 : vector<8xf32> to vector<1x8xf32>
    %add3A_103 = arith.addf %add3A_94, %broadcast_in_dim3A_102 : vector<1x8xf32>
    %slice3A_104 = vector.extract_strided_slice %add3A_80 {offsets = [1024, 0], sizes = [512, 8], strides = [1, 1]} : vector<2048x8xf32> to vector<512x8xf32>
    %dot_general3A_105 = arith.constant dense<0.000000e+00> : vector<512x8xf32>
    %dot_general3A_106 = tpu.matmul %convert_element_type3A_84, %slice3A_104, %dot_general3A_105 {dimension_numbers = #tpu.dot_dimension_numbers<[1], [0], [0], [1], [0, 0, 1, 1], [], []>, transpose_lhs_hint = false} : vector<512x512xf32>, vector<512x8xf32>, vector<512x8xf32> -> vector<512x8xf32>
    %add3A_107 = vector.broadcast %add3A_103 : vector<1x8xf32> to vector<512x8xf32>
    %add3A_108 = arith.addf %dot_general3A_106, %add3A_107 : vector<512x8xf32>
    %reduce_sum3A_109 = arith.constant dense<0.000000e+00> : vector<8xf32>
    %reduce_sum3A_110 = vector.multi_reduction <add>, %slice3A_104, %reduce_sum3A_109 [0] : vector<512x8xf32> to vector<8xf32>
    %broadcast_in_dim3A_111 = vector.shape_cast %reduce_sum3A_110 : vector<8xf32> to vector<1x8xf32>
    %add3A_112 = arith.addf %add3A_103, %broadcast_in_dim3A_111 : vector<1x8xf32>
    %slice3A_113 = vector.extract_strided_slice %add3A_80 {offsets = [1536, 0], sizes = [512, 8], strides = [1, 1]} : vector<2048x8xf32> to vector<512x8xf32>
    %dot_general3A_114 = arith.constant dense<0.000000e+00> : vector<512x8xf32>
    %dot_general3A_115 = tpu.matmul %convert_element_type3A_84, %slice3A_113, %dot_general3A_114 {dimension_numbers = #tpu.dot_dimension_numbers<[1], [0], [0], [1], [0, 0, 1, 1], [], []>, transpose_lhs_hint = false} : vector<512x512xf32>, vector<512x8xf32>, vector<512x8xf32> -> vector<512x8xf32>
    %add3A_116 = vector.broadcast %add3A_112 : vector<1x8xf32> to vector<512x8xf32>
    %add3A_117 = arith.addf %dot_general3A_115, %add3A_116 : vector<512x8xf32>
    %concatenate3A_118 = tpu.concatenate %add3A_90, %add3A_99, %add3A_108, %add3A_117 in 0 : vector<512x8xf32>, vector<512x8xf32>, vector<512x8xf32>, vector<512x8xf32> -> vector<2048x8xf32>
    %mul3A_119 = arith.mulf %concatenate3A_118, %convert_element_type3A_75 : vector<2048x8xf32>
    %reduce_sum3A_120 = arith.constant dense<0.000000e+00> : vector<2048xf32>
    %reduce_sum3A_121 = vector.multi_reduction <add>, %mul3A_119, %reduce_sum3A_120 [1] : vector<2048x8xf32> to vector<2048xf32>
    %broadcast_in_dim3A_122 = vector.shape_cast %reduce_sum3A_121 : vector<2048xf32> to vector<2048x1xf32>
    %convert_element_type3A_123 = arith.fptosi %broadcast_in_dim3A_122 : vector<2048x1xf32> to vector<2048x1xi32>
    %mul3A_124 = arith.mulf %concatenate3A_118, %convert_element_type3A_79 : vector<2048x8xf32>
    %reduce_sum3A_125 = arith.constant dense<0.000000e+00> : vector<2048xf32>
    %reduce_sum3A_126 = vector.multi_reduction <add>, %mul3A_124, %reduce_sum3A_125 [1] : vector<2048x8xf32> to vector<2048xf32>
    %broadcast_in_dim3A_127 = vector.shape_cast %reduce_sum3A_126 : vector<2048xf32> to vector<2048x1xf32>
    %convert_element_type3A_128 = arith.fptosi %broadcast_in_dim3A_127 : vector<2048x1xf32> to vector<2048x1xi32>
    %lt3A = arith.constant 640 : i32
    %lt3A_129 = vector.broadcast %lt3A : i32 to vector<2048x1xi32>
    %lt3A_130 = arith.cmpi slt, %convert_element_type3A_123, %lt3A_129 : vector<2048x1xi32>
    %mul3A_131 = arith.constant 640 : i32
    %mul3A_132 = vector.broadcast %mul3A_131 : i32 to vector<2048x1xi32>
    %mul3A_133 = arith.muli %broadcast_in_dim3A_43, %mul3A_132 : vector<2048x1xi32>
    %add3A_134 = arith.addi %mul3A_133, %convert_element_type3A_123 : vector<2048x1xi32>
    %jit3A_135 = arith.constant 5120 : i32
    %broadcast_in_dim3A_136 = vector.broadcast %jit3A_135 : i32 to vector<2048x1xi32>
    %select_n3A_137 = arith.select %lt3A_130, %add3A_134, %broadcast_in_dim3A_136 : vector<2048x1xi1>, vector<2048x1xi32>
    %lt3A_138 = arith.constant 640 : i32
    %lt3A_139 = vector.broadcast %lt3A_138 : i32 to vector<2048x1xi32>
    %lt3A_140 = arith.cmpi slt, %convert_element_type3A_128, %lt3A_139 : vector<2048x1xi32>
    %mul3A_141 = arith.constant 640 : i32
    %mul3A_142 = vector.broadcast %mul3A_141 : i32 to vector<2048x1xi32>
    %mul3A_143 = arith.muli %broadcast_in_dim3A_59, %mul3A_142 : vector<2048x1xi32>
    %add3A_144 = arith.addi %mul3A_143, %convert_element_type3A_128 : vector<2048x1xi32>
    %jit3A_145 = arith.constant 5120 : i32
    %broadcast_in_dim3A_146 = vector.broadcast %jit3A_145 : i32 to vector<2048x1xi32>
    %select_n3A_147 = arith.select %lt3A_140, %add3A_144, %broadcast_in_dim3A_146 : vector<2048x1xi1>, vector<2048x1xi32>
    %mul3A_148 = arith.constant 648 : i32
    %mul3A_149 = vector.broadcast %mul3A_148 : i32 to vector<2048x1xi32>
    %mul3A_150 = arith.muli %broadcast_in_dim3A_43, %mul3A_149 : vector<2048x1xi32>
    %min3A = arith.constant 640 : i32
    %min3A_151 = vector.broadcast %min3A : i32 to vector<2048x1xi32>
    %min3A_152 = arith.minsi %convert_element_type3A_123, %min3A_151 : vector<2048x1xi32>
    %add3A_153 = arith.addi %mul3A_150, %min3A_152 : vector<2048x1xi32>
    %mul3A_154 = arith.constant 648 : i32
    %mul3A_155 = vector.broadcast %mul3A_154 : i32 to vector<2048x1xi32>
    %mul3A_156 = arith.muli %broadcast_in_dim3A_59, %mul3A_155 : vector<2048x1xi32>
    %min3A_157 = arith.constant 640 : i32
    %min3A_158 = vector.broadcast %min3A_157 : i32 to vector<2048x1xi32>
    %min3A_159 = arith.minsi %convert_element_type3A_128, %min3A_158 : vector<2048x1xi32>
    %add3A_160 = arith.addi %mul3A_156, %min3A_159 : vector<2048x1xi32>
    %concatenate3A_161 = tpu.concatenate %add3A_153, %add3A_160 in 1 : vector<2048x1xi32>, vector<2048x1xi32> -> vector<2048x2xi32>
    %swap3A_162 = arith.constant 0 : index
    %swap3A_163 = arith.constant 0 : index
    %swap3A_164 = vector.load %arg6[%swap3A_162, %swap3A_163] : memref<2048x2xi32, #tpu.memory_space<vmem>>, vector<2048x2xi32>
    tpu.vector_store %arg6[%swap3A_162, %swap3A_163], %concatenate3A_161 {strides = array<i32>} : memref<2048x2xi32, #tpu.memory_space<vmem>>, vector<2048x2xi32>,
    %iota3A_165 = tpu.iota {dimensions = array<i32: 0>} : vector<2048x1xi32>
    %add3A_166 = arith.constant 1 : i32
    %add3A_167 = vector.broadcast %add3A_166 : i32 to vector<2048x1xi32>
    %add3A_168 = arith.addi %iota3A_165, %add3A_167 : vector<2048x1xi32>
    %iota3A_169 = tpu.iota {dimensions = array<i32: 1>} : vector<2048x512xi32>
    %add3A_170 = arith.constant 0 : i32
    %add3A_171 = vector.broadcast %add3A_170 : i32 to vector<2048x512xi32>
    %add3A_172 = arith.addi %iota3A_169, %add3A_171 : vector<2048x512xi32>
    %eq3A_173 = vector.broadcast %select_n3A_137 : vector<2048x1xi32> to vector<2048x512xi32>
    %eq3A_174 = arith.cmpi eq, %eq3A_173, %add3A_172 : vector<2048x512xi32>
    %jit3A_175 = arith.constant 0 : i32
    %broadcast_in_dim3A_176 = vector.shape_cast %add3A_168 : vector<2048x1xi32> to vector<2048x1xi32>
    %broadcast_in_dim3A_177 = vector.broadcast %broadcast_in_dim3A_176 : vector<2048x1xi32> to vector<2048x512xi32>
    %broadcast_in_dim3A_178 = vector.broadcast %jit3A_175 : i32 to vector<2048x512xi32>
    %select_n3A_179 = arith.select %eq3A_174, %broadcast_in_dim3A_177, %broadcast_in_dim3A_178 : vector<2048x512xi1>, vector<2048x512xi32>
    %eq3A_180 = vector.broadcast %select_n3A_147 : vector<2048x1xi32> to vector<2048x512xi32>
    %eq3A_181 = arith.cmpi eq, %eq3A_180, %add3A_172 : vector<2048x512xi32>
    %jit3A_182 = arith.constant 0 : i32
    %broadcast_in_dim3A_183 = vector.shape_cast %add3A_168 : vector<2048x1xi32> to vector<2048x1xi32>
    %broadcast_in_dim3A_184 = vector.broadcast %broadcast_in_dim3A_183 : vector<2048x1xi32> to vector<2048x512xi32>
    %broadcast_in_dim3A_185 = vector.broadcast %jit3A_182 : i32 to vector<2048x512xi32>
    %select_n3A_186 = arith.select %eq3A_181, %broadcast_in_dim3A_184, %broadcast_in_dim3A_185 : vector<2048x512xi1>, vector<2048x512xi32>
    %add3A_187 = arith.addi %select_n3A_179, %select_n3A_186 : vector<2048x512xi32>
    %reduce_sum3A_188 = arith.constant dense<0> : vector<512xi32>
    %reduce_sum3A_189 = vector.multi_reduction <add>, %add3A_187, %reduce_sum3A_188 [0] : vector<2048x512xi32> to vector<512xi32>
    %broadcast_in_dim3A_190 = vector.shape_cast %reduce_sum3A_189 : vector<512xi32> to vector<1x512xi32>
    %eq3A_191 = arith.constant 0 : i32
    %eq3A_192 = vector.broadcast %eq3A_191 : i32 to vector<1x512xi32>
    %eq3A_193 = arith.cmpi eq, %broadcast_in_dim3A_190, %eq3A_192 : vector<1x512xi32>
    %sub3A_194 = arith.constant 1 : i32
    %sub3A_195 = vector.broadcast %sub3A_194 : i32 to vector<1x512xi32>
    %sub3A_196 = arith.subi %broadcast_in_dim3A_190, %sub3A_195 : vector<1x512xi32>
    %jit3A_197 = arith.constant 2048 : i32
    %broadcast_in_dim3A_198 = vector.broadcast %jit3A_197 : i32 to vector<1x512xi32>
    %select_n3A_199 = arith.select %eq3A_193, %broadcast_in_dim3A_198, %sub3A_196 : vector<1x512xi1>, vector<1x512xi32>
    %swap3A_200 = arith.constant 0 : index
    %swap3A_201 = arith.constant 0 : index
    %swap3A_202 = vector.load %arg5[%swap3A_200, %swap3A_201] : memref<1x5120xi32, #tpu.memory_space<vmem>>, vector<1x512xi32>
    tpu.vector_store %arg5[%swap3A_200, %swap3A_201], %select_n3A_199 {strides = array<i32>} : memref<1x5120xi32, #tpu.memory_space<vmem>>, vector<1x512xi32>,
    %iota3A_203 = tpu.iota {dimensions = array<i32: 1>} : vector<2048x512xi32>
    %add3A_204 = arith.constant 512 : i32
    %add3A_205 = vector.broadcast %add3A_204 : i32 to vector<2048x512xi32>
    %add3A_206 = arith.addi %iota3A_203, %add3A_205 : vector<2048x512xi32>
    %eq3A_207 = vector.broadcast %select_n3A_137 : vector<2048x1xi32> to vector<2048x512xi32>
    %eq3A_208 = arith.cmpi eq, %eq3A_207, %add3A_206 : vector<2048x512xi32>
    %jit3A_209 = arith.constant 0 : i32
    %broadcast_in_dim3A_210 = vector.shape_cast %add3A_168 : vector<2048x1xi32> to vector<2048x1xi32>
    %broadcast_in_dim3A_211 = vector.broadcast %broadcast_in_dim3A_210 : vector<2048x1xi32> to vector<2048x512xi32>
    %broadcast_in_dim3A_212 = vector.broadcast %jit3A_209 : i32 to vector<2048x512xi32>
    %select_n3A_213 = arith.select %eq3A_208, %broadcast_in_dim3A_211, %broadcast_in_dim3A_212 : vector<2048x512xi1>, vector<2048x512xi32>
    %eq3A_214 = vector.broadcast %select_n3A_147 : vector<2048x1xi32> to vector<2048x512xi32>
    %eq3A_215 = arith.cmpi eq, %eq3A_214, %add3A_206 : vector<2048x512xi32>
    %jit3A_216 = arith.constant 0 : i32
    %broadcast_in_dim3A_217 = vector.shape_cast %add3A_168 : vector<2048x1xi32> to vector<2048x1xi32>
    %broadcast_in_dim3A_218 = vector.broadcast %broadcast_in_dim3A_217 : vector<2048x1xi32> to vector<2048x512xi32>
    %broadcast_in_dim3A_219 = vector.broadcast %jit3A_216 : i32 to vector<2048x512xi32>
    %select_n3A_220 = arith.select %eq3A_215, %broadcast_in_dim3A_218, %broadcast_in_dim3A_219 : vector<2048x512xi1>, vector<2048x512xi32>
    %add3A_221 = arith.addi %select_n3A_213, %select_n3A_220 : vector<2048x512xi32>
    %reduce_sum3A_222 = arith.constant dense<0> : vector<512xi32>
    %reduce_sum3A_223 = vector.multi_reduction <add>, %add3A_221, %reduce_sum3A_222 [0] : vector<2048x512xi32> to vector<512xi32>
    %broadcast_in_dim3A_224 = vector.shape_cast %reduce_sum3A_223 : vector<512xi32> to vector<1x512xi32>
    %eq3A_225 = arith.constant 0 : i32
    %eq3A_226 = vector.broadcast %eq3A_225 : i32 to vector<1x512xi32>
    %eq3A_227 = arith.cmpi eq, %broadcast_in_dim3A_224, %eq3A_226 : vector<1x512xi32>
    %sub3A_228 = arith.constant 1 : i32
    %sub3A_229 = vector.broadcast %sub3A_228 : i32 to vector<1x512xi32>
    %sub3A_230 = arith.subi %broadcast_in_dim3A_224, %sub3A_229 : vector<1x512xi32>
    %jit3A_231 = arith.constant 2048 : i32
    %broadcast_in_dim3A_232 = vector.broadcast %jit3A_231 : i32 to vector<1x512xi32>
    %select_n3A_233 = arith.select %eq3A_227, %broadcast_in_dim3A_232, %sub3A_230 : vector<1x512xi1>, vector<1x512xi32>
    %swap3A_234 = arith.constant 0 : index
    %swap3A_235 = arith.constant 512 : index
    %swap3A_236 = vector.load %arg5[%swap3A_234, %swap3A_235] : memref<1x5120xi32, #tpu.memory_space<vmem>>, vector<1x512xi32>
    tpu.vector_store %arg5[%swap3A_234, %swap3A_235], %select_n3A_233 {strides = array<i32>} : memref<1x5120xi32, #tpu.memory_space<vmem>>, vector<1x512xi32>,
    %iota3A_237 = tpu.iota {dimensions = array<i32: 1>} : vector<2048x512xi32>
    %add3A_238 = arith.constant 1024 : i32
    %add3A_239 = vector.broadcast %add3A_238 : i32 to vector<2048x512xi32>
    %add3A_240 = arith.addi %iota3A_237, %add3A_239 : vector<2048x512xi32>
    %eq3A_241 = vector.broadcast %select_n3A_137 : vector<2048x1xi32> to vector<2048x512xi32>
    %eq3A_242 = arith.cmpi eq, %eq3A_241, %add3A_240 : vector<2048x512xi32>
    %jit3A_243 = arith.constant 0 : i32
    %broadcast_in_dim3A_244 = vector.shape_cast %add3A_168 : vector<2048x1xi32> to vector<2048x1xi32>
    %broadcast_in_dim3A_245 = vector.broadcast %broadcast_in_dim3A_244 : vector<2048x1xi32> to vector<2048x512xi32>
    %broadcast_in_dim3A_246 = vector.broadcast %jit3A_243 : i32 to vector<2048x512xi32>
    %select_n3A_247 = arith.select %eq3A_242, %broadcast_in_dim3A_245, %broadcast_in_dim3A_246 : vector<2048x512xi1>, vector<2048x512xi32>
    %eq3A_248 = vector.broadcast %select_n3A_147 : vector<2048x1xi32> to vector<2048x512xi32>
    %eq3A_249 = arith.cmpi eq, %eq3A_248, %add3A_240 : vector<2048x512xi32>
    %jit3A_250 = arith.constant 0 : i32
    %broadcast_in_dim3A_251 = vector.shape_cast %add3A_168 : vector<2048x1xi32> to vector<2048x1xi32>
    %broadcast_in_dim3A_252 = vector.broadcast %broadcast_in_dim3A_251 : vector<2048x1xi32> to vector<2048x512xi32>
    %broadcast_in_dim3A_253 = vector.broadcast %jit3A_250 : i32 to vector<2048x512xi32>
    %select_n3A_254 = arith.select %eq3A_249, %broadcast_in_dim3A_252, %broadcast_in_dim3A_253 : vector<2048x512xi1>, vector<2048x512xi32>
    %add3A_255 = arith.addi %select_n3A_247, %select_n3A_254 : vector<2048x512xi32>
    %reduce_sum3A_256 = arith.constant dense<0> : vector<512xi32>
    %reduce_sum3A_257 = vector.multi_reduction <add>, %add3A_255, %reduce_sum3A_256 [0] : vector<2048x512xi32> to vector<512xi32>
    %broadcast_in_dim3A_258 = vector.shape_cast %reduce_sum3A_257 : vector<512xi32> to vector<1x512xi32>
    %eq3A_259 = arith.constant 0 : i32
    %eq3A_260 = vector.broadcast %eq3A_259 : i32 to vector<1x512xi32>
    %eq3A_261 = arith.cmpi eq, %broadcast_in_dim3A_258, %eq3A_260 : vector<1x512xi32>
    %sub3A_262 = arith.constant 1 : i32
    %sub3A_263 = vector.broadcast %sub3A_262 : i32 to vector<1x512xi32>
    %sub3A_264 = arith.subi %broadcast_in_dim3A_258, %sub3A_263 : vector<1x512xi32>
    %jit3A_265 = arith.constant 2048 : i32
    %broadcast_in_dim3A_266 = vector.broadcast %jit3A_265 : i32 to vector<1x512xi32>
    %select_n3A_267 = arith.select %eq3A_261, %broadcast_in_dim3A_266, %sub3A_264 : vector<1x512xi1>, vector<1x512xi32>
    %swap3A_268 = arith.constant 0 : index
    %swap3A_269 = arith.constant 1024 : index
    %swap3A_270 = vector.load %arg5[%swap3A_268, %swap3A_269] : memref<1x5120xi32, #tpu.memory_space<vmem>>, vector<1x512xi32>
    tpu.vector_store %arg5[%swap3A_268, %swap3A_269], %select_n3A_267 {strides = array<i32>} : memref<1x5120xi32, #tpu.memory_space<vmem>>, vector<1x512xi32>,
    %iota3A_271 = tpu.iota {dimensions = array<i32: 1>} : vector<2048x512xi32>
    %add3A_272 = arith.constant 1536 : i32
    %add3A_273 = vector.broadcast %add3A_272 : i32 to vector<2048x512xi32>
    %add3A_274 = arith.addi %iota3A_271, %add3A_273 : vector<2048x512xi32>
    %eq3A_275 = vector.broadcast %select_n3A_137 : vector<2048x1xi32> to vector<2048x512xi32>
    %eq3A_276 = arith.cmpi eq, %eq3A_275, %add3A_274 : vector<2048x512xi32>
    %jit3A_277 = arith.constant 0 : i32
    %broadcast_in_dim3A_278 = vector.shape_cast %add3A_168 : vector<2048x1xi32> to vector<2048x1xi32>
    %broadcast_in_dim3A_279 = vector.broadcast %broadcast_in_dim3A_278 : vector<2048x1xi32> to vector<2048x512xi32>
    %broadcast_in_dim3A_280 = vector.broadcast %jit3A_277 : i32 to vector<2048x512xi32>
    %select_n3A_281 = arith.select %eq3A_276, %broadcast_in_dim3A_279, %broadcast_in_dim3A_280 : vector<2048x512xi1>, vector<2048x512xi32>
    %eq3A_282 = vector.broadcast %select_n3A_147 : vector<2048x1xi32> to vector<2048x512xi32>
    %eq3A_283 = arith.cmpi eq, %eq3A_282, %add3A_274 : vector<2048x512xi32>
    %jit3A_284 = arith.constant 0 : i32
    %broadcast_in_dim3A_285 = vector.shape_cast %add3A_168 : vector<2048x1xi32> to vector<2048x1xi32>
    %broadcast_in_dim3A_286 = vector.broadcast %broadcast_in_dim3A_285 : vector<2048x1xi32> to vector<2048x512xi32>
    %broadcast_in_dim3A_287 = vector.broadcast %jit3A_284 : i32 to vector<2048x512xi32>
    %select_n3A_288 = arith.select %eq3A_283, %broadcast_in_dim3A_286, %broadcast_in_dim3A_287 : vector<2048x512xi1>, vector<2048x512xi32>
    %add3A_289 = arith.addi %select_n3A_281, %select_n3A_288 : vector<2048x512xi32>
    %reduce_sum3A_290 = arith.constant dense<0> : vector<512xi32>
    %reduce_sum3A_291 = vector.multi_reduction <add>, %add3A_289, %reduce_sum3A_290 [0] : vector<2048x512xi32> to vector<512xi32>
    %broadcast_in_dim3A_292 = vector.shape_cast %reduce_sum3A_291 : vector<512xi32> to vector<1x512xi32>
    %eq3A_293 = arith.constant 0 : i32
    %eq3A_294 = vector.broadcast %eq3A_293 : i32 to vector<1x512xi32>
    %eq3A_295 = arith.cmpi eq, %broadcast_in_dim3A_292, %eq3A_294 : vector<1x512xi32>
    %sub3A_296 = arith.constant 1 : i32
    %sub3A_297 = vector.broadcast %sub3A_296 : i32 to vector<1x512xi32>
    %sub3A_298 = arith.subi %broadcast_in_dim3A_292, %sub3A_297 : vector<1x512xi32>
    %jit3A_299 = arith.constant 2048 : i32
    %broadcast_in_dim3A_300 = vector.broadcast %jit3A_299 : i32 to vector<1x512xi32>
    %select_n3A_301 = arith.select %eq3A_295, %broadcast_in_dim3A_300, %sub3A_298 : vector<1x512xi1>, vector<1x512xi32>
    %swap3A_302 = arith.constant 0 : index
    %swap3A_303 = arith.constant 1536 : index
    %swap3A_304 = vector.load %arg5[%swap3A_302, %swap3A_303] : memref<1x5120xi32, #tpu.memory_space<vmem>>, vector<1x512xi32>
    tpu.vector_store %arg5[%swap3A_302, %swap3A_303], %select_n3A_301 {strides = array<i32>} : memref<1x5120xi32, #tpu.memory_space<vmem>>, vector<1x512xi32>,
    %iota3A_305 = tpu.iota {dimensions = array<i32: 1>} : vector<2048x512xi32>
    %add3A_306 = arith.constant 2048 : i32
    %add3A_307 = vector.broadcast %add3A_306 : i32 to vector<2048x512xi32>
    %add3A_308 = arith.addi %iota3A_305, %add3A_307 : vector<2048x512xi32>
    %eq3A_309 = vector.broadcast %select_n3A_137 : vector<2048x1xi32> to vector<2048x512xi32>
    %eq3A_310 = arith.cmpi eq, %eq3A_309, %add3A_308 : vector<2048x512xi32>
    %jit3A_311 = arith.constant 0 : i32
    %broadcast_in_dim3A_312 = vector.shape_cast %add3A_168 : vector<2048x1xi32> to vector<2048x1xi32>
    %broadcast_in_dim3A_313 = vector.broadcast %broadcast_in_dim3A_312 : vector<2048x1xi32> to vector<2048x512xi32>
    %broadcast_in_dim3A_314 = vector.broadcast %jit3A_311 : i32 to vector<2048x512xi32>
    %select_n3A_315 = arith.select %eq3A_310, %broadcast_in_dim3A_313, %broadcast_in_dim3A_314 : vector<2048x512xi1>, vector<2048x512xi32>
    %eq3A_316 = vector.broadcast %select_n3A_147 : vector<2048x1xi32> to vector<2048x512xi32>
    %eq3A_317 = arith.cmpi eq, %eq3A_316, %add3A_308 : vector<2048x512xi32>
    %jit3A_318 = arith.constant 0 : i32
    %broadcast_in_dim3A_319 = vector.shape_cast %add3A_168 : vector<2048x1xi32> to vector<2048x1xi32>
    %broadcast_in_dim3A_320 = vector.broadcast %broadcast_in_dim3A_319 : vector<2048x1xi32> to vector<2048x512xi32>
    %broadcast_in_dim3A_321 = vector.broadcast %jit3A_318 : i32 to vector<2048x512xi32>
    %select_n3A_322 = arith.select %eq3A_317, %broadcast_in_dim3A_320, %broadcast_in_dim3A_321 : vector<2048x512xi1>, vector<2048x512xi32>
    %add3A_323 = arith.addi %select_n3A_315, %select_n3A_322 : vector<2048x512xi32>
    %reduce_sum3A_324 = arith.constant dense<0> : vector<512xi32>
    %reduce_sum3A_325 = vector.multi_reduction <add>, %add3A_323, %reduce_sum3A_324 [0] : vector<2048x512xi32> to vector<512xi32>
    %broadcast_in_dim3A_326 = vector.shape_cast %reduce_sum3A_325 : vector<512xi32> to vector<1x512xi32>
    %eq3A_327 = arith.constant 0 : i32
    %eq3A_328 = vector.broadcast %eq3A_327 : i32 to vector<1x512xi32>
    %eq3A_329 = arith.cmpi eq, %broadcast_in_dim3A_326, %eq3A_328 : vector<1x512xi32>
    %sub3A_330 = arith.constant 1 : i32
    %sub3A_331 = vector.broadcast %sub3A_330 : i32 to vector<1x512xi32>
    %sub3A_332 = arith.subi %broadcast_in_dim3A_326, %sub3A_331 : vector<1x512xi32>
    %jit3A_333 = arith.constant 2048 : i32
    %broadcast_in_dim3A_334 = vector.broadcast %jit3A_333 : i32 to vector<1x512xi32>
    %select_n3A_335 = arith.select %eq3A_329, %broadcast_in_dim3A_334, %sub3A_332 : vector<1x512xi1>, vector<1x512xi32>
    %swap3A_336 = arith.constant 0 : index
    %swap3A_337 = arith.constant 2048 : index
    %swap3A_338 = vector.load %arg5[%swap3A_336, %swap3A_337] : memref<1x5120xi32, #tpu.memory_space<vmem>>, vector<1x512xi32>
    tpu.vector_store %arg5[%swap3A_336, %swap3A_337], %select_n3A_335 {strides = array<i32>} : memref<1x5120xi32, #tpu.memory_space<vmem>>, vector<1x512xi32>,
    %iota3A_339 = tpu.iota {dimensions = array<i32: 1>} : vector<2048x512xi32>
    %add3A_340 = arith.constant 2560 : i32
    %add3A_341 = vector.broadcast %add3A_340 : i32 to vector<2048x512xi32>
    %add3A_342 = arith.addi %iota3A_339, %add3A_341 : vector<2048x512xi32>
    %eq3A_343 = vector.broadcast %select_n3A_137 : vector<2048x1xi32> to vector<2048x512xi32>
    %eq3A_344 = arith.cmpi eq, %eq3A_343, %add3A_342 : vector<2048x512xi32>
    %jit3A_345 = arith.constant 0 : i32
    %broadcast_in_dim3A_346 = vector.shape_cast %add3A_168 : vector<2048x1xi32> to vector<2048x1xi32>
    %broadcast_in_dim3A_347 = vector.broadcast %broadcast_in_dim3A_346 : vector<2048x1xi32> to vector<2048x512xi32>
    %broadcast_in_dim3A_348 = vector.broadcast %jit3A_345 : i32 to vector<2048x512xi32>
    %select_n3A_349 = arith.select %eq3A_344, %broadcast_in_dim3A_347, %broadcast_in_dim3A_348 : vector<2048x512xi1>, vector<2048x512xi32>
    %eq3A_350 = vector.broadcast %select_n3A_147 : vector<2048x1xi32> to vector<2048x512xi32>
    %eq3A_351 = arith.cmpi eq, %eq3A_350, %add3A_342 : vector<2048x512xi32>
    %jit3A_352 = arith.constant 0 : i32
    %broadcast_in_dim3A_353 = vector.shape_cast %add3A_168 : vector<2048x1xi32> to vector<2048x1xi32>
    %broadcast_in_dim3A_354 = vector.broadcast %broadcast_in_dim3A_353 : vector<2048x1xi32> to vector<2048x512xi32>
    %broadcast_in_dim3A_355 = vector.broadcast %jit3A_352 : i32 to vector<2048x512xi32>
    %select_n3A_356 = arith.select %eq3A_351, %broadcast_in_dim3A_354, %broadcast_in_dim3A_355 : vector<2048x512xi1>, vector<2048x512xi32>
    %add3A_357 = arith.addi %select_n3A_349, %select_n3A_356 : vector<2048x512xi32>
    %reduce_sum3A_358 = arith.constant dense<0> : vector<512xi32>
    %reduce_sum3A_359 = vector.multi_reduction <add>, %add3A_357, %reduce_sum3A_358 [0] : vector<2048x512xi32> to vector<512xi32>
    %broadcast_in_dim3A_360 = vector.shape_cast %reduce_sum3A_359 : vector<512xi32> to vector<1x512xi32>
    %eq3A_361 = arith.constant 0 : i32
    %eq3A_362 = vector.broadcast %eq3A_361 : i32 to vector<1x512xi32>
    %eq3A_363 = arith.cmpi eq, %broadcast_in_dim3A_360, %eq3A_362 : vector<1x512xi32>
    %sub3A_364 = arith.constant 1 : i32
    %sub3A_365 = vector.broadcast %sub3A_364 : i32 to vector<1x512xi32>
    %sub3A_366 = arith.subi %broadcast_in_dim3A_360, %sub3A_365 : vector<1x512xi32>
    %jit3A_367 = arith.constant 2048 : i32
    %broadcast_in_dim3A_368 = vector.broadcast %jit3A_367 : i32 to vector<1x512xi32>
    %select_n3A_369 = arith.select %eq3A_363, %broadcast_in_dim3A_368, %sub3A_366 : vector<1x512xi1>, vector<1x512xi32>
    %swap3A_370 = arith.constant 0 : index
    %swap3A_371 = arith.constant 2560 : index
    %swap3A_372 = vector.load %arg5[%swap3A_370, %swap3A_371] : memref<1x5120xi32, #tpu.memory_space<vmem>>, vector<1x512xi32>
    tpu.vector_store %arg5[%swap3A_370, %swap3A_371], %select_n3A_369 {strides = array<i32>} : memref<1x5120xi32, #tpu.memory_space<vmem>>, vector<1x512xi32>,
    %iota3A_373 = tpu.iota {dimensions = array<i32: 1>} : vector<2048x512xi32>
    %add3A_374 = arith.constant 3072 : i32
    %add3A_375 = vector.broadcast %add3A_374 : i32 to vector<2048x512xi32>
    %add3A_376 = arith.addi %iota3A_373, %add3A_375 : vector<2048x512xi32>
    %eq3A_377 = vector.broadcast %select_n3A_137 : vector<2048x1xi32> to vector<2048x512xi32>
    %eq3A_378 = arith.cmpi eq, %eq3A_377, %add3A_376 : vector<2048x512xi32>
    %jit3A_379 = arith.constant 0 : i32
    %broadcast_in_dim3A_380 = vector.shape_cast %add3A_168 : vector<2048x1xi32> to vector<2048x1xi32>
    %broadcast_in_dim3A_381 = vector.broadcast %broadcast_in_dim3A_380 : vector<2048x1xi32> to vector<2048x512xi32>
    %broadcast_in_dim3A_382 = vector.broadcast %jit3A_379 : i32 to vector<2048x512xi32>
    %select_n3A_383 = arith.select %eq3A_378, %broadcast_in_dim3A_381, %broadcast_in_dim3A_382 : vector<2048x512xi1>, vector<2048x512xi32>
    %eq3A_384 = vector.broadcast %select_n3A_147 : vector<2048x1xi32> to vector<2048x512xi32>
    %eq3A_385 = arith.cmpi eq, %eq3A_384, %add3A_376 : vector<2048x512xi32>
    %jit3A_386 = arith.constant 0 : i32
    %broadcast_in_dim3A_387 = vector.shape_cast %add3A_168 : vector<2048x1xi32> to vector<2048x1xi32>
    %broadcast_in_dim3A_388 = vector.broadcast %broadcast_in_dim3A_387 : vector<2048x1xi32> to vector<2048x512xi32>
    %broadcast_in_dim3A_389 = vector.broadcast %jit3A_386 : i32 to vector<2048x512xi32>
    %select_n3A_390 = arith.select %eq3A_385, %broadcast_in_dim3A_388, %broadcast_in_dim3A_389 : vector<2048x512xi1>, vector<2048x512xi32>
    %add3A_391 = arith.addi %select_n3A_383, %select_n3A_390 : vector<2048x512xi32>
    %reduce_sum3A_392 = arith.constant dense<0> : vector<512xi32>
    %reduce_sum3A_393 = vector.multi_reduction <add>, %add3A_391, %reduce_sum3A_392 [0] : vector<2048x512xi32> to vector<512xi32>
    %broadcast_in_dim3A_394 = vector.shape_cast %reduce_sum3A_393 : vector<512xi32> to vector<1x512xi32>
    %eq3A_395 = arith.constant 0 : i32
    %eq3A_396 = vector.broadcast %eq3A_395 : i32 to vector<1x512xi32>
    %eq3A_397 = arith.cmpi eq, %broadcast_in_dim3A_394, %eq3A_396 : vector<1x512xi32>
    %sub3A_398 = arith.constant 1 : i32
    %sub3A_399 = vector.broadcast %sub3A_398 : i32 to vector<1x512xi32>
    %sub3A_400 = arith.subi %broadcast_in_dim3A_394, %sub3A_399 : vector<1x512xi32>
    %jit3A_401 = arith.constant 2048 : i32
    %broadcast_in_dim3A_402 = vector.broadcast %jit3A_401 : i32 to vector<1x512xi32>
    %select_n3A_403 = arith.select %eq3A_397, %broadcast_in_dim3A_402, %sub3A_400 : vector<1x512xi1>, vector<1x512xi32>
    %swap3A_404 = arith.constant 0 : index
    %swap3A_405 = arith.constant 3072 : index
    %swap3A_406 = vector.load %arg5[%swap3A_404, %swap3A_405] : memref<1x5120xi32, #tpu.memory_space<vmem>>, vector<1x512xi32>
    tpu.vector_store %arg5[%swap3A_404, %swap3A_405], %select_n3A_403 {strides = array<i32>} : memref<1x5120xi32, #tpu.memory_space<vmem>>, vector<1x512xi32>,
    %iota3A_407 = tpu.iota {dimensions = array<i32: 1>} : vector<2048x512xi32>
    %add3A_408 = arith.constant 3584 : i32
    %add3A_409 = vector.broadcast %add3A_408 : i32 to vector<2048x512xi32>
    %add3A_410 = arith.addi %iota3A_407, %add3A_409 : vector<2048x512xi32>
    %eq3A_411 = vector.broadcast %select_n3A_137 : vector<2048x1xi32> to vector<2048x512xi32>
    %eq3A_412 = arith.cmpi eq, %eq3A_411, %add3A_410 : vector<2048x512xi32>
    %jit3A_413 = arith.constant 0 : i32
    %broadcast_in_dim3A_414 = vector.shape_cast %add3A_168 : vector<2048x1xi32> to vector<2048x1xi32>
    %broadcast_in_dim3A_415 = vector.broadcast %broadcast_in_dim3A_414 : vector<2048x1xi32> to vector<2048x512xi32>
    %broadcast_in_dim3A_416 = vector.broadcast %jit3A_413 : i32 to vector<2048x512xi32>
    %select_n3A_417 = arith.select %eq3A_412, %broadcast_in_dim3A_415, %broadcast_in_dim3A_416 : vector<2048x512xi1>, vector<2048x512xi32>
    %eq3A_418 = vector.broadcast %select_n3A_147 : vector<2048x1xi32> to vector<2048x512xi32>
    %eq3A_419 = arith.cmpi eq, %eq3A_418, %add3A_410 : vector<2048x512xi32>
    %jit3A_420 = arith.constant 0 : i32
    %broadcast_in_dim3A_421 = vector.shape_cast %add3A_168 : vector<2048x1xi32> to vector<2048x1xi32>
    %broadcast_in_dim3A_422 = vector.broadcast %broadcast_in_dim3A_421 : vector<2048x1xi32> to vector<2048x512xi32>
    %broadcast_in_dim3A_423 = vector.broadcast %jit3A_420 : i32 to vector<2048x512xi32>
    %select_n3A_424 = arith.select %eq3A_419, %broadcast_in_dim3A_422, %broadcast_in_dim3A_423 : vector<2048x512xi1>, vector<2048x512xi32>
    %add3A_425 = arith.addi %select_n3A_417, %select_n3A_424 : vector<2048x512xi32>
    %reduce_sum3A_426 = arith.constant dense<0> : vector<512xi32>
    %reduce_sum3A_427 = vector.multi_reduction <add>, %add3A_425, %reduce_sum3A_426 [0] : vector<2048x512xi32> to vector<512xi32>
    %broadcast_in_dim3A_428 = vector.shape_cast %reduce_sum3A_427 : vector<512xi32> to vector<1x512xi32>
    %eq3A_429 = arith.constant 0 : i32
    %eq3A_430 = vector.broadcast %eq3A_429 : i32 to vector<1x512xi32>
    %eq3A_431 = arith.cmpi eq, %broadcast_in_dim3A_428, %eq3A_430 : vector<1x512xi32>
    %sub3A_432 = arith.constant 1 : i32
    %sub3A_433 = vector.broadcast %sub3A_432 : i32 to vector<1x512xi32>
    %sub3A_434 = arith.subi %broadcast_in_dim3A_428, %sub3A_433 : vector<1x512xi32>
    %jit3A_435 = arith.constant 2048 : i32
    %broadcast_in_dim3A_436 = vector.broadcast %jit3A_435 : i32 to vector<1x512xi32>
    %select_n3A_437 = arith.select %eq3A_431, %broadcast_in_dim3A_436, %sub3A_434 : vector<1x512xi1>, vector<1x512xi32>
    %swap3A_438 = arith.constant 0 : index
    %swap3A_439 = arith.constant 3584 : index
    %swap3A_440 = vector.load %arg5[%swap3A_438, %swap3A_439] : memref<1x5120xi32, #tpu.memory_space<vmem>>, vector<1x512xi32>
    tpu.vector_store %arg5[%swap3A_438, %swap3A_439], %select_n3A_437 {strides = array<i32>} : memref<1x5120xi32, #tpu.memory_space<vmem>>, vector<1x512xi32>,
    %iota3A_441 = tpu.iota {dimensions = array<i32: 1>} : vector<2048x512xi32>
    %add3A_442 = arith.constant 4096 : i32
    %add3A_443 = vector.broadcast %add3A_442 : i32 to vector<2048x512xi32>
    %add3A_444 = arith.addi %iota3A_441, %add3A_443 : vector<2048x512xi32>
    %eq3A_445 = vector.broadcast %select_n3A_137 : vector<2048x1xi32> to vector<2048x512xi32>
    %eq3A_446 = arith.cmpi eq, %eq3A_445, %add3A_444 : vector<2048x512xi32>
    %jit3A_447 = arith.constant 0 : i32
    %broadcast_in_dim3A_448 = vector.shape_cast %add3A_168 : vector<2048x1xi32> to vector<2048x1xi32>
    %broadcast_in_dim3A_449 = vector.broadcast %broadcast_in_dim3A_448 : vector<2048x1xi32> to vector<2048x512xi32>
    %broadcast_in_dim3A_450 = vector.broadcast %jit3A_447 : i32 to vector<2048x512xi32>
    %select_n3A_451 = arith.select %eq3A_446, %broadcast_in_dim3A_449, %broadcast_in_dim3A_450 : vector<2048x512xi1>, vector<2048x512xi32>
    %eq3A_452 = vector.broadcast %select_n3A_147 : vector<2048x1xi32> to vector<2048x512xi32>
    %eq3A_453 = arith.cmpi eq, %eq3A_452, %add3A_444 : vector<2048x512xi32>
    %jit3A_454 = arith.constant 0 : i32
    %broadcast_in_dim3A_455 = vector.shape_cast %add3A_168 : vector<2048x1xi32> to vector<2048x1xi32>
    %broadcast_in_dim3A_456 = vector.broadcast %broadcast_in_dim3A_455 : vector<2048x1xi32> to vector<2048x512xi32>
    %broadcast_in_dim3A_457 = vector.broadcast %jit3A_454 : i32 to vector<2048x512xi32>
    %select_n3A_458 = arith.select %eq3A_453, %broadcast_in_dim3A_456, %broadcast_in_dim3A_457 : vector<2048x512xi1>, vector<2048x512xi32>
    %add3A_459 = arith.addi %select_n3A_451, %select_n3A_458 : vector<2048x512xi32>
    %reduce_sum3A_460 = arith.constant dense<0> : vector<512xi32>
    %reduce_sum3A_461 = vector.multi_reduction <add>, %add3A_459, %reduce_sum3A_460 [0] : vector<2048x512xi32> to vector<512xi32>
    %broadcast_in_dim3A_462 = vector.shape_cast %reduce_sum3A_461 : vector<512xi32> to vector<1x512xi32>
    %eq3A_463 = arith.constant 0 : i32
    %eq3A_464 = vector.broadcast %eq3A_463 : i32 to vector<1x512xi32>
    %eq3A_465 = arith.cmpi eq, %broadcast_in_dim3A_462, %eq3A_464 : vector<1x512xi32>
    %sub3A_466 = arith.constant 1 : i32
    %sub3A_467 = vector.broadcast %sub3A_466 : i32 to vector<1x512xi32>
    %sub3A_468 = arith.subi %broadcast_in_dim3A_462, %sub3A_467 : vector<1x512xi32>
    %jit3A_469 = arith.constant 2048 : i32
    %broadcast_in_dim3A_470 = vector.broadcast %jit3A_469 : i32 to vector<1x512xi32>
    %select_n3A_471 = arith.select %eq3A_465, %broadcast_in_dim3A_470, %sub3A_468 : vector<1x512xi1>, vector<1x512xi32>
    %swap3A_472 = arith.constant 0 : index
    %swap3A_473 = arith.constant 4096 : index
    %swap3A_474 = vector.load %arg5[%swap3A_472, %swap3A_473] : memref<1x5120xi32, #tpu.memory_space<vmem>>, vector<1x512xi32>
    tpu.vector_store %arg5[%swap3A_472, %swap3A_473], %select_n3A_471 {strides = array<i32>} : memref<1x5120xi32, #tpu.memory_space<vmem>>, vector<1x512xi32>,
    %iota3A_475 = tpu.iota {dimensions = array<i32: 1>} : vector<2048x512xi32>
    %add3A_476 = arith.constant 4608 : i32
    %add3A_477 = vector.broadcast %add3A_476 : i32 to vector<2048x512xi32>
    %add3A_478 = arith.addi %iota3A_475, %add3A_477 : vector<2048x512xi32>
    %eq3A_479 = vector.broadcast %select_n3A_137 : vector<2048x1xi32> to vector<2048x512xi32>
    %eq3A_480 = arith.cmpi eq, %eq3A_479, %add3A_478 : vector<2048x512xi32>
    %jit3A_481 = arith.constant 0 : i32
    %broadcast_in_dim3A_482 = vector.shape_cast %add3A_168 : vector<2048x1xi32> to vector<2048x1xi32>
    %broadcast_in_dim3A_483 = vector.broadcast %broadcast_in_dim3A_482 : vector<2048x1xi32> to vector<2048x512xi32>
    %broadcast_in_dim3A_484 = vector.broadcast %jit3A_481 : i32 to vector<2048x512xi32>
    %select_n3A_485 = arith.select %eq3A_480, %broadcast_in_dim3A_483, %broadcast_in_dim3A_484 : vector<2048x512xi1>, vector<2048x512xi32>
    %eq3A_486 = vector.broadcast %select_n3A_147 : vector<2048x1xi32> to vector<2048x512xi32>
    %eq3A_487 = arith.cmpi eq, %eq3A_486, %add3A_478 : vector<2048x512xi32>
    %jit3A_488 = arith.constant 0 : i32
    %broadcast_in_dim3A_489 = vector.shape_cast %add3A_168 : vector<2048x1xi32> to vector<2048x1xi32>
    %broadcast_in_dim3A_490 = vector.broadcast %broadcast_in_dim3A_489 : vector<2048x1xi32> to vector<2048x512xi32>
    %broadcast_in_dim3A_491 = vector.broadcast %jit3A_488 : i32 to vector<2048x512xi32>
    %select_n3A_492 = arith.select %eq3A_487, %broadcast_in_dim3A_490, %broadcast_in_dim3A_491 : vector<2048x512xi1>, vector<2048x512xi32>
    %add3A_493 = arith.addi %select_n3A_485, %select_n3A_492 : vector<2048x512xi32>
    %reduce_sum3A_494 = arith.constant dense<0> : vector<512xi32>
    %reduce_sum3A_495 = vector.multi_reduction <add>, %add3A_493, %reduce_sum3A_494 [0] : vector<2048x512xi32> to vector<512xi32>
    %broadcast_in_dim3A_496 = vector.shape_cast %reduce_sum3A_495 : vector<512xi32> to vector<1x512xi32>
    %eq3A_497 = arith.constant 0 : i32
    %eq3A_498 = vector.broadcast %eq3A_497 : i32 to vector<1x512xi32>
    %eq3A_499 = arith.cmpi eq, %broadcast_in_dim3A_496, %eq3A_498 : vector<1x512xi32>
    %sub3A_500 = arith.constant 1 : i32
    %sub3A_501 = vector.broadcast %sub3A_500 : i32 to vector<1x512xi32>
    %sub3A_502 = arith.subi %broadcast_in_dim3A_496, %sub3A_501 : vector<1x512xi32>
    %jit3A_503 = arith.constant 2048 : i32
    %broadcast_in_dim3A_504 = vector.broadcast %jit3A_503 : i32 to vector<1x512xi32>
    %select_n3A_505 = arith.select %eq3A_499, %broadcast_in_dim3A_504, %sub3A_502 : vector<1x512xi1>, vector<1x512xi32>
    %swap3A_506 = arith.constant 0 : index
    %swap3A_507 = arith.constant 4608 : index
    %swap3A_508 = vector.load %arg5[%swap3A_506, %swap3A_507] : memref<1x5120xi32, #tpu.memory_space<vmem>>, vector<1x512xi32>
    tpu.vector_store %arg5[%swap3A_506, %swap3A_507], %select_n3A_505 {strides = array<i32>} : memref<1x5120xi32, #tpu.memory_space<vmem>>, vector<1x512xi32>,
    return
  }
}

module attributes {stable_mosaic.version = 14 : i64} {
  func.func @_expert_body(%arg0: i32, %arg1: memref<1x640x768xf32, #tpu.memory_space<vmem>>, %arg2: memref<1x768x2048xbf16, #tpu.memory_space<vmem>>, %arg3: memref<1x1x2048xf32, #tpu.memory_space<vmem>>, %arg4: memref<1x2048x768xbf16, #tpu.memory_space<vmem>>, %arg5: memref<1x1x768xf32, #tpu.memory_space<vmem>>, %arg6: memref<1x648x768xf32, #tpu.memory_space<vmem>>) attributes {dimension_semantics = [#tpu.dimension_semantics<arbitrary>], iteration_bounds = array<i64: 8>, scalar_prefetch = 0 : i64, scratch_operands = 0 : i64, tpu.core_type = #tpu.core_type<tc>, window_params = [{transform_indices = @transform_0, window_bounds = array<i64: 1, 640, 768>}, {transform_indices = @transform_1, window_bounds = array<i64: 1, 768, 2048>}, {transform_indices = @transform_2, window_bounds = array<i64: 1, 1, 2048>}, {transform_indices = @transform_3, window_bounds = array<i64: 1, 2048, 768>}, {transform_indices = @transform_4, window_bounds = array<i64: 1, 1, 768>}, {transform_indices = @transform_5, window_bounds = array<i64: 1, 648, 768>}]} {
    %get3A = arith.constant 0 : index
    %get3A_0 = arith.constant 0 : index
    %get3A_1 = arith.constant 0 : index
    %get3A_2 = vector.load %arg1[%get3A, %get3A_0, %get3A_1] : memref<1x640x768xf32, #tpu.memory_space<vmem>>, vector<1x640x768xf32>
    %get3A_3 = vector.shape_cast %get3A_2 : vector<1x640x768xf32> to vector<640x768xf32>
    %convert_element_type3A = arith.truncf %get3A_3 : vector<640x768xf32> to vector<640x768xbf16>
    %get3A_4 = arith.constant 0 : index
    %get3A_5 = arith.constant 0 : index
    %get3A_6 = arith.constant 0 : index
    %get3A_7 = vector.load %arg2[%get3A_4, %get3A_5, %get3A_6] : memref<1x768x2048xbf16, #tpu.memory_space<vmem>>, vector<1x768x2048xbf16>
    %get3A_8 = vector.shape_cast %get3A_7 : vector<1x768x2048xbf16> to vector<768x2048xbf16>
    %dot_general3A = arith.constant dense<0.000000e+00> : vector<640x2048xf32>
    %dot_general3A_9 = tpu.matmul %convert_element_type3A, %get3A_8, %dot_general3A {dimension_numbers = #tpu.dot_dimension_numbers<[1], [0], [0], [1], [0, 0, 1, 1], [], []>, transpose_lhs_hint = false} : vector<640x768xbf16>, vector<768x2048xbf16>, vector<640x2048xf32> -> vector<640x2048xf32>
    %get3A_10 = arith.constant 0 : index
    %get3A_11 = arith.constant 0 : index
    %get3A_12 = arith.constant 0 : index
    %get3A_13 = vector.load %arg3[%get3A_10, %get3A_11, %get3A_12] : memref<1x1x2048xf32, #tpu.memory_space<vmem>>, vector<1x1x2048xf32>
    %get3A_14 = vector.shape_cast %get3A_13 : vector<1x1x2048xf32> to vector<1x2048xf32>
    %add3A = vector.broadcast %get3A_14 : vector<1x2048xf32> to vector<640x2048xf32>
    %add3A_15 = arith.addf %dot_general3A_9, %add3A : vector<640x2048xf32>
    %mul3A = arith.constant 5.000000e-01 : f32
    %mul3A_16 = vector.broadcast %mul3A : f32 to vector<640x2048xf32>
    %mul3A_17 = arith.mulf %mul3A_16, %add3A_15 : vector<640x2048xf32>
    %mul3A_18 = arith.constant 4.471500e-02 : f32
    %mul3A_19 = vector.broadcast %mul3A_18 : f32 to vector<640x2048xf32>
    %mul3A_20 = arith.mulf %mul3A_19, %add3A_15 : vector<640x2048xf32>
    %mul3A_21 = arith.mulf %mul3A_20, %add3A_15 : vector<640x2048xf32>
    %mul3A_22 = arith.mulf %mul3A_21, %add3A_15 : vector<640x2048xf32>
    %add3A_23 = arith.addf %add3A_15, %mul3A_22 : vector<640x2048xf32>
    %mul3A_24 = arith.constant 0.797884583 : f32
    %mul3A_25 = vector.broadcast %mul3A_24 : f32 to vector<640x2048xf32>
    %mul3A_26 = arith.mulf %mul3A_25, %add3A_23 : vector<640x2048xf32>
    %tanh3A = math.tanh %mul3A_26 : vector<640x2048xf32>
    %add3A_27 = arith.constant 1.000000e+00 : f32
    %add3A_28 = vector.broadcast %add3A_27 : f32 to vector<640x2048xf32>
    %add3A_29 = arith.addf %add3A_28, %tanh3A : vector<640x2048xf32>
    %mul3A_30 = arith.mulf %mul3A_17, %add3A_29 : vector<640x2048xf32>
    %convert_element_type3A_31 = arith.truncf %mul3A_30 : vector<640x2048xf32> to vector<640x2048xbf16>
    %get3A_32 = arith.constant 0 : index
    %get3A_33 = arith.constant 0 : index
    %get3A_34 = arith.constant 0 : index
    %get3A_35 = vector.load %arg4[%get3A_32, %get3A_33, %get3A_34] : memref<1x2048x768xbf16, #tpu.memory_space<vmem>>, vector<1x2048x768xbf16>
    %get3A_36 = vector.shape_cast %get3A_35 : vector<1x2048x768xbf16> to vector<2048x768xbf16>
    %dot_general3A_37 = arith.constant dense<0.000000e+00> : vector<640x768xf32>
    %dot_general3A_38 = tpu.matmul %convert_element_type3A_31, %get3A_36, %dot_general3A_37 {dimension_numbers = #tpu.dot_dimension_numbers<[1], [0], [0], [1], [0, 0, 1, 1], [], []>, transpose_lhs_hint = false} : vector<640x2048xbf16>, vector<2048x768xbf16>, vector<640x768xf32> -> vector<640x768xf32>
    %get3A_39 = arith.constant 0 : index
    %get3A_40 = arith.constant 0 : index
    %get3A_41 = arith.constant 0 : index
    %get3A_42 = vector.load %arg5[%get3A_39, %get3A_40, %get3A_41] : memref<1x1x768xf32, #tpu.memory_space<vmem>>, vector<1x1x768xf32>
    %get3A_43 = vector.shape_cast %get3A_42 : vector<1x1x768xf32> to vector<1x768xf32>
    %add3A_44 = vector.broadcast %get3A_43 : vector<1x768xf32> to vector<640x768xf32>
    %add3A_45 = arith.addf %dot_general3A_38, %add3A_44 : vector<640x768xf32>
    %swap3A = arith.constant 0 : index
    %swap3A_46 = arith.constant 0 : index
    %swap3A_47 = arith.constant 0 : index
    %swap3A_48 = vector.load %arg6[%swap3A, %swap3A_46, %swap3A_47] : memref<1x648x768xf32, #tpu.memory_space<vmem>>, vector<1x640x768xf32>
    %swap3A_49 = vector.shape_cast %swap3A_48 : vector<1x640x768xf32> to vector<640x768xf32>
    %swap3A_50 = vector.shape_cast %add3A_45 : vector<640x768xf32> to vector<1x640x768xf32>
    tpu.vector_store %arg6[%swap3A, %swap3A_46, %swap3A_47], %swap3A_50 {strides = array<i32>} : memref<1x648x768xf32, #tpu.memory_space<vmem>>, vector<1x640x768xf32>,
    %broadcast_in_dim3A = arith.constant 0.000000e+00 : f32
    %broadcast_in_dim3A_51 = vector.broadcast %broadcast_in_dim3A : f32 to vector<8x768xf32>
    %swap3A_52 = arith.constant 0 : index
    %swap3A_53 = arith.constant 640 : index
    %swap3A_54 = arith.constant 0 : index
    %swap3A_55 = vector.load %arg6[%swap3A_52, %swap3A_53, %swap3A_54] : memref<1x648x768xf32, #tpu.memory_space<vmem>>, vector<1x8x768xf32>
    %swap3A_56 = vector.shape_cast %swap3A_55 : vector<1x8x768xf32> to vector<8x768xf32>
    %swap3A_57 = vector.shape_cast %broadcast_in_dim3A_51 : vector<8x768xf32> to vector<1x8x768xf32>
    tpu.vector_store %arg6[%swap3A_52, %swap3A_53, %swap3A_54], %swap3A_57 {strides = array<i32>} : memref<1x648x768xf32, #tpu.memory_space<vmem>>, vector<1x8x768xf32>,
    return
  }
  func.func @transform_0(%arg0: i32) -> (i32, i32, i32) {
    %c0_i32 = arith.constant 0 : i32
    %c0_i32_0 = arith.constant 0 : i32
    %c0_i32_1 = arith.constant 0 : i32
    return %arg0, %c0_i32, %c0_i32_0 : i32, i32, i32
  }
  func.func @transform_1(%arg0: i32) -> (i32, i32, i32) {
    %c0_i32 = arith.constant 0 : i32
    %c0_i32_0 = arith.constant 0 : i32
    %c0_i32_1 = arith.constant 0 : i32
    return %arg0, %c0_i32, %c0_i32_0 : i32, i32, i32
  }
  func.func @transform_2(%arg0: i32) -> (i32, i32, i32) {
    %c0_i32 = arith.constant 0 : i32
    %c0_i32_0 = arith.constant 0 : i32
    %c0_i32_1 = arith.constant 0 : i32
    return %arg0, %c0_i32, %c0_i32_0 : i32, i32, i32
  }
  func.func @transform_3(%arg0: i32) -> (i32, i32, i32) {
    %c0_i32 = arith.constant 0 : i32
    %c0_i32_0 = arith.constant 0 : i32
    %c0_i32_1 = arith.constant 0 : i32
    return %arg0, %c0_i32, %c0_i32_0 : i32, i32, i32
  }
  func.func @transform_4(%arg0: i32) -> (i32, i32, i32) {
    %c0_i32 = arith.constant 0 : i32
    %c0_i32_0 = arith.constant 0 : i32
    %c0_i32_1 = arith.constant 0 : i32
    return %arg0, %c0_i32, %c0_i32_0 : i32, i32, i32
  }
  func.func @transform_5(%arg0: i32) -> (i32, i32, i32) {
    %c0_i32 = arith.constant 0 : i32
    %c0_i32_0 = arith.constant 0 : i32
    %c0_i32_1 = arith.constant 0 : i32
    return %arg0, %c0_i32, %c0_i32_0 : i32, i32, i32
  }
}

module attributes {stable_mosaic.version = 14 : i64} {
  func.func @_combine_body(%arg0: memref<2048x768xf32, #tpu.memory_space<vmem>>, %arg1: memref<2048x1536xf32, #tpu.memory_space<vmem>>, %arg2: memref<2048x2xf32, #tpu.memory_space<vmem>>, %arg3: memref<1x768xf32, #tpu.memory_space<vmem>>, %arg4: memref<1x768xf32, #tpu.memory_space<vmem>>, %arg5: memref<2048x768xbf16, #tpu.memory_space<vmem>>) attributes {dimension_semantics = [], scalar_prefetch = 0 : i64, scratch_operands = 0 : i64, tpu.core_type = #tpu.core_type<tc>} {
    %get3A = arith.constant 0 : index
    %get3A_0 = arith.constant 0 : index
    %get3A_1 = vector.load %arg2[%get3A, %get3A_0] : memref<2048x2xf32, #tpu.memory_space<vmem>>, vector<2048x1xf32>
    %get3A_2 = arith.constant 0 : index
    %get3A_3 = arith.constant 1 : index
    %get3A_4 = vector.load %arg2[%get3A_2, %get3A_3] : memref<2048x2xf32, #tpu.memory_space<vmem>>, vector<2048x1xf32>
    %get3A_5 = arith.constant 0 : index
    %get3A_6 = arith.constant 0 : index
    %get3A_7 = vector.load %arg0[%get3A_5, %get3A_6] : memref<2048x768xf32, #tpu.memory_space<vmem>>, vector<2048x768xf32>
    %get3A_8 = arith.constant 0 : index
    %get3A_9 = arith.constant 0 : index
    %get3A_10 = vector.load %arg1[%get3A_8, %get3A_9] : memref<2048x1536xf32, #tpu.memory_space<vmem>>, vector<2048x768xf32>
    %mul3A = vector.broadcast %get3A_1 : vector<2048x1xf32> to vector<2048x768xf32>
    %mul3A_11 = arith.mulf %mul3A, %get3A_10 : vector<2048x768xf32>
    %add3A = arith.addf %get3A_7, %mul3A_11 : vector<2048x768xf32>
    %get3A_12 = arith.constant 0 : index
    %get3A_13 = arith.constant 768 : index
    %get3A_14 = vector.load %arg1[%get3A_12, %get3A_13] : memref<2048x1536xf32, #tpu.memory_space<vmem>>, vector<2048x768xf32>
    %mul3A_15 = vector.broadcast %get3A_4 : vector<2048x1xf32> to vector<2048x768xf32>
    %mul3A_16 = arith.mulf %mul3A_15, %get3A_14 : vector<2048x768xf32>
    %add3A_17 = arith.addf %add3A, %mul3A_16 : vector<2048x768xf32>
    %get3A_18 = arith.constant 0 : index
    %get3A_19 = arith.constant 0 : index
    %get3A_20 = vector.load %arg3[%get3A_18, %get3A_19] : memref<1x768xf32, #tpu.memory_space<vmem>>, vector<1x768xf32>
    %get3A_21 = arith.constant 0 : index
    %get3A_22 = arith.constant 0 : index
    %get3A_23 = vector.load %arg4[%get3A_21, %get3A_22] : memref<1x768xf32, #tpu.memory_space<vmem>>, vector<1x768xf32>
    %reduce_sum3A = arith.constant dense<0.000000e+00> : vector<2048xf32>
    %reduce_sum3A_24 = vector.multi_reduction <add>, %add3A_17, %reduce_sum3A [1] : vector<2048x768xf32> to vector<2048xf32>
    %broadcast_in_dim3A = vector.shape_cast %reduce_sum3A_24 : vector<2048xf32> to vector<2048x1xf32>
    %div3A = arith.constant 7.680000e+02 : f32
    %div3A_25 = vector.broadcast %div3A : f32 to vector<2048x1xf32>
    %div3A_26 = arith.divf %broadcast_in_dim3A, %div3A_25 : vector<2048x1xf32>
    %sub3A = vector.broadcast %div3A_26 : vector<2048x1xf32> to vector<2048x768xf32>
    %sub3A_27 = arith.subf %add3A_17, %sub3A : vector<2048x768xf32>
    %integer_pow3A = arith.mulf %sub3A_27, %sub3A_27 : vector<2048x768xf32>
    %reduce_sum3A_28 = arith.constant dense<0.000000e+00> : vector<2048xf32>
    %reduce_sum3A_29 = vector.multi_reduction <add>, %integer_pow3A, %reduce_sum3A_28 [1] : vector<2048x768xf32> to vector<2048xf32>
    %broadcast_in_dim3A_30 = vector.shape_cast %reduce_sum3A_29 : vector<2048xf32> to vector<2048x1xf32>
    %div3A_31 = arith.constant 7.680000e+02 : f32
    %div3A_32 = vector.broadcast %div3A_31 : f32 to vector<2048x1xf32>
    %div3A_33 = arith.divf %broadcast_in_dim3A_30, %div3A_32 : vector<2048x1xf32>
    %sub3A_34 = vector.broadcast %div3A_26 : vector<2048x1xf32> to vector<2048x768xf32>
    %sub3A_35 = arith.subf %add3A_17, %sub3A_34 : vector<2048x768xf32>
    %add3A_36 = arith.constant 9.99999974E-6 : f32
    %add3A_37 = vector.broadcast %add3A_36 : f32 to vector<2048x1xf32>
    %add3A_38 = arith.addf %div3A_33, %add3A_37 : vector<2048x1xf32>
    %rsqrt3A = math.rsqrt %add3A_38 : vector<2048x1xf32>
    %mul3A_39 = vector.broadcast %rsqrt3A : vector<2048x1xf32> to vector<2048x768xf32>
    %mul3A_40 = arith.mulf %sub3A_35, %mul3A_39 : vector<2048x768xf32>
    %mul3A_41 = vector.broadcast %get3A_20 : vector<1x768xf32> to vector<2048x768xf32>
    %mul3A_42 = arith.mulf %mul3A_40, %mul3A_41 : vector<2048x768xf32>
    %add3A_43 = vector.broadcast %get3A_23 : vector<1x768xf32> to vector<2048x768xf32>
    %add3A_44 = arith.addf %mul3A_42, %add3A_43 : vector<2048x768xf32>
    %convert_element_type3A = arith.truncf %add3A_44 : vector<2048x768xf32> to vector<2048x768xbf16>
    %swap3A = arith.constant 0 : index
    %swap3A_45 = arith.constant 0 : index
    %swap3A_46 = vector.load %arg5[%swap3A, %swap3A_45] : memref<2048x768xbf16, #tpu.memory_space<vmem>>, vector<2048x768xbf16>
    tpu.vector_store %arg5[%swap3A, %swap3A_45], %convert_element_type3A {strides = array<i32>} : memref<2048x768xbf16, #tpu.memory_space<vmem>>, vector<2048x768xbf16>,
    return
  }
}

module attributes {stable_mosaic.version = 14 : i64} {
  func.func @_lmhead_body(%arg0: i32, %arg1: memref<2048x768xbf16, #tpu.memory_space<vmem>>, %arg2: memref<1280x768xf32, #tpu.memory_space<vmem>>, %arg3: memref<2048x1280xf32, #tpu.memory_space<vmem>>) attributes {dimension_semantics = [#tpu.dimension_semantics<arbitrary>], iteration_bounds = array<i64: 25>, scalar_prefetch = 0 : i64, scratch_operands = 0 : i64, tpu.core_type = #tpu.core_type<tc>, window_params = [{pipeline_mode = #tpu.pipeline_mode<synchronous>, transform_indices = @transform_0, window_bounds = array<i64: 2048, 768>}, {transform_indices = @transform_1, window_bounds = array<i64: 1280, 768>}, {transform_indices = @transform_2, window_bounds = array<i64: 2048, 1280>}]} {
    %get3A = arith.constant 0 : index
    %get3A_0 = arith.constant 0 : index
    %get3A_1 = vector.load %arg2[%get3A, %get3A_0] : memref<1280x768xf32, #tpu.memory_space<vmem>>, vector<1280x768xf32>
    %convert_element_type3A = arith.truncf %get3A_1 : vector<1280x768xf32> to vector<1280x768xbf16>
    %get3A_2 = arith.constant 0 : index
    %get3A_3 = arith.constant 0 : index
    %get3A_4 = vector.load %arg1[%get3A_2, %get3A_3] : memref<2048x768xbf16, #tpu.memory_space<vmem>>, vector<2048x768xbf16>
    %dot_general3A = arith.constant dense<0.000000e+00> : vector<2048x1280xf32>
    %dot_general3A_5 = tpu.matmul %get3A_4, %convert_element_type3A, %dot_general3A {dimension_numbers = #tpu.dot_dimension_numbers<[1], [1], [0], [0], [0, 0, 1, 0], [], []>, transpose_lhs_hint = false} : vector<2048x768xbf16>, vector<1280x768xbf16>, vector<2048x1280xf32> -> vector<2048x1280xf32>
    %swap3A = arith.constant 0 : index
    %swap3A_6 = arith.constant 0 : index
    %swap3A_7 = vector.load %arg3[%swap3A, %swap3A_6] : memref<2048x1280xf32, #tpu.memory_space<vmem>>, vector<2048x1280xf32>
    tpu.vector_store %arg3[%swap3A, %swap3A_6], %dot_general3A_5 {strides = array<i32>} : memref<2048x1280xf32, #tpu.memory_space<vmem>>, vector<2048x1280xf32>,
    return
  }
  func.func @transform_0(%arg0: i32) -> (i32, i32) {
    %c0_i32 = arith.constant 0 : i32
    %c0_i32_0 = arith.constant 0 : i32
    %c0_i32_1 = arith.constant 0 : i32
    return %c0_i32, %c0_i32_0 : i32, i32
  }
  func.func @transform_1(%arg0: i32) -> (i32, i32) {
    %c0_i32 = arith.constant 0 : i32
    %c0_i32_0 = arith.constant 0 : i32
    return %arg0, %c0_i32 : i32, i32
  }
  func.func @transform_2(%arg0: i32) -> (i32, i32) {
    %c0_i32 = arith.constant 0 : i32
    %c0_i32_0 = arith.constant 0 : i32
    return %c0_i32, %arg0 : i32, i32
  }
}

</mosaic_0001>

<sc_bundles>
// kernel: kernel.10.cloned.1.call-start
scs
__scs_entry_jumppad:
0x0: {  	(pc) =	sbr.rel $0x88, $3  }
0x1: {  	(tag) =	ssettag $0x0;
	lr =	simm.s32 $0x1  }
0x2: {  	[smem:$0x3F89] =	sst lr;
	_ =	strace $0xD0000000  }
0x3: {  	_ = 	snop  }
0x4: {  	_ = 	snop  }
0x5: {  	_ = 	snop  }
0x6: {  	_ = 	snop  }
0x7: {  	_ = 	snop  }
__scs_overlays_trampoline_lowered:
0x8: {  	[smem:$0x3F98] =	sst s0  }
0x9: {  	[smem:$0x3F99] =	sst s1  }
0xa: {  	[smem:$0x3F9A] =	sst s2  }
0xb: {  	[smem:$0x3F9B] =	sst s3  }
0xc: {  	[smem:$0x3F9C] =	sst s4  }
0xd: {  	[smem:$0x3F9D] =	sst s5  }
0xe: {  	[smem:$0x3F9E] =	sst s6  }
0xf: {  	[smem:$0x3F9F] =	sst s7  }
0x10: {  	[smem:$0x3FA0] =	sst s8  }
0x11: {  	[smem:$0x3FA1] =	sst s9;
	s0 =	simm.s32 @!p0 $0x0  }
0x12: {  	s1 =	sld [smem:$0x3F87];
	s0 =	simm.s32 @p0 $0x1  }
0x13: {  	[smem:$0x3FA2] =	sst s0;
	s0 =	simm.s32 @!p1 $0x0  }
0x14: {  	s2 =	sld [smem:$0x3F86];
	s0 =	simm.s32 @p1 $0x1  }
0x15: {  	[smem:$0x3FA3] =	sst s0;
	s0 =	simm.s32 @!p2 $0x0  }
0x16: {  	s3 =	sld [smem:$0x3FDB];
	s0 =	simm.s32 @p2 $0x1  }
0x17: {  	s4 =	simm.s32 $0x1BF5;
	[smem:$0x3FA5] =	sst s0  }
0x18: {  	s0 =	sld [smem:$0x3F88];
	_ =	swait.ge [sflag:s4], $0x0  }
0x19: {  	s7 =	sld [smem:$0x3F89]  }
0x1a: {  	s8 =	sadd.s32 $0xFFFFE003, lr  }
0x1b: {  	s9 =	sadd.s32 $0xFFFFFEF7, lr;
	s5 =	simm.s32 $0xFFFFFFFF;
	p2 =	slt.u32 s8, $0xFFFFF086  }
0x1c: {  	p1 =	slt.u32 s9, $0xF7A;
	s5 =	simm.s32 @!p2 $0x0  }
0x1d: {  	s5 =	simm.s32 @p1 $0x1;
	p0 =	seq.s32 s7, s2  }
0x1e: {  	s7 =	smul.u32 @!p0 $0xF7A, s2;
	p2 =	seq.s32 @!p0 s5, $0x0  }
0x1f: {  	s9 =	smul.u32 $0xF7A, s1;
	s8 =	simm.s32 @!p0 $0x1BF5;
	p2 =	por !p2, p0  }
0x20: {  	[sflag:s8] =	ssyncset.s32 @!p0 $0xFFFFF086;
	s6 =	sadd.s32 @!p0 s3, s7;
	s7 =	simm.s32 @!p0 $0x108  }
0x21: {  	s3 =	sadd.s32 s3, s9;
	s6 =	sadd.s32 @!p0 $0x88, s6;
	s7 =	simm.s32 @p2 $0x1082  }
0x22: {  	[simem:s7], [sflag:s8] =	dma.local @!p0 [hbm:s6], $0xF7A  }
0x23: {  	s9 =	sor.u32 $0xD0000000, s2;
	s6 =	simm.s32 $0x108;
	_ =	swait.ge @!p0 [sflag:s8], $0x0  }
0x24: {  	s3 =	sadd.s32 $0x88, s3;
	s6 =	simm.s32 @!p1 $0x1082;
	[sflag:s4] =	ssyncset.s32 $0xFFFFF086  }
0x25: {  	[simem:s6], [sflag:s4] =	dma.local [hbm:s3], $0xF7A  }
0x26: {  	[smem:$0x3F89] =	sst s1;
	(tag) =	ssettag s2;
	_ =	strace s9  }
0x27: {  	s1 =	sld [smem:$0x3F99]  }
0x28: {  	s2 =	sld [smem:$0x3F9A]  }
0x29: {  	s4 =	sld [smem:$0x3F9C]  }
0x2a: {  	p0 =	seq.s32 s5, $0x0;
	s5 =	sld [smem:$0x3F9D]  }
0x2b: {  	s6 =	sld [smem:$0x3F9E]  }
0x2c: {  	s7 =	sld [smem:$0x3F9F]  }
0x2d: {  	s3 =	simm.s32 $0x108;
	s8 =	sld [smem:$0x3FA0]  }
0x2e: {  	s3 =	simm.s32 @!p0 $0x1082;
	s9 =	sld [smem:$0x3FA1]  }
0x2f: {  	lr =	sadd.s32 s0, s3;
	s0 =	sld [smem:$0x3F98]  }
0x30: {  	s3 =	sld [smem:$0x3F9B]  }
0x31: {  	[smem:$0x3FA4] =	sst s10  }
0x32: {  	s10 =	sld [smem:$0x3FA2];
	_ =	sdelay $0x3  }
0x33: {  	p0 =	seq.s32 s10, $0x1;
	s10 =	sld [smem:$0x3FA4];
	_ =	sdelay $0x3  }
0x34: {  	[smem:$0x3FA4] =	sst s10  }
0x35: {  	s10 =	sld [smem:$0x3FA3];
	_ =	sdelay $0x3  }
0x36: {  	p1 =	seq.s32 s10, $0x1;
	s10 =	sld [smem:$0x3FA4];
	_ =	sdelay $0x3  }
0x37: {  	[smem:$0x3FA4] =	sst s10  }
0x38: {  	s10 =	sld [smem:$0x3FA5]  }
0x39: {  	_ = 	snop;
	(pc) =	sbr.ind lr, $3  }
0x3a: {  	_ = 	snop  }
0x3b: {  	_ = 	snop  }
0x3c: {  	p2 =	seq.s32 s10, $0x1;
	s10 =	sld [smem:$0x3FA4]  }
0x3d: {  	_ =	shalt  }
0x3e: {  	_ =	shalt  }
0x3f: {  	_ =	shalt  }
0x40: {  	_ =	shalt  }
0x41: {  	_ =	shalt  }
0x42: {  	_ =	shalt  }
0x43: {  	_ =	shalt  }
0x44: {  	_ =	shalt  }
0x45: {  	_ =	shalt  }
0x46: {  	_ =	shalt  }
0x47: {  	_ =	shalt  }
0x48: {  	_ =	shalt  }
0x49: {  	_ =	shalt  }
0x4a: {  	_ =	shalt  }
0x4b: {  	_ =	shalt  }
0x4c: {  	_ =	shalt  }
0x4d: {  	_ =	shalt  }
0x4e: {  	_ =	shalt  }
0x4f: {  	_ =	shalt  }
0x50: {  	_ =	shalt  }
0x51: {  	_ =	shalt  }
0x52: {  	_ =	shalt  }
0x53: {  	_ =	shalt  }
0x54: {  	_ =	shalt  }
0x55: {  	_ =	shalt  }
0x56: {  	_ =	shalt  }
0x57: {  	_ =	shalt  }
0x58: {  	_ =	shalt  }
0x59: {  	_ =	shalt  }
0x5a: {  	_ =	shalt  }
0x5b: {  	_ =	shalt  }
0x5c: {  	_ =	shalt  }
0x5d: {  	_ =	shalt  }
0x5e: {  	_ =	shalt  }
0x5f: {  	_ =	shalt  }
0x60: {  	_ =	shalt  }
0x61: {  	_ =	shalt  }
0x62: {  	_ =	shalt  }
0x63: {  	_ =	shalt  }
0x64: {  	_ =	shalt  }
0x65: {  	_ =	shalt  }
0x66: {  	_ =	shalt  }
0x67: {  	_ =	shalt  }
0x68: {  	_ =	shalt  }
0x69: {  	_ =	shalt  }
0x6a: {  	_ =	shalt  }
0x6b: {  	_ =	shalt  }
0x6c: {  	_ =	shalt  }
0x6d: {  	_ =	shalt  }
0x6e: {  	_ =	shalt  }
0x6f: {  	_ =	shalt  }
0x70: {  	_ =	shalt  }
0x71: {  	_ =	shalt  }
0x72: {  	_ =	shalt  }
0x73: {  	_ =	shalt  }
0x74: {  	_ =	shalt  }
0x75: {  	_ =	shalt  }
0x76: {  	_ =	shalt  }
0x77: {  	_ =	shalt  }
0x78: {  	_ =	shalt  }
0x79: {  	_ =	shalt  }
0x7a: {  	_ =	shalt  }
0x7b: {  	_ =	shalt  }
0x7c: {  	_ =	shalt  }
0x7d: {  	_ =	shalt  }
0x7e: {  	_ =	shalt  }
0x7f: {  	_ =	shalt  }
0x80: {  	_ =	shalt  }
0x81: {  	_ =	shalt  }
0x82: {  	_ =	shalt  }
0x83: {  	_ =	shalt  }
0x84: {  	_ =	shalt  }
0x85: {  	_ =	shalt  }
0x86: {  	_ =	shalt  }
0x87: {  	_ =	shalt  }
.Lfunc_end0:
.L_simem_size_0:
called_computation_lowered:
.L_overlay_start_0:
0x88: {  	s2 =	sld [smem:$0x3FD9]  }
0x89: {  	s3 =	sld [smem:$0x3FFE];
	_ =	sdelay $0x1  }
0x8a: {  	s1 =	srdreg.scid  }
0x8b: {  	s0 =	sand.u32 $0x1, s1  }
0x8c: {  	s17 =	sshll.u32 s0, $0xA;
	s2 =	sadd.s32 s3, s2  }
0x8d: {  	s2 =	sadd.s32 s2, s17  }
0x8e: {  	[smem:$0x3FB0] =	sst s2  }
0x8f: {  	_ = 	snop  }
0x90: {  	s2 =	sld [smem:$0x3FC9]  }
0x91: {  	s18 =	sld [smem:$0x3FC8];
	(tm) =	ssettm $0x1  }
0x92: {  	s4 =	sld [smem:$0x3FFB];
	_ =	sdelay $0x3  }
0x93: {  	_ =	strace s4  }
0x94: {  	s4 =	sld [smem:$0x3FFC];
	_ =	sdelay $0x3  }
0x95: {  	_ =	strace s4  }
0x96: {  	s4 =	sld [smem:$0x3FFD];
	_ =	sdelay $0x3  }
0x97: {  	_ =	strace s4  }
0x98: {  	_ =	strace $0x8FFFFFFF  }
0x99: {  	s19 =	sld [smem:$0x3FDB];
	_ =	sdelay $0x1  }
0x9a: {  	s5 =	simm.s32 $_scs_section_size  }
0x9b: {  	s6 =	simm.s32 $_size__tile_overlayer_lowered;
	s7 =	simm.s32 $_tile_overlayer_lowered  }
0x9c: {  	s22 =	simm.s32 $0x1BFF;
	s21 =	sshll.u32 s7, $0x1;
	s4 =	sadd.s32 s5, s19  }
0x9d: {  	s8 =	simm.s32 $0x0;
	s20 =	sshll.u32 s6, $0x1;
	s6 =	sadd.s32 s21, s4  }
0x9e: {  	[timem:s8], [sflag:s22] =	dma.local [hbm:s6], s20  }
0x9f: {  	_ =	swait.ge [sflag:s22], s20  }
0xa0: {  	s5 =	ssub.s32 $0x0, s20;
	[sflag:s22] =	ssyncset.done $0x0  }
0xa1: {  	[sflag:s22] =	ssyncadd.s32 s5;
	_ =	sdelay $0x1  }
0xa2: {  	s23 =	simm.s32 $0x1B8B  }
0xa3: {  	_ =	swait.ge [sflag:s23], $0x1  }
0xa4: {  	[sflag:s23] =	ssyncset.done $0x0  }
0xa5: {  	s25 =	simm.s32 $0x1B8E;
	s24 =	sld [smem:$0x3FFE];
	[sflag:s23] =	ssyncadd.s32 $0xFFFFFFFF  }
0xa6: {  	s26 =	simm.s32 $execute0_lowered;
	[smem:$0x3FD2] =	sst s25  }
0xa7: {  	s6 =	sshll.u32 s26, $0x1;
	_ =	strace $0x80000046;
	[dreg:$0x1] =	wrdreg $0xFFFFFFFF  }
0xa8: {  	s28 =	simm.s32 $_size_execute0_lowered;
	s4 =	sadd.s32 s4, s6;
	[dreg:$0x0] =	wrdreg $0x0  }
0xa9: {  	s6 =	sshll.u32 s28, $0x1;
	[dreg:$0x2] =	wrdreg s4  }
0xaa: {  	[dreg:$0x3] =	wrdreg s6  }
0xab: {  	[dreg:$0x4] =	wrdreg $0xC0  }
0xac: {  	_ =	task [dreg:s8], $0x5FFFF  }
0xad: {  	[dreg:$0x1] =	wrdreg $0xFFFFFFFF  }
0xae: {  	[dreg:$0x0] =	wrdreg $0x60  }
0xaf: {  	[dreg:$0x2] =	wrdreg s18  }
0xb0: {  	[dreg:$0x3] =	wrdreg s2  }
0xb1: {  	[dreg:$0x4] =	wrdreg s24  }
0xb2: {  	[dreg:$0x5] =	wrdreg $0x9  }
0xb3: {  	_ =	task.clear_ibuf [dreg:s8], $0x6FFFF;
	_ =	strace $0x90000046  }
0xb4: {  	s29 =	simm.s32 $0x9;
	_ =	strace $0x80000048  }
0xb5: {  	_ =	swait.ge [sflag:s29], $0x1  }
0xb6: {  	[sflag:s29] =	ssyncadd.s32 $0xFFFFFFFF  }
0xb7: {  	_ =	strace $0x90000048  }
0xb8: {  	_ =	sfence  }
0xb9: {  	s30 =	sld [smem:$0x0];
	_ =	sdelay $0x2  }
0xba: {  	s31 =	sshll.u32 s1, $0xD;
	s1 =	sshrl.u32 s1, $0x2  }
0xbb: {  	s3 =	sand.u32 $0x4000, s31;
	s1 =	sadd.s32 s1, s30  }
0xbc: {  	s0 =	sor.u32 s3, s0;
	s1 =	sshll.u32 s1, $0x11  }
0xbd: {  	s0 =	sor.u32 s1, s0  }
0xbe: {  	s0 =	sadd.s32 $0x8F2B, s0  }
0xbf: {  	[sflag:s0] =	ssyncadd.remote.s32 $0x1  }
0xc0: {  	_ =	sfence.sel $0xFFFF  }
0xc1: {  	[dreg:$0x0] =	wrdreg $0xFFFFFFFF;
	(pc) =	sbr.abs _section_cstart, $3  }
0xc2: {  	[dreg:$0x1] =	wrdreg $0xFFFFFFFF  }
0xc3: {  	_ =	task.clear_ibuf [dreg:s8], $0x2FFFF;
	_ =	strace $0x9FFFFFFF  }
0xc4: {  	(tm) =	ssettm $0x7FFFFFFF  }
0xc5: {  	_ =	shalt  }
tec
execute0_lowered:
.L_overlay_start_1:
0x0: {  	(tag) =	ssettag $0x1  }
0x1: {  	s1 =	rddreg [dreg:$0x0]  }
0x2: {  	s2 =	srdreg.scid;
	s4 =	rddreg [dreg:$0x1]  }
0x3: {  	s0 =	stileid.u32;
	s5 =	rddreg [dreg:$0x2];
	s3 =	simm.s32 $0x0  }
0x4: {  	s26 =	simm.s32 $0x880;
	s9 =	simm.s32 $0x1080;
	s10 =	simm.s32 $0x1880  }
0x5: {  	s11 =	simm.s32 $0x2080;
	s12 =	simm.s32 $0x2880;
	s13 =	simm.s32 $0x3080  }
0x6: {  	s14 =	simm.s32 $0x3880;
	s15 =	simm.s32 $0x4080;
	s16 =	simm.s32 $0x4880  }
0x7: {  	s17 =	simm.s32 $0x5080;
	s18 =	simm.s32 $0x5880;
	s19 =	simm.s32 $0x6080  }
0x8: {  	s20 =	simm.s32 $0x6880;
	s21 =	simm.s32 $0x7080;
	s22 =	simm.s32 $0x7880  }
0x9: {  	s23 =	simm.s32 $0x8080;
	s24 =	simm.s32 $0x8880;
	s28 =	simm.s32 $0xA080  }
0xa: {  	s29 =	simm.s32 $0xA880;
	s30 =	simm.s32 $0xB080;
	s31 =	simm.s32 $0xB880  }
0xb: {  	s2 =	sand.u32 $0x1, s2;
	s6 =	sshll.u32 s0, $0x4;
	[smem:$0x7FF] =	sst s3  }
0xc: {  	s7 =	sshll.u32 s2, $0x3;
	s2 =	ssub.s32 $0x2, s2;
	_ =	strace $0x80000047  }
0xd: {  	[dreg:$0x6] =	wrdreg s26;
	s26 =	simm.s32 $0x9880;
	s6 =	sor.u32 s7, s6  }
0xe: {  	s8 =	sshrl.u32 s2, $0x1;
	s7 =	smul.u32 $0x300, s6;
	s4 =	sadd.s32 s4, s6  }
0xf: {  	s2 =	ssub.s32 s2, s8;
	s8 =	simm.s32 $0x80;
	[dreg:$0x4] =	wrdreg s4  }
0x10: {  	v2 =	vlaneseq.u32;
	s4 =	sadd.s32 $0x100, s1;
	s6 =	smax.u32 s2, $0x1;
	s5 =	sadd.s32 s7, s5  }
0x11: {  	vm0 =	vmmov $0xffff;
	v1 =	vshrl.u32 v2, $0x3;
	s2 =	simm.s32 $0x1;
	s7 =	simm.s32 $0x2;
	s25 =	sadd.s32 $0x5400, s5  }
0x12: {  	v0 =	vand.u32 $0x7, v2;
	v2 =	vor.u32 $0x8, v2;
	v1 =	vmul.u32 $0x8, v1;
	s5 =	sadd.s32 $0x200, s1;
	[dreg:$0x5] =	wrdreg s25;
	s25 =	simm.s32 $0x9080  }
.LBB2_1:
0x13: {  	s0 =	rddreg [dreg:$0x4]  }
0x14: {  	[tilespmem:s3], [sflag:$0x2] =	stream.linear.gather [hbm4b:s0+s3], $0x40, $0x38;
	[tilespmem:$0xC080] =	vst v63  }
0x15: {  	_ =	swait.ge [sflag:s7], $0x40  }
0x16: {  	[sflag:s7] =	ssyncset.done $0x0  }
0x17: {  	[sflag:s7] =	ssyncadd.s32 $0xFFFFFFC0  }
0x18: {  	v3 =	vld [tilespmem:$0x0];
	_ =	sdelay $0x4  }
0x19: {  	v4 =	vshrl.u32 v3, $0x3  }
0x1a: {  	v4 =	vmul.u32 $0x30, v4  }
0x1b: {  	v3 =	vand.u32 $0x7, v3  }
0x1c: {  	v3 =	vor.u32 v3, v4  }
0x1d: {  	v4 =	vperm.xlane v3, v0;
	_ =	sdelay $0x1  }
0x1e: {  	v4 =	vadd.s32 v1, v4;
	_ =	sdelay $0x3  }
0x1f: {  	v3 =	vperm.xlane v3, v2  }
0x20: {  	[tilespmem:s8], [sflag:$0x1] =	stream.indirect_vreg.gather [hbm4b:s1+s3], $0x80, v4, vm0, $0xb8;
	[tilespmem:$0xC080] =	vst v63  }
0x21: {  	s0 =	rddreg [dreg:$0x6];
	v3 =	vadd.s32 v1, v3  }
0x22: {  	[tilespmem:s0], [sflag:$0x1] =	stream.indirect_vreg.gather [hbm4b:s4+s3], $0x80, v4, vm0, $0xb8;
	[tilespmem:$0xC080] =	vst v63  }
0x23: {  	_ = 	snop  }
0x24: {  	[tilespmem:s9], [sflag:$0x1] =	stream.indirect_vreg.gather [hbm4b:s5+s3], $0x80, v4, vm0, $0xb8;
	[tilespmem:$0xC080] =	vst v63  }
0x25: {  	_ = 	snop  }
0x26: {  	[tilespmem:s10], [sflag:$0x1] =	stream.indirect_vreg.gather [hbm4b:s1+s3], $0x80, v3, vm0, $0xb8;
	[tilespmem:$0xC080] =	vst v63  }
0x27: {  	_ = 	snop  }
0x28: {  	[tilespmem:s11], [sflag:$0x1] =	stream.indirect_vreg.gather [hbm4b:s4+s3], $0x80, v3, vm0, $0xb8;
	[tilespmem:$0xC080] =	vst v63  }
0x29: {  	_ = 	snop  }
0x2a: {  	[tilespmem:s12], [sflag:$0x1] =	stream.indirect_vreg.gather [hbm4b:s5+s3], $0x80, v3, vm0, $0xb8;
	[tilespmem:$0xC080] =	vst v63  }
0x2b: {  	v3 =	vld [tilespmem:$0x10];
	_ =	sdelay $0x4  }
0x2c: {  	v61 =	vshrl.u32 v3, $0x3  }
0x2d: {  	v4 =	vmul.u32 $0x30, v61  }
0x2e: {  	v3 =	vand.u32 $0x7, v3  }
0x2f: {  	v3 =	vor.u32 v3, v4  }
0x30: {  	v4 =	vperm.xlane v3, v0;
	_ =	sdelay $0x1  }
0x31: {  	v4 =	vadd.s32 v1, v4;
	_ =	sdelay $0x3  }
0x32: {  	v3 =	vperm.xlane v3, v2  }
0x33: {  	[tilespmem:s13], [sflag:$0x1] =	stream.indirect_vreg.gather [hbm4b:s1+s3], $0x80, v4, vm0, $0xb8;
	[tilespmem:$0xC080] =	vst v63  }
0x34: {  	v3 =	vadd.s32 v1, v3  }
0x35: {  	[tilespmem:s14], [sflag:$0x1] =	stream.indirect_vreg.gather [hbm4b:s4+s3], $0x80, v4, vm0, $0xb8;
	[tilespmem:$0xC080] =	vst v63  }
0x36: {  	_ = 	snop  }
0x37: {  	[tilespmem:s15], [sflag:$0x1] =	stream.indirect_vreg.gather [hbm4b:s5+s3], $0x80, v4, vm0, $0xb8;
	[tilespmem:$0xC080] =	vst v63  }
0x38: {  	_ = 	snop  }
0x39: {  	[tilespmem:s16], [sflag:$0x1] =	stream.indirect_vreg.gather [hbm4b:s1+s3], $0x80, v3, vm0, $0xb8;
	[tilespmem:$0xC080] =	vst v63  }
0x3a: {  	_ = 	snop  }
0x3b: {  	[tilespmem:s17], [sflag:$0x1] =	stream.indirect_vreg.gather [hbm4b:s4+s3], $0x80, v3, vm0, $0xb8;
	[tilespmem:$0xC080] =	vst v63  }
0x3c: {  	_ = 	snop  }
0x3d: {  	[tilespmem:s18], [sflag:$0x1] =	stream.indirect_vreg.gather [hbm4b:s5+s3], $0x80, v3, vm0, $0xb8;
	[tilespmem:$0xC080] =	vst v63  }
0x3e: {  	v3 =	vld [tilespmem:$0x20];
	_ =	sdelay $0x4  }
0x3f: {  	v62 =	vshrl.u32 v3, $0x3  }
0x40: {  	v4 =	vmul.u32 $0x30, v62  }
0x41: {  	v3 =	vand.u32 $0x7, v3  }
0x42: {  	v3 =	vor.u32 v3, v4  }
0x43: {  	v4 =	vperm.xlane v3, v0;
	_ =	sdelay $0x1  }
0x44: {  	v4 =	vadd.s32 v1, v4;
	_ =	sdelay $0x3  }
0x45: {  	v3 =	vperm.xlane v3, v2  }
0x46: {  	[tilespmem:s19], [sflag:$0x1] =	stream.indirect_vreg.gather [hbm4b:s1+s3], $0x80, v4, vm0, $0xb8;
	[tilespmem:$0xC080] =	vst v63  }
0x47: {  	v3 =	vadd.s32 v1, v3  }
0x48: {  	[tilespmem:s20], [sflag:$0x1] =	stream.indirect_vreg.gather [hbm4b:s4+s3], $0x80, v4, vm0, $0xb8;
	[tilespmem:$0xC080] =	vst v63  }
0x49: {  	_ = 	snop  }
0x4a: {  	[tilespmem:s21], [sflag:$0x1] =	stream.indirect_vreg.gather [hbm4b:s5+s3], $0x80, v4, vm0, $0xb8;
	[tilespmem:$0xC080] =	vst v63  }
0x4b: {  	_ = 	snop  }
0x4c: {  	[tilespmem:s22], [sflag:$0x1] =	stream.indirect_vreg.gather [hbm4b:s1+s3], $0x80, v3, vm0, $0xb8;
	[tilespmem:$0xC080] =	vst v63  }
0x4d: {  	_ = 	snop  }
0x4e: {  	[tilespmem:s23], [sflag:$0x1] =	stream.indirect_vreg.gather [hbm4b:s4+s3], $0x80, v3, vm0, $0xb8;
	[tilespmem:$0xC080] =	vst v63  }
0x4f: {  	_ = 	snop  }
0x50: {  	[tilespmem:s24], [sflag:$0x1] =	stream.indirect_vreg.gather [hbm4b:s5+s3], $0x80, v3, vm0, $0xb8;
	[tilespmem:$0xC080] =	vst v63  }
0x51: {  	v3 =	vld [tilespmem:$0x30];
	_ =	sdelay $0x4  }
0x52: {  	v63 =	vshrl.u32 v3, $0x3  }
0x53: {  	v4 =	vmul.u32 $0x30, v63  }
0x54: {  	v3 =	vand.u32 $0x7, v3  }
0x55: {  	v3 =	vor.u32 v3, v4  }
0x56: {  	v4 =	vperm.xlane v3, v0;
	_ =	sdelay $0x1  }
0x57: {  	v4 =	vadd.s32 v1, v4;
	_ =	sdelay $0x3  }
0x58: {  	v3 =	vperm.xlane v3, v2  }
0x59: {  	[tilespmem:s25], [sflag:$0x1] =	stream.indirect_vreg.gather [hbm4b:s1+s3], $0x80, v4, vm0, $0xb8;
	[tilespmem:$0xC080] =	vst v63  }
0x5a: {  	v3 =	vadd.s32 v1, v3  }
0x5b: {  	[tilespmem:s26], [sflag:$0x1] =	stream.indirect_vreg.gather [hbm4b:s4+s3], $0x80, v4, vm0, $0xb8;
	[tilespmem:$0xC080] =	vst v63  }
0x5c: {  	_ = 	snop  }
0x5d: {  	[tilespmem:s28], [sflag:$0x1] =	stream.indirect_vreg.gather [hbm4b:s5+s3], $0x80, v4, vm0, $0xb8;
	[tilespmem:$0xC080] =	vst v63  }
0x5e: {  	_ = 	snop  }
0x5f: {  	[tilespmem:s29], [sflag:$0x1] =	stream.indirect_vreg.gather [hbm4b:s1+s3], $0x80, v3, vm0, $0xb8;
	[tilespmem:$0xC080] =	vst v63  }
0x60: {  	_ = 	snop  }
0x61: {  	[tilespmem:s30], [sflag:$0x1] =	stream.indirect_vreg.gather [hbm4b:s4+s3], $0x80, v3, vm0, $0xb8;
	[tilespmem:$0xC080] =	vst v63  }
0x62: {  	_ = 	snop  }
0x63: {  	[tilespmem:s31], [sflag:$0x1] =	stream.indirect_vreg.gather [hbm4b:s5+s3], $0x80, v3, vm0, $0xb8;
	[tilespmem:$0xC080] =	vst v63  }
0x64: {  	_ =	swait.ge [sflag:s2], $0xC000  }
0x65: {  	p0 =	sne.s32 s6, $0x1;
	[sflag:s2] =	ssyncset.done $0x0  }
.Ltmp0:
0x66: {  	s0 =	rddreg [dreg:$0x5];
	[sflag:s2] =	ssyncadd.s32 $0xFFFF4000;
	(pc) =	sbr.rel @p0 .LBB2_1-.Ltmp0, $4  }
0x67: {  	[hbm4b:s0+s3] =	stream.linear.scatter [tilespmem:s8], [sflag:$0x2], $0xC000, $0x38;
	[tilespmem:$0xC080] =	vst v63  }
0x68: {  	_ =	swait.ge [sflag:s7], $0xC000  }
0x69: {  	[sflag:s7] =	ssyncset.done $0x0  }
0x6a: {  	s6 =	sadd.s32 $0xFFFFFFFF, s6;
	[sflag:s7] =	ssyncadd.s32 $0xFFFF4000  }
0x6b: {  	_ =	sfence.sel $0x180000  }
0x6c: {  	[bflag:$0x0] =	sbarrier.arrive $0xFFFF  }
0x6d: {  	_ =	strace $0x90000047  }
0x6e: {  	s0 =	stileid.u32;
	[bflag:$0x2] =	sbarrier.arrive $0xFFFF  }
0x6f: {  	p0 =	sne.s32 s0, $0x0;
	s0 =	rddreg [dreg:$0x3]  }
0x70: {  	s0 =	sadd.s32 @!p0 $0x100000, s0  }
0x71: {  	[sflag:s0] =	ssyncadd.tile.s32 @!p0 $0x1;
	_ =	shalt  }
.Lfunc_end2:
_tile_overlayer_lowered:
.L_overlay_start_2:
0x72: {  	(tag) =	ssettag $0x2  }
0x73: {  	s0 =	rddreg [dreg:$0x0];
	s2 =	stileid.u32  }
0x74: {  	s1 =	rddreg [dreg:$0x1];
	p0 =	sne.s32 s2, $0x0  }
0x75: {  	s3 =	rddreg [dreg:$0x2];
	[bflag:$0x3] =	sbarrier.arrive $0xFFFF;
	s2 =	simm.s32 @!p0 $0x1C02  }
0x76: {  	[timem:s3], [sflag:s2] =	dma.local @!p0 [hbm:s0], s1  }
0x77: {  	s0 =	simm.s32 @!p0 $0x2  }
0x78: {  	_ =	swait.ge @!p0 [sflag:s0], s1  }
0x79: {  	s1 =	ssub.s32 @!p0 $0x0, s1;
	[sflag:s0] =	ssyncset.done @!p0 $0x0  }
0x7a: {  	[sflag:s0] =	ssyncadd.s32 @!p0 s1  }
0x7b: {  	[bflag:$0x3] =	sbarrier.arrive $0xFFFF  }
0x7c: {  	_ =	shalt  }

// kernel: kernel.13.cloned.1.call-start
scs
__scs_entry_jumppad:
0x0: {  	(pc) =	sbr.rel $0x88, $3  }
0x1: {  	(tag) =	ssettag $0x0;
	lr =	simm.s32 $0x1  }
0x2: {  	[smem:$0x3F89] =	sst lr;
	_ =	strace $0xD0000000  }
0x3: {  	_ = 	snop  }
0x4: {  	_ = 	snop  }
0x5: {  	_ = 	snop  }
0x6: {  	_ = 	snop  }
0x7: {  	_ = 	snop  }
__scs_overlays_trampoline_lowered:
0x8: {  	[smem:$0x3F98] =	sst s0  }
0x9: {  	[smem:$0x3F99] =	sst s1  }
0xa: {  	[smem:$0x3F9A] =	sst s2  }
0xb: {  	[smem:$0x3F9B] =	sst s3  }
0xc: {  	[smem:$0x3F9C] =	sst s4  }
0xd: {  	[smem:$0x3F9D] =	sst s5  }
0xe: {  	[smem:$0x3F9E] =	sst s6  }
0xf: {  	[smem:$0x3F9F] =	sst s7  }
0x10: {  	[smem:$0x3FA0] =	sst s8  }
0x11: {  	[smem:$0x3FA1] =	sst s9;
	s0 =	simm.s32 @!p0 $0x0  }
0x12: {  	s1 =	sld [smem:$0x3F87];
	s0 =	simm.s32 @p0 $0x1  }
0x13: {  	[smem:$0x3FA2] =	sst s0;
	s0 =	simm.s32 @!p1 $0x0  }
0x14: {  	s2 =	sld [smem:$0x3F86];
	s0 =	simm.s32 @p1 $0x1  }
0x15: {  	[smem:$0x3FA3] =	sst s0;
	s0 =	simm.s32 @!p2 $0x0  }
0x16: {  	s3 =	sld [smem:$0x3FDB];
	s0 =	simm.s32 @p2 $0x1  }
0x17: {  	s4 =	simm.s32 $0x1BF5;
	[smem:$0x3FA5] =	sst s0  }
0x18: {  	s0 =	sld [smem:$0x3F88];
	_ =	swait.ge [sflag:s4], $0x0  }
0x19: {  	s7 =	sld [smem:$0x3F89]  }
0x1a: {  	s8 =	sadd.s32 $0xFFFFE003, lr  }
0x1b: {  	s9 =	sadd.s32 $0xFFFFFEF7, lr;
	s5 =	simm.s32 $0xFFFFFFFF;
	p2 =	slt.u32 s8, $0xFFFFF086  }
0x1c: {  	p1 =	slt.u32 s9, $0xF7A;
	s5 =	simm.s32 @!p2 $0x0  }
0x1d: {  	s5 =	simm.s32 @p1 $0x1;
	p0 =	seq.s32 s7, s2  }
0x1e: {  	s7 =	smul.u32 @!p0 $0xF7A, s2;
	p2 =	seq.s32 @!p0 s5, $0x0  }
0x1f: {  	s9 =	smul.u32 $0xF7A, s1;
	s8 =	simm.s32 @!p0 $0x1BF5;
	p2 =	por !p2, p0  }
0x20: {  	[sflag:s8] =	ssyncset.s32 @!p0 $0xFFFFF086;
	s6 =	sadd.s32 @!p0 s3, s7;
	s7 =	simm.s32 @!p0 $0x108  }
0x21: {  	s3 =	sadd.s32 s3, s9;
	s6 =	sadd.s32 @!p0 $0x88, s6;
	s7 =	simm.s32 @p2 $0x1082  }
0x22: {  	[simem:s7], [sflag:s8] =	dma.local @!p0 [hbm:s6], $0xF7A  }
0x23: {  	s9 =	sor.u32 $0xD0000000, s2;
	s6 =	simm.s32 $0x108;
	_ =	swait.ge @!p0 [sflag:s8], $0x0  }
0x24: {  	s3 =	sadd.s32 $0x88, s3;
	s6 =	simm.s32 @!p1 $0x1082;
	[sflag:s4] =	ssyncset.s32 $0xFFFFF086  }
0x25: {  	[simem:s6], [sflag:s4] =	dma.local [hbm:s3], $0xF7A  }
0x26: {  	[smem:$0x3F89] =	sst s1;
	(tag) =	ssettag s2;
	_ =	strace s9  }
0x27: {  	s1 =	sld [smem:$0x3F99]  }
0x28: {  	s2 =	sld [smem:$0x3F9A]  }
0x29: {  	s4 =	sld [smem:$0x3F9C]  }
0x2a: {  	p0 =	seq.s32 s5, $0x0;
	s5 =	sld [smem:$0x3F9D]  }
0x2b: {  	s6 =	sld [smem:$0x3F9E]  }
0x2c: {  	s7 =	sld [smem:$0x3F9F]  }
0x2d: {  	s3 =	simm.s32 $0x108;
	s8 =	sld [smem:$0x3FA0]  }
0x2e: {  	s3 =	simm.s32 @!p0 $0x1082;
	s9 =	sld [smem:$0x3FA1]  }
0x2f: {  	lr =	sadd.s32 s0, s3;
	s0 =	sld [smem:$0x3F98]  }
0x30: {  	s3 =	sld [smem:$0x3F9B]  }
0x31: {  	[smem:$0x3FA4] =	sst s10  }
0x32: {  	s10 =	sld [smem:$0x3FA2];
	_ =	sdelay $0x3  }
0x33: {  	p0 =	seq.s32 s10, $0x1;
	s10 =	sld [smem:$0x3FA4];
	_ =	sdelay $0x3  }
0x34: {  	[smem:$0x3FA4] =	sst s10  }
0x35: {  	s10 =	sld [smem:$0x3FA3];
	_ =	sdelay $0x3  }
0x36: {  	p1 =	seq.s32 s10, $0x1;
	s10 =	sld [smem:$0x3FA4];
	_ =	sdelay $0x3  }
0x37: {  	[smem:$0x3FA4] =	sst s10  }
0x38: {  	s10 =	sld [smem:$0x3FA5]  }
0x39: {  	_ = 	snop;
	(pc) =	sbr.ind lr, $3  }
0x3a: {  	_ = 	snop  }
0x3b: {  	_ = 	snop  }
0x3c: {  	p2 =	seq.s32 s10, $0x1;
	s10 =	sld [smem:$0x3FA4]  }
0x3d: {  	_ =	shalt  }
0x3e: {  	_ =	shalt  }
0x3f: {  	_ =	shalt  }
0x40: {  	_ =	shalt  }
0x41: {  	_ =	shalt  }
0x42: {  	_ =	shalt  }
0x43: {  	_ =	shalt  }
0x44: {  	_ =	shalt  }
0x45: {  	_ =	shalt  }
0x46: {  	_ =	shalt  }
0x47: {  	_ =	shalt  }
0x48: {  	_ =	shalt  }
0x49: {  	_ =	shalt  }
0x4a: {  	_ =	shalt  }
0x4b: {  	_ =	shalt  }
0x4c: {  	_ =	shalt  }
0x4d: {  	_ =	shalt  }
0x4e: {  	_ =	shalt  }
0x4f: {  	_ =	shalt  }
0x50: {  	_ =	shalt  }
0x51: {  	_ =	shalt  }
0x52: {  	_ =	shalt  }
0x53: {  	_ =	shalt  }
0x54: {  	_ =	shalt  }
0x55: {  	_ =	shalt  }
0x56: {  	_ =	shalt  }
0x57: {  	_ =	shalt  }
0x58: {  	_ =	shalt  }
0x59: {  	_ =	shalt  }
0x5a: {  	_ =	shalt  }
0x5b: {  	_ =	shalt  }
0x5c: {  	_ =	shalt  }
0x5d: {  	_ =	shalt  }
0x5e: {  	_ =	shalt  }
0x5f: {  	_ =	shalt  }
0x60: {  	_ =	shalt  }
0x61: {  	_ =	shalt  }
0x62: {  	_ =	shalt  }
0x63: {  	_ =	shalt  }
0x64: {  	_ =	shalt  }
0x65: {  	_ =	shalt  }
0x66: {  	_ =	shalt  }
0x67: {  	_ =	shalt  }
0x68: {  	_ =	shalt  }
0x69: {  	_ =	shalt  }
0x6a: {  	_ =	shalt  }
0x6b: {  	_ =	shalt  }
0x6c: {  	_ =	shalt  }
0x6d: {  	_ =	shalt  }
0x6e: {  	_ =	shalt  }
0x6f: {  	_ =	shalt  }
0x70: {  	_ =	shalt  }
0x71: {  	_ =	shalt  }
0x72: {  	_ =	shalt  }
0x73: {  	_ =	shalt  }
0x74: {  	_ =	shalt  }
0x75: {  	_ =	shalt  }
0x76: {  	_ =	shalt  }
0x77: {  	_ =	shalt  }
0x78: {  	_ =	shalt  }
0x79: {  	_ =	shalt  }
0x7a: {  	_ =	shalt  }
0x7b: {  	_ =	shalt  }
0x7c: {  	_ =	shalt  }
0x7d: {  	_ =	shalt  }
0x7e: {  	_ =	shalt  }
0x7f: {  	_ =	shalt  }
0x80: {  	_ =	shalt  }
0x81: {  	_ =	shalt  }
0x82: {  	_ =	shalt  }
0x83: {  	_ =	shalt  }
0x84: {  	_ =	shalt  }
0x85: {  	_ =	shalt  }
0x86: {  	_ =	shalt  }
0x87: {  	_ =	shalt  }
.Lfunc_end0:
.L_simem_size_0:
called_computation.1_lowered:
.L_overlay_start_0:
0x88: {  	s2 =	sld [smem:$0x3FD9]  }
0x89: {  	s3 =	sld [smem:$0x3FFE];
	_ =	sdelay $0x1  }
0x8a: {  	s1 =	srdreg.scid  }
0x8b: {  	s0 =	sand.u32 $0x1, s1  }
0x8c: {  	s16 =	sshll.u32 s0, $0xA;
	s2 =	sadd.s32 s3, s2  }
0x8d: {  	s2 =	sadd.s32 s2, s16  }
0x8e: {  	[smem:$0x3FB0] =	sst s2  }
0x8f: {  	_ = 	snop  }
0x90: {  	(tm) =	ssettm $0x1  }
0x91: {  	s17 =	sld [smem:$0x3FFB];
	_ =	sdelay $0x3  }
0x92: {  	_ =	strace s17  }
0x93: {  	s2 =	sld [smem:$0x3FFC];
	_ =	sdelay $0x3  }
0x94: {  	_ =	strace s2  }
0x95: {  	s2 =	sld [smem:$0x3FFD];
	_ =	sdelay $0x3  }
0x96: {  	_ =	strace s2  }
0x97: {  	_ =	strace $0x8FFFFFFF  }
0x98: {  	s18 =	sld [smem:$0x3FDB];
	_ =	sdelay $0x1  }
0x99: {  	s19 =	simm.s32 $_scs_section_size  }
0x9a: {  	s4 =	simm.s32 $_size__tile_overlayer_lowered;
	s5 =	simm.s32 $_tile_overlayer_lowered  }
0x9b: {  	s22 =	simm.s32 $0x1BFF;
	s21 =	sshll.u32 s5, $0x1;
	s2 =	sadd.s32 s19, s18  }
0x9c: {  	s6 =	simm.s32 $0x0;
	s20 =	sshll.u32 s4, $0x1;
	s4 =	sadd.s32 s21, s2  }
0x9d: {  	[timem:s6], [sflag:s22] =	dma.local [hbm:s4], s20  }
0x9e: {  	_ =	swait.ge [sflag:s22], s20  }
0x9f: {  	s3 =	ssub.s32 $0x0, s20;
	[sflag:s22] =	ssyncset.done $0x0  }
0xa0: {  	[sflag:s22] =	ssyncadd.s32 s3;
	_ =	sdelay $0x1  }
0xa1: {  	s23 =	simm.s32 $0x1B8B  }
0xa2: {  	_ =	swait.ge [sflag:s23], $0x1  }
0xa3: {  	[sflag:s23] =	ssyncset.done $0x0  }
0xa4: {  	s25 =	simm.s32 $0x1B8E;
	s24 =	sld [smem:$0x3FFE];
	[sflag:s23] =	ssyncadd.s32 $0xFFFFFFFF  }
0xa5: {  	s26 =	simm.s32 $execute0_lowered;
	[smem:$0x3FD2] =	sst s25  }
0xa6: {  	s4 =	sshll.u32 s26, $0x1;
	_ =	strace $0x80000049;
	[dreg:$0x1] =	wrdreg $0xFFFFFFFF  }
0xa7: {  	s28 =	simm.s32 $_size_execute0_lowered;
	s2 =	sadd.s32 s2, s4;
	[dreg:$0x0] =	wrdreg $0x0  }
0xa8: {  	s4 =	sshll.u32 s28, $0x1;
	[dreg:$0x2] =	wrdreg s2  }
0xa9: {  	[dreg:$0x3] =	wrdreg s4  }
0xaa: {  	[dreg:$0x4] =	wrdreg $0xC0  }
0xab: {  	_ =	task [dreg:s6], $0x5FFFF  }
0xac: {  	[dreg:$0x1] =	wrdreg $0xFFFFFFFF  }
0xad: {  	[dreg:$0x0] =	wrdreg $0x60  }
0xae: {  	[dreg:$0x2] =	wrdreg s24  }
0xaf: {  	[dreg:$0x3] =	wrdreg $0x9  }
0xb0: {  	_ =	task.clear_ibuf [dreg:s6], $0x4FFFF;
	_ =	strace $0x90000049  }
0xb1: {  	s29 =	simm.s32 $0x9;
	_ =	strace $0x8000004B  }
0xb2: {  	_ =	swait.ge [sflag:s29], $0x1  }
0xb3: {  	[sflag:s29] =	ssyncadd.s32 $0xFFFFFFFF  }
0xb4: {  	_ =	strace $0x9000004B  }
0xb5: {  	_ =	sfence  }
0xb6: {  	s30 =	sld [smem:$0x0];
	_ =	sdelay $0x2  }
0xb7: {  	s31 =	sshll.u32 s1, $0xD;
	s1 =	sshrl.u32 s1, $0x2  }
0xb8: {  	s3 =	sand.u32 $0x4000, s31;
	s1 =	sadd.s32 s1, s30  }
0xb9: {  	s0 =	sor.u32 s3, s0;
	s1 =	sshll.u32 s1, $0x11  }
0xba: {  	s0 =	sor.u32 s1, s0  }
0xbb: {  	s0 =	sadd.s32 $0x8F2B, s0  }
0xbc: {  	[sflag:s0] =	ssyncadd.remote.s32 $0x1  }
0xbd: {  	_ =	sfence.sel $0xFFFF  }
0xbe: {  	[dreg:$0x0] =	wrdreg $0xFFFFFFFF;
	(pc) =	sbr.abs _section_cstart, $3  }
0xbf: {  	[dreg:$0x1] =	wrdreg $0xFFFFFFFF  }
0xc0: {  	_ =	task.clear_ibuf [dreg:s6], $0x2FFFF;
	_ =	strace $0x9FFFFFFF  }
0xc1: {  	(tm) =	ssettm $0x7FFFFFFF  }
tec
execute0_lowered:
.L_overlay_start_1:
0x0: {  	(tag) =	ssettag $0x1  }
0x1: {  	s1 =	srdreg.scid;
	s0 =	stileid.u32  }
0x2: {  	s2 =	simm.s32 $0x0;
	s4 =	sand.u32 $0x1, s1;
	s9 =	sshll.u32 s0, $0x1  }
0x3: {  	[smem:$0x7FF] =	sst s2;
	s1 =	sor.u32 s4, s9  }
0x4: {  	s11 =	simm.s32 $0x900;
	s3 =	smul.u32 $0xA0, s1;
	s1 =	rddreg [dreg:$0x0]  }
0x5: {  	s12 =	simm.s32 $0x1100;
	_ =	strace $0x8000004A;
	[dreg:$0x6] =	wrdreg s11  }
0x6: {  	s13 =	simm.s32 $0x1900;
	[dreg:$0x7] =	wrdreg s12  }
0x7: {  	s14 =	simm.s32 $0x2100;
	[dreg:$0x8] =	wrdreg s13  }
0x8: {  	s15 =	simm.s32 $0x2900;
	[dreg:$0x9] =	wrdreg s14  }
0x9: {  	s16 =	simm.s32 $0x3100;
	[dreg:$0xa] =	wrdreg s15  }
0xa: {  	s17 =	simm.s32 $0x3900;
	[dreg:$0xb] =	wrdreg s16  }
0xb: {  	s18 =	simm.s32 $0x4100;
	[dreg:$0xc] =	wrdreg s17  }
0xc: {  	s19 =	simm.s32 $0x4900;
	[dreg:$0xd] =	wrdreg s18  }
0xd: {  	s20 =	simm.s32 $0x5100;
	[dreg:$0xe] =	wrdreg s19  }
0xe: {  	s21 =	simm.s32 $0x5900;
	[dreg:$0xf] =	wrdreg s20  }
0xf: {  	s22 =	simm.s32 $0x6100;
	[dreg:$0x10] =	wrdreg s21  }
0x10: {  	s23 =	simm.s32 $0x6900;
	[dreg:$0x11] =	wrdreg s22  }
0x11: {  	s24 =	simm.s32 $0x7100;
	[dreg:$0x12] =	wrdreg s23  }
0x12: {  	s25 =	simm.s32 $0x7900;
	[dreg:$0x13] =	wrdreg s24  }
0x13: {  	s26 =	simm.s32 $0x8100;
	[dreg:$0x14] =	wrdreg s25  }
0x14: {  	s0 =	simm.s32 $0x8900;
	[dreg:$0x15] =	wrdreg s26  }
0x15: {  	s7 =	simm.s32 $0xA100;
	[dreg:$0x16] =	wrdreg s0  }
0x16: {  	s8 =	simm.s32 $0xA900;
	[dreg:$0x19] =	wrdreg s7  }
0x17: {  	s9 =	simm.s32 $0xB100;
	[dreg:$0x1a] =	wrdreg s8  }
0x18: {  	[dreg:$0x1b] =	wrdreg s9;
	s11 =	simm.s32 $0xC100  }
0x19: {  	s12 =	simm.s32 $0xC900;
	[dreg:$0x1d] =	wrdreg s11  }
0x1a: {  	s13 =	simm.s32 $0xD100;
	[dreg:$0x1e] =	wrdreg s12  }
0x1b: {  	s14 =	simm.s32 $0xD900;
	[dreg:$0x1f] =	wrdreg s13  }
0x1c: {  	s15 =	simm.s32 $0xE100;
	[smem:$0x7F1] =	sst s14  }
0x1d: {  	s16 =	simm.s32 $0xE900;
	[smem:$0x7F2] =	sst s15  }
0x1e: {  	s17 =	simm.s32 $0x80;
	[smem:$0x7F3] =	sst s16  }
0x1f: {  	s18 =	simm.s32 $0xF900;
	[smem:$0x7F4] =	sst s17  }
0x20: {  	s19 =	simm.s32 $0x10100;
	[smem:$0x7F5] =	sst s18  }
0x21: {  	s28 =	simm.s32 $0x1C900;
	s21 =	simm.s32 $0x10900;
	[smem:$0x7F6] =	sst s19  }
0x22: {  	s29 =	simm.s32 $0x1D100;
	s22 =	simm.s32 $0x11100;
	[smem:$0x7F7] =	sst s21  }
0x23: {  	s30 =	simm.s32 $0x1D900;
	s7 =	simm.s32 $0x11900;
	[smem:$0x7F8] =	sst s22  }
0x24: {  	s31 =	simm.s32 $0x1;
	s23 =	simm.s32 $0x12100;
	[smem:$0x7F9] =	sst s7  }
0x25: {  	s4 =	ssub.s32 $0x2, s4;
	s24 =	simm.s32 $0x12900;
	[smem:$0x7FA] =	sst s23  }
0x26: {  	s20 =	sshrl.u32 s4, $0x1;
	s25 =	simm.s32 $0x13100;
	[smem:$0x7FB] =	sst s24  }
0x27: {  	s8 =	simm.s32 $0x100;
	s26 =	simm.s32 $0x13900;
	[smem:$0x7FC] =	sst s25  }
0x28: {  	s9 =	simm.s32 $0xF100;
	s7 =	simm.s32 $0x3;
	[smem:$0x7FD] =	sst s26  }
0x29: {  	s12 =	simm.s32 $0x15100;
	s13 =	simm.s32 $0x15900;
	s14 =	simm.s32 $0x16100  }
0x2a: {  	s15 =	simm.s32 $0x16900;
	s16 =	simm.s32 $0x17100;
	s17 =	simm.s32 $0x17900  }
0x2b: {  	s18 =	simm.s32 $0x18100;
	s19 =	simm.s32 $0x18900;
	s21 =	simm.s32 $0x19900  }
0x2c: {  	s22 =	simm.s32 $0x1A100;
	s23 =	simm.s32 $0x1A900;
	s3 =	sshrl.u32 s3, $0x3  }
0x2d: {  	s24 =	simm.s32 $0x1B100;
	s5 =	sadd.s32 s3, s1;
	s3 =	smul.u32 $0x300, s3  }
0x2e: {  	s25 =	simm.s32 $0x1B900;
	s26 =	simm.s32 $0x1C100;
	s6 =	sadd.s32 $0x35800, s5  }
0x2f: {  	s5 =	sadd.s32 $0x3580A, s5;
	s3 =	sadd.s32 s3, s1;
	[dreg:$0x2] =	wrdreg s6  }
0x30: {  	[dreg:$0x3] =	wrdreg s5;
	s5 =	simm.s32 $0x9100;
	s6 =	simm.s32 $0x9900  }
0x31: {  	s10 =	sadd.s32 $0x35C00, s3;
	s3 =	sadd.s32 $0x37A00, s3;
	[dreg:$0x17] =	wrdreg s5  }
0x32: {  	[dreg:$0x18] =	wrdreg s6;
	s6 =	ssub.s32 s4, s20;
	s4 =	sadd.s32 $0x5500, s1  }
0x33: {  	v2 =	vlaneseq.u32;
	s5 =	sadd.s32 $0x5600, s1;
	s20 =	simm.s32 $0x19100;
	[dreg:$0x4] =	wrdreg s10  }
0x34: {  	vm0 =	vmmov $0xffff;
	v1 =	vshrl.u32 v2, $0x3;
	[dreg:$0x5] =	wrdreg s3;
	s10 =	simm.s32 $0xB900;
	s3 =	sadd.s32 $0x5400, s1  }
0x35: {  	v0 =	vand.u32 $0x7, v2;
	v2 =	vor.u32 $0x8, v2;
	v1 =	vmul.u32 $0x8, v1;
	s6 =	smax.u32 s6, $0x1;
	s1 =	simm.s32 $0x2;
	[dreg:$0x1c] =	wrdreg s10  }
.LBB2_1:
0x36: {  	s0 =	rddreg [dreg:$0x2]  }
0x37: {  	[tilespmem:s2], [sflag:$0x3] =	stream.linear.gather [hbm4b:s0+s2], $0x50, $0x38;
	[tilespmem:$0x1E100] =	vst v63  }
0x38: {  	_ =	swait.ge [sflag:s7], $0x50  }
0x39: {  	[sflag:s7] =	ssyncset.done $0x0  }
0x3a: {  	[sflag:s7] =	ssyncadd.s32 $0xFFFFFFB0  }
0x3b: {  	v3 =	vld [tilespmem:$0x0];
	_ =	sdelay $0x4  }
0x3c: {  	v4 =	vshrl.u32 v3, $0x3  }
0x3d: {  	v4 =	vmul.u32 $0x30, v4  }
0x3e: {  	v3 =	vand.u32 $0x7, v3  }
0x3f: {  	v3 =	vor.u32 v3, v4  }
0x40: {  	v4 =	vperm.xlane v3, v0;
	_ =	sdelay $0x1  }
0x41: {  	v4 =	vadd.s32 v1, v4;
	_ =	sdelay $0x3  }
0x42: {  	v3 =	vperm.xlane v3, v2  }
0x43: {  	[tilespmem:s8], [sflag:$0x1] =	stream.indirect_vreg.gather [hbm4b:s3+s2], $0x80, v4, vm0, $0xb8;
	[tilespmem:$0x1E100] =	vst v63  }
0x44: {  	s11 =	rddreg [dreg:$0x6];
	v3 =	vadd.s32 v1, v3  }
0x45: {  	[tilespmem:s11], [sflag:$0x1] =	stream.indirect_vreg.gather [hbm4b:s4+s2], $0x80, v4, vm0, $0xb8;
	[tilespmem:$0x1E100] =	vst v63  }
0x46: {  	s10 =	rddreg [dreg:$0x7]  }
0x47: {  	[tilespmem:s10], [sflag:$0x1] =	stream.indirect_vreg.gather [hbm4b:s5+s2], $0x80, v4, vm0, $0xb8;
	[tilespmem:$0x1E100] =	vst v63  }
0x48: {  	s11 =	rddreg [dreg:$0x8]  }
0x49: {  	[tilespmem:s11], [sflag:$0x1] =	stream.indirect_vreg.gather [hbm4b:s3+s2], $0x80, v3, vm0, $0xb8;
	[tilespmem:$0x1E100] =	vst v63  }
0x4a: {  	s10 =	rddreg [dreg:$0x9]  }
0x4b: {  	[tilespmem:s10], [sflag:$0x1] =	stream.indirect_vreg.gather [hbm4b:s4+s2], $0x80, v3, vm0, $0xb8;
	[tilespmem:$0x1E100] =	vst v63  }
0x4c: {  	s11 =	rddreg [dreg:$0xa]  }
0x4d: {  	[tilespmem:s11], [sflag:$0x1] =	stream.indirect_vreg.gather [hbm4b:s5+s2], $0x80, v3, vm0, $0xb8;
	[tilespmem:$0x1E100] =	vst v63  }
0x4e: {  	v3 =	vld [tilespmem:$0x10];
	_ =	sdelay $0x4  }
0x4f: {  	v55 =	vshrl.u32 v3, $0x3  }
0x50: {  	v4 =	vmul.u32 $0x30, v55  }
0x51: {  	v3 =	vand.u32 $0x7, v3  }
0x52: {  	v3 =	vor.u32 v3, v4  }
0x53: {  	v4 =	vperm.xlane v3, v0;
	_ =	sdelay $0x1  }
0x54: {  	v4 =	vadd.s32 v1, v4;
	_ =	sdelay $0x3  }
0x55: {  	s10 =	rddreg [dreg:$0xb];
	v3 =	vperm.xlane v3, v2  }
0x56: {  	[tilespmem:s10], [sflag:$0x1] =	stream.indirect_vreg.gather [hbm4b:s3+s2], $0x80, v4, vm0, $0xb8;
	[tilespmem:$0x1E100] =	vst v63  }
0x57: {  	s11 =	rddreg [dreg:$0xc];
	v3 =	vadd.s32 v1, v3  }
0x58: {  	[tilespmem:s11], [sflag:$0x1] =	stream.indirect_vreg.gather [hbm4b:s4+s2], $0x80, v4, vm0, $0xb8;
	[tilespmem:$0x1E100] =	vst v63  }
0x59: {  	s0 =	rddreg [dreg:$0xd]  }
0x5a: {  	[tilespmem:s0], [sflag:$0x1] =	stream.indirect_vreg.gather [hbm4b:s5+s2], $0x80, v4, vm0, $0xb8;
	[tilespmem:$0x1E100] =	vst v63  }
0x5b: {  	s11 =	rddreg [dreg:$0xe]  }
0x5c: {  	[tilespmem:s11], [sflag:$0x1] =	stream.indirect_vreg.gather [hbm4b:s3+s2], $0x80, v3, vm0, $0xb8;
	[tilespmem:$0x1E100] =	vst v63  }
0x5d: {  	s0 =	rddreg [dreg:$0xf]  }
0x5e: {  	[tilespmem:s0], [sflag:$0x1] =	stream.indirect_vreg.gather [hbm4b:s4+s2], $0x80, v3, vm0, $0xb8;
	[tilespmem:$0x1E100] =	vst v63  }
0x5f: {  	s11 =	rddreg [dreg:$0x10]  }
0x60: {  	[tilespmem:s11], [sflag:$0x1] =	stream.indirect_vreg.gather [hbm4b:s5+s2], $0x80, v3, vm0, $0xb8;
	[tilespmem:$0x1E100] =	vst v63  }
0x61: {  	v3 =	vld [tilespmem:$0x20];
	_ =	sdelay $0x4  }
0x62: {  	v56 =	vshrl.u32 v3, $0x3  }
0x63: {  	v4 =	vmul.u32 $0x30, v56  }
0x64: {  	v3 =	vand.u32 $0x7, v3  }
0x65: {  	v3 =	vor.u32 v3, v4  }
0x66: {  	v4 =	vperm.xlane v3, v0;
	_ =	sdelay $0x1  }
0x67: {  	v4 =	vadd.s32 v1, v4;
	_ =	sdelay $0x3  }
0x68: {  	s10 =	rddreg [dreg:$0x11];
	v3 =	vperm.xlane v3, v2  }
0x69: {  	[tilespmem:s10], [sflag:$0x1] =	stream.indirect_vreg.gather [hbm4b:s3+s2], $0x80, v4, vm0, $0xb8;
	[tilespmem:$0x1E100] =	vst v63  }
0x6a: {  	s11 =	rddreg [dreg:$0x12];
	v3 =	vadd.s32 v1, v3  }
0x6b: {  	[tilespmem:s11], [sflag:$0x1] =	stream.indirect_vreg.gather [hbm4b:s4+s2], $0x80, v4, vm0, $0xb8;
	[tilespmem:$0x1E100] =	vst v63  }
0x6c: {  	s0 =	rddreg [dreg:$0x13]  }
0x6d: {  	[tilespmem:s0], [sflag:$0x1] =	stream.indirect_vreg.gather [hbm4b:s5+s2], $0x80, v4, vm0, $0xb8;
	[tilespmem:$0x1E100] =	vst v63  }
0x6e: {  	s11 =	rddreg [dreg:$0x14]  }
0x6f: {  	[tilespmem:s11], [sflag:$0x1] =	stream.indirect_vreg.gather [hbm4b:s3+s2], $0x80, v3, vm0, $0xb8;
	[tilespmem:$0x1E100] =	vst v63  }
0x70: {  	s0 =	rddreg [dreg:$0x15]  }
0x71: {  	[tilespmem:s0], [sflag:$0x1] =	stream.indirect_vreg.gather [hbm4b:s4+s2], $0x80, v3, vm0, $0xb8;
	[tilespmem:$0x1E100] =	vst v63  }
0x72: {  	s11 =	rddreg [dreg:$0x16]  }
0x73: {  	[tilespmem:s11], [sflag:$0x1] =	stream.indirect_vreg.gather [hbm4b:s5+s2], $0x80, v3, vm0, $0xb8;
	[tilespmem:$0x1E100] =	vst v63  }
0x74: {  	v3 =	vld [tilespmem:$0x30];
	_ =	sdelay $0x4  }
0x75: {  	v57 =	vshrl.u32 v3, $0x3  }
0x76: {  	v4 =	vmul.u32 $0x30, v57  }
0x77: {  	v3 =	vand.u32 $0x7, v3  }
0x78: {  	v3 =	vor.u32 v3, v4  }
0x79: {  	v4 =	vperm.xlane v3, v0;
	_ =	sdelay $0x1  }
0x7a: {  	v4 =	vadd.s32 v1, v4;
	_ =	sdelay $0x3  }
0x7b: {  	s10 =	rddreg [dreg:$0x17];
	v3 =	vperm.xlane v3, v2  }
0x7c: {  	[tilespmem:s10], [sflag:$0x1] =	stream.indirect_vreg.gather [hbm4b:s3+s2], $0x80, v4, vm0, $0xb8;
	[tilespmem:$0x1E100] =	vst v63  }
0x7d: {  	s11 =	rddreg [dreg:$0x18];
	v3 =	vadd.s32 v1, v3  }
0x7e: {  	[tilespmem:s11], [sflag:$0x1] =	stream.indirect_vreg.gather [hbm4b:s4+s2], $0x80, v4, vm0, $0xb8;
	[tilespmem:$0x1E100] =	vst v63  }
0x7f: {  	s0 =	rddreg [dreg:$0x19]  }
0x80: {  	[tilespmem:s0], [sflag:$0x1] =	stream.indirect_vreg.gather [hbm4b:s5+s2], $0x80, v4, vm0, $0xb8;
	[tilespmem:$0x1E100] =	vst v63  }
0x81: {  	s11 =	rddreg [dreg:$0x1a]  }
0x82: {  	[tilespmem:s11], [sflag:$0x1] =	stream.indirect_vreg.gather [hbm4b:s3+s2], $0x80, v3, vm0, $0xb8;
	[tilespmem:$0x1E100] =	vst v63  }
0x83: {  	s0 =	rddreg [dreg:$0x1b]  }
0x84: {  	[tilespmem:s0], [sflag:$0x1] =	stream.indirect_vreg.gather [hbm4b:s4+s2], $0x80, v3, vm0, $0xb8;
	[tilespmem:$0x1E100] =	vst v63  }
0x85: {  	s11 =	rddreg [dreg:$0x1c]  }
0x86: {  	[tilespmem:s11], [sflag:$0x1] =	stream.indirect_vreg.gather [hbm4b:s5+s2], $0x80, v3, vm0, $0xb8;
	[tilespmem:$0x1E100] =	vst v63  }
0x87: {  	v3 =	vld [tilespmem:$0x40];
	_ =	sdelay $0x4  }
0x88: {  	v58 =	vshrl.u32 v3, $0x3  }
0x89: {  	v4 =	vmul.u32 $0x30, v58  }
0x8a: {  	v3 =	vand.u32 $0x7, v3  }
0x8b: {  	v3 =	vor.u32 v3, v4  }
0x8c: {  	v4 =	vperm.xlane v3, v0;
	_ =	sdelay $0x1  }
0x8d: {  	v4 =	vadd.s32 v1, v4;
	_ =	sdelay $0x2  }
0x8e: {  	s10 =	rddreg [dreg:$0x1e]  }
0x8f: {  	s11 =	rddreg [dreg:$0x1d];
	v3 =	vperm.xlane v3, v2  }
0x90: {  	[tilespmem:s11], [sflag:$0x1] =	stream.indirect_vreg.gather [hbm4b:s3+s2], $0x80, v4, vm0, $0xb8;
	[tilespmem:$0x1E100] =	vst v63  }
0x91: {  	v3 =	vadd.s32 v1, v3;
	s11 =	rddreg [dreg:$0x1f]  }
0x92: {  	[tilespmem:s10], [sflag:$0x1] =	stream.indirect_vreg.gather [hbm4b:s4+s2], $0x80, v4, vm0, $0xb8;
	[tilespmem:$0x1E100] =	vst v63  }
0x93: {  	s10 =	sld [smem:$0x7F1]  }
0x94: {  	[tilespmem:s11], [sflag:$0x1] =	stream.indirect_vreg.gather [hbm4b:s5+s2], $0x80, v4, vm0, $0xb8;
	[tilespmem:$0x1E100] =	vst v63  }
0x95: {  	s11 =	sld [smem:$0x7F2]  }
0x96: {  	[tilespmem:s10], [sflag:$0x1] =	stream.indirect_vreg.gather [hbm4b:s3+s2], $0x80, v3, vm0, $0xb8;
	[tilespmem:$0x1E100] =	vst v63  }
0x97: {  	s0 =	sld [smem:$0x7F3]  }
0x98: {  	[tilespmem:s11], [sflag:$0x1] =	stream.indirect_vreg.gather [hbm4b:s4+s2], $0x80, v3, vm0, $0xb8;
	[tilespmem:$0x1E100] =	vst v63  }
0x99: {  	s11 =	sld [smem:$0x7F4]  }
0x9a: {  	[tilespmem:s0], [sflag:$0x1] =	stream.indirect_vreg.gather [hbm4b:s5+s2], $0x80, v3, vm0, $0xb8;
	[tilespmem:$0x1E100] =	vst v63  }
0x9b: {  	s10 =	rddreg [dreg:$0x3]  }
0x9c: {  	[tilespmem:s11], [sflag:$0x3] =	stream.linear.gather [hbm4b:s10+s2], $0x50, $0x38;
	[tilespmem:$0x1E100] =	vst v63  }
0x9d: {  	_ =	swait.ge [sflag:s7], $0x50  }
0x9e: {  	[sflag:s7] =	ssyncset.done $0x0  }
0x9f: {  	[sflag:s7] =	ssyncadd.s32 $0xFFFFFFB0  }
0xa0: {  	v3 =	vld [tilespmem:$0x80];
	_ =	sdelay $0x4  }
0xa1: {  	v59 =	vshrl.u32 v3, $0x3  }
0xa2: {  	v4 =	vmul.u32 $0x30, v59  }
0xa3: {  	v3 =	vand.u32 $0x7, v3  }
0xa4: {  	v3 =	vor.u32 v3, v4  }
0xa5: {  	v4 =	vperm.xlane v3, v0;
	_ =	sdelay $0x1  }
0xa6: {  	v4 =	vadd.s32 v1, v4;
	_ =	sdelay $0x3  }
0xa7: {  	s11 =	sld [smem:$0x7F5];
	v3 =	vperm.xlane v3, v2  }
0xa8: {  	[tilespmem:s9], [sflag:$0x2] =	stream.indirect_vreg.gather [hbm4b:s3+s2], $0x80, v4, vm0, $0xb8;
	[tilespmem:$0x1E100] =	vst v63  }
0xa9: {  	s10 =	sld [smem:$0x7F6];
	v3 =	vadd.s32 v1, v3  }
0xaa: {  	[tilespmem:s11], [sflag:$0x2] =	stream.indirect_vreg.gather [hbm4b:s4+s2], $0x80, v4, vm0, $0xb8;
	[tilespmem:$0x1E100] =	vst v63  }
0xab: {  	s11 =	sld [smem:$0x7F7]  }
0xac: {  	[tilespmem:s10], [sflag:$0x2] =	stream.indirect_vreg.gather [hbm4b:s5+s2], $0x80, v4, vm0, $0xb8;
	[tilespmem:$0x1E100] =	vst v63  }
0xad: {  	s10 =	sld [smem:$0x7F8]  }
0xae: {  	[tilespmem:s11], [sflag:$0x2] =	stream.indirect_vreg.gather [hbm4b:s3+s2], $0x80, v3, vm0, $0xb8;
	[tilespmem:$0x1E100] =	vst v63  }
0xaf: {  	s11 =	sld [smem:$0x7F9]  }
0xb0: {  	[tilespmem:s10], [sflag:$0x2] =	stream.indirect_vreg.gather [hbm4b:s4+s2], $0x80, v3, vm0, $0xb8;
	[tilespmem:$0x1E100] =	vst v63  }
0xb1: {  	_ = 	snop  }
0xb2: {  	[tilespmem:s11], [sflag:$0x2] =	stream.indirect_vreg.gather [hbm4b:s5+s2], $0x80, v3, vm0, $0xb8;
	[tilespmem:$0x1E100] =	vst v63  }
0xb3: {  	v3 =	vld [tilespmem:$0x90];
	_ =	sdelay $0x4  }
0xb4: {  	v60 =	vshrl.u32 v3, $0x3  }
0xb5: {  	v4 =	vmul.u32 $0x30, v60  }
0xb6: {  	v3 =	vand.u32 $0x7, v3  }
0xb7: {  	v3 =	vor.u32 v3, v4  }
0xb8: {  	v4 =	vperm.xlane v3, v0;
	_ =	sdelay $0x1  }
0xb9: {  	v4 =	vadd.s32 v1, v4;
	_ =	sdelay $0x1  }
0xba: {  	s10 =	sld [smem:$0x7FA];
	_ =	sdelay $0x1  }
0xbb: {  	s11 =	sld [smem:$0x7FB];
	v3 =	vperm.xlane v3, v2  }
0xbc: {  	[tilespmem:s10], [sflag:$0x2] =	stream.indirect_vreg.gather [hbm4b:s3+s2], $0x80, v4, vm0, $0xb8;
	[tilespmem:$0x1E100] =	vst v63  }
0xbd: {  	s0 =	sld [smem:$0x7FC];
	v3 =	vadd.s32 v1, v3  }
0xbe: {  	[tilespmem:s11], [sflag:$0x2] =	stream.indirect_vreg.gather [hbm4b:s4+s2], $0x80, v4, vm0, $0xb8;
	[tilespmem:$0x1E100] =	vst v63  }
0xbf: {  	s11 =	sld [smem:$0x7FD]  }
0xc0: {  	[tilespmem:s0], [sflag:$0x2] =	stream.indirect_vreg.gather [hbm4b:s5+s2], $0x80, v4, vm0, $0xb8;
	[tilespmem:$0x1E100] =	vst v63  }
0xc1: {  	_ = 	snop  }
0xc2: {  	[tilespmem:s11], [sflag:$0x2] =	stream.indirect_vreg.gather [hbm4b:s3+s2], $0x80, v3, vm0, $0xb8;
	[tilespmem:$0x1E100] =	vst v63  }
0xc3: {  	s10 =	simm.s32 $0x14100  }
0xc4: {  	[tilespmem:s10], [sflag:$0x2] =	stream.indirect_vreg.gather [hbm4b:s4+s2], $0x80, v3, vm0, $0xb8;
	[tilespmem:$0x1E100] =	vst v63  }
0xc5: {  	s11 =	simm.s32 $0x14900  }
0xc6: {  	[tilespmem:s11], [sflag:$0x2] =	stream.indirect_vreg.gather [hbm4b:s5+s2], $0x80, v3, vm0, $0xb8;
	[tilespmem:$0x1E100] =	vst v63  }
0xc7: {  	v3 =	vld [tilespmem:$0xA0];
	_ =	sdelay $0x4  }
0xc8: {  	v61 =	vshrl.u32 v3, $0x3  }
0xc9: {  	v4 =	vmul.u32 $0x30, v61  }
0xca: {  	v3 =	vand.u32 $0x7, v3  }
0xcb: {  	v3 =	vor.u32 v3, v4  }
0xcc: {  	v4 =	vperm.xlane v3, v0;
	_ =	sdelay $0x1  }
0xcd: {  	v4 =	vadd.s32 v1, v4;
	_ =	sdelay $0x3  }
0xce: {  	v3 =	vperm.xlane v3, v2  }
0xcf: {  	[tilespmem:s12], [sflag:$0x2] =	stream.indirect_vreg.gather [hbm4b:s3+s2], $0x80, v4, vm0, $0xb8;
	[tilespmem:$0x1E100] =	vst v63  }
0xd0: {  	v3 =	vadd.s32 v1, v3  }
0xd1: {  	[tilespmem:s13], [sflag:$0x2] =	stream.indirect_vreg.gather [hbm4b:s4+s2], $0x80, v4, vm0, $0xb8;
	[tilespmem:$0x1E100] =	vst v63  }
0xd2: {  	_ = 	snop  }
0xd3: {  	[tilespmem:s14], [sflag:$0x2] =	stream.indirect_vreg.gather [hbm4b:s5+s2], $0x80, v4, vm0, $0xb8;
	[tilespmem:$0x1E100] =	vst v63  }
0xd4: {  	_ = 	snop  }
0xd5: {  	[tilespmem:s15], [sflag:$0x2] =	stream.indirect_vreg.gather [hbm4b:s3+s2], $0x80, v3, vm0, $0xb8;
	[tilespmem:$0x1E100] =	vst v63  }
0xd6: {  	_ = 	snop  }
0xd7: {  	[tilespmem:s16], [sflag:$0x2] =	stream.indirect_vreg.gather [hbm4b:s4+s2], $0x80, v3, vm0, $0xb8;
	[tilespmem:$0x1E100] =	vst v63  }
0xd8: {  	_ = 	snop  }
0xd9: {  	[tilespmem:s17], [sflag:$0x2] =	stream.indirect_vreg.gather [hbm4b:s5+s2], $0x80, v3, vm0, $0xb8;
	[tilespmem:$0x1E100] =	vst v63  }
0xda: {  	v3 =	vld [tilespmem:$0xB0];
	_ =	sdelay $0x4  }
0xdb: {  	v62 =	vshrl.u32 v3, $0x3  }
0xdc: {  	v4 =	vmul.u32 $0x30, v62  }
0xdd: {  	v3 =	vand.u32 $0x7, v3  }
0xde: {  	v3 =	vor.u32 v3, v4  }
0xdf: {  	v4 =	vperm.xlane v3, v0;
	_ =	sdelay $0x1  }
0xe0: {  	v4 =	vadd.s32 v1, v4;
	_ =	sdelay $0x3  }
0xe1: {  	v3 =	vperm.xlane v3, v2  }
0xe2: {  	[tilespmem:s18], [sflag:$0x2] =	stream.indirect_vreg.gather [hbm4b:s3+s2], $0x80, v4, vm0, $0xb8;
	[tilespmem:$0x1E100] =	vst v63  }
0xe3: {  	v3 =	vadd.s32 v1, v3  }
0xe4: {  	[tilespmem:s19], [sflag:$0x2] =	stream.indirect_vreg.gather [hbm4b:s4+s2], $0x80, v4, vm0, $0xb8;
	[tilespmem:$0x1E100] =	vst v63  }
0xe5: {  	_ = 	snop  }
0xe6: {  	[tilespmem:s20], [sflag:$0x2] =	stream.indirect_vreg.gather [hbm4b:s5+s2], $0x80, v4, vm0, $0xb8;
	[tilespmem:$0x1E100] =	vst v63  }
0xe7: {  	_ = 	snop  }
0xe8: {  	[tilespmem:s21], [sflag:$0x2] =	stream.indirect_vreg.gather [hbm4b:s3+s2], $0x80, v3, vm0, $0xb8;
	[tilespmem:$0x1E100] =	vst v63  }
0xe9: {  	_ = 	snop  }
0xea: {  	[tilespmem:s22], [sflag:$0x2] =	stream.indirect_vreg.gather [hbm4b:s4+s2], $0x80, v3, vm0, $0xb8;
	[tilespmem:$0x1E100] =	vst v63  }
0xeb: {  	_ = 	snop  }
0xec: {  	[tilespmem:s23], [sflag:$0x2] =	stream.indirect_vreg.gather [hbm4b:s5+s2], $0x80, v3, vm0, $0xb8;
	[tilespmem:$0x1E100] =	vst v63  }
0xed: {  	v3 =	vld [tilespmem:$0xC0];
	_ =	sdelay $0x4  }
0xee: {  	v63 =	vshrl.u32 v3, $0x3  }
0xef: {  	v4 =	vmul.u32 $0x30, v63  }
0xf0: {  	v3 =	vand.u32 $0x7, v3  }
0xf1: {  	v3 =	vor.u32 v3, v4  }
0xf2: {  	v4 =	vperm.xlane v3, v0;
	_ =	sdelay $0x1  }
0xf3: {  	v4 =	vadd.s32 v1, v4;
	_ =	sdelay $0x3  }
0xf4: {  	v3 =	vperm.xlane v3, v2  }
0xf5: {  	[tilespmem:s24], [sflag:$0x2] =	stream.indirect_vreg.gather [hbm4b:s3+s2], $0x80, v4, vm0, $0xb8;
	[tilespmem:$0x1E100] =	vst v63  }
0xf6: {  	v3 =	vadd.s32 v1, v3  }
0xf7: {  	[tilespmem:s25], [sflag:$0x2] =	stream.indirect_vreg.gather [hbm4b:s4+s2], $0x80, v4, vm0, $0xb8;
	[tilespmem:$0x1E100] =	vst v63  }
0xf8: {  	_ = 	snop  }
0xf9: {  	[tilespmem:s26], [sflag:$0x2] =	stream.indirect_vreg.gather [hbm4b:s5+s2], $0x80, v4, vm0, $0xb8;
	[tilespmem:$0x1E100] =	vst v63  }
0xfa: {  	_ = 	snop  }
0xfb: {  	[tilespmem:s28], [sflag:$0x2] =	stream.indirect_vreg.gather [hbm4b:s3+s2], $0x80, v3, vm0, $0xb8;
	[tilespmem:$0x1E100] =	vst v63  }
0xfc: {  	_ = 	snop  }
0xfd: {  	[tilespmem:s29], [sflag:$0x2] =	stream.indirect_vreg.gather [hbm4b:s4+s2], $0x80, v3, vm0, $0xb8;
	[tilespmem:$0x1E100] =	vst v63  }
0xfe: {  	_ = 	snop  }
0xff: {  	[tilespmem:s30], [sflag:$0x2] =	stream.indirect_vreg.gather [hbm4b:s5+s2], $0x80, v3, vm0, $0xb8;
	[tilespmem:$0x1E100] =	vst v63  }
0x100: {  	_ =	swait.ge [sflag:s31], $0xF000  }
0x101: {  	[sflag:s31] =	ssyncset.done $0x0  }
0x102: {  	s10 =	rddreg [dreg:$0x4];
	[sflag:s31] =	ssyncadd.s32 $0xFFFF1000  }
0x103: {  	[hbm4b:s10+s2] =	stream.linear.scatter [tilespmem:s8], [sflag:$0x3], $0xF000, $0x38;
	[tilespmem:$0x1E100] =	vst v63  }
0x104: {  	_ =	swait.ge [sflag:s7], $0xF000  }
0x105: {  	[sflag:s7] =	ssyncset.done $0x0  }
0x106: {  	[sflag:s7] =	ssyncadd.s32 $0xFFFF1000  }
0x107: {  	_ =	swait.ge [sflag:s1], $0xF000  }
0x108: {  	p0 =	sne.s32 s6, $0x1;
	[sflag:s1] =	ssyncset.done $0x0  }
.Ltmp0:
0x109: {  	s11 =	rddreg [dreg:$0x5];
	[sflag:s1] =	ssyncadd.s32 $0xFFFF1000;
	(pc) =	sbr.rel @p0 .LBB2_1-.Ltmp0, $4  }
0x10a: {  	[hbm4b:s11+s2] =	stream.linear.scatter [tilespmem:s9], [sflag:$0x3], $0xF000, $0x38;
	[tilespmem:$0x1E100] =	vst v63  }
0x10b: {  	_ =	swait.ge [sflag:s7], $0xF000  }
0x10c: {  	[sflag:s7] =	ssyncset.done $0x0  }
0x10d: {  	s6 =	sadd.s32 $0xFFFFFFFF, s6;
	[sflag:s7] =	ssyncadd.s32 $0xFFFF1000  }
0x10e: {  	_ =	sfence.sel $0x180000  }
0x10f: {  	[bflag:$0x0] =	sbarrier.arrive $0xFFFF  }
0x110: {  	_ =	strace $0x9000004A  }
0x111: {  	s0 =	stileid.u32;
	[bflag:$0x2] =	sbarrier.arrive $0xFFFF  }
0x112: {  	p0 =	sne.s32 s0, $0x0;
	s0 =	rddreg [dreg:$0x1]  }
0x113: {  	s0 =	sadd.s32 @!p0 $0x100000, s0  }
0x114: {  	[sflag:s0] =	ssyncadd.tile.s32 @!p0 $0x1;
	_ =	shalt  }
.Lfunc_end2:
_tile_overlayer_lowered:
.L_overlay_start_2:
0x115: {  	(tag) =	ssettag $0x2  }
0x116: {  	s0 =	rddreg [dreg:$0x0];
	s2 =	stileid.u32  }
0x117: {  	s1 =	rddreg [dreg:$0x1];
	p0 =	sne.s32 s2, $0x0  }
0x118: {  	s3 =	rddreg [dreg:$0x2];
	[bflag:$0x3] =	sbarrier.arrive $0xFFFF;
	s2 =	simm.s32 @!p0 $0x1C03  }
0x119: {  	[timem:s3], [sflag:s2] =	dma.local @!p0 [hbm:s0], s1  }
0x11a: {  	s0 =	simm.s32 @!p0 $0x3  }
0x11b: {  	_ =	swait.ge @!p0 [sflag:s0], s1  }
0x11c: {  	s1 =	ssub.s32 @!p0 $0x0, s1;
	[sflag:s0] =	ssyncset.done @!p0 $0x0  }
0x11d: {  	[sflag:s0] =	ssyncadd.s32 @!p0 s1  }
0x11e: {  	[bflag:$0x3] =	sbarrier.arrive $0xFFFF  }
0x11f: {  	_ =	shalt  }

// kernel: kernel.16.cloned.1.call-start
scs
__scs_entry_jumppad:
0x0: {  	(pc) =	sbr.rel $0x88, $3  }
0x1: {  	(tag) =	ssettag $0x0;
	lr =	simm.s32 $0x1  }
0x2: {  	[smem:$0x3F89] =	sst lr;
	_ =	strace $0xD0000000  }
0x3: {  	_ = 	snop  }
0x4: {  	_ = 	snop  }
0x5: {  	_ = 	snop  }
0x6: {  	_ = 	snop  }
0x7: {  	_ = 	snop  }
__scs_overlays_trampoline_lowered:
0x8: {  	[smem:$0x3F98] =	sst s0  }
0x9: {  	[smem:$0x3F99] =	sst s1  }
0xa: {  	[smem:$0x3F9A] =	sst s2  }
0xb: {  	[smem:$0x3F9B] =	sst s3  }
0xc: {  	[smem:$0x3F9C] =	sst s4  }
0xd: {  	[smem:$0x3F9D] =	sst s5  }
0xe: {  	[smem:$0x3F9E] =	sst s6  }
0xf: {  	[smem:$0x3F9F] =	sst s7  }
0x10: {  	[smem:$0x3FA0] =	sst s8  }
0x11: {  	[smem:$0x3FA1] =	sst s9;
	s0 =	simm.s32 @!p0 $0x0  }
0x12: {  	s1 =	sld [smem:$0x3F87];
	s0 =	simm.s32 @p0 $0x1  }
0x13: {  	[smem:$0x3FA2] =	sst s0;
	s0 =	simm.s32 @!p1 $0x0  }
0x14: {  	s2 =	sld [smem:$0x3F86];
	s0 =	simm.s32 @p1 $0x1  }
0x15: {  	[smem:$0x3FA3] =	sst s0;
	s0 =	simm.s32 @!p2 $0x0  }
0x16: {  	s3 =	sld [smem:$0x3FDB];
	s0 =	simm.s32 @p2 $0x1  }
0x17: {  	s4 =	simm.s32 $0x1BF5;
	[smem:$0x3FA5] =	sst s0  }
0x18: {  	s0 =	sld [smem:$0x3F88];
	_ =	swait.ge [sflag:s4], $0x0  }
0x19: {  	s7 =	sld [smem:$0x3F89]  }
0x1a: {  	s8 =	sadd.s32 $0xFFFFE003, lr  }
0x1b: {  	s9 =	sadd.s32 $0xFFFFFEF7, lr;
	s5 =	simm.s32 $0xFFFFFFFF;
	p2 =	slt.u32 s8, $0xFFFFF086  }
0x1c: {  	p1 =	slt.u32 s9, $0xF7A;
	s5 =	simm.s32 @!p2 $0x0  }
0x1d: {  	s5 =	simm.s32 @p1 $0x1;
	p0 =	seq.s32 s7, s2  }
0x1e: {  	s7 =	smul.u32 @!p0 $0xF7A, s2;
	p2 =	seq.s32 @!p0 s5, $0x0  }
0x1f: {  	s9 =	smul.u32 $0xF7A, s1;
	s8 =	simm.s32 @!p0 $0x1BF5;
	p2 =	por !p2, p0  }
0x20: {  	[sflag:s8] =	ssyncset.s32 @!p0 $0xFFFFF086;
	s6 =	sadd.s32 @!p0 s3, s7;
	s7 =	simm.s32 @!p0 $0x108  }
0x21: {  	s3 =	sadd.s32 s3, s9;
	s6 =	sadd.s32 @!p0 $0x88, s6;
	s7 =	simm.s32 @p2 $0x1082  }
0x22: {  	[simem:s7], [sflag:s8] =	dma.local @!p0 [hbm:s6], $0xF7A  }
0x23: {  	s9 =	sor.u32 $0xD0000000, s2;
	s6 =	simm.s32 $0x108;
	_ =	swait.ge @!p0 [sflag:s8], $0x0  }
0x24: {  	s3 =	sadd.s32 $0x88, s3;
	s6 =	simm.s32 @!p1 $0x1082;
	[sflag:s4] =	ssyncset.s32 $0xFFFFF086  }
0x25: {  	[simem:s6], [sflag:s4] =	dma.local [hbm:s3], $0xF7A  }
0x26: {  	[smem:$0x3F89] =	sst s1;
	(tag) =	ssettag s2;
	_ =	strace s9  }
0x27: {  	s1 =	sld [smem:$0x3F99]  }
0x28: {  	s2 =	sld [smem:$0x3F9A]  }
0x29: {  	s4 =	sld [smem:$0x3F9C]  }
0x2a: {  	p0 =	seq.s32 s5, $0x0;
	s5 =	sld [smem:$0x3F9D]  }
0x2b: {  	s6 =	sld [smem:$0x3F9E]  }
0x2c: {  	s7 =	sld [smem:$0x3F9F]  }
0x2d: {  	s3 =	simm.s32 $0x108;
	s8 =	sld [smem:$0x3FA0]  }
0x2e: {  	s3 =	simm.s32 @!p0 $0x1082;
	s9 =	sld [smem:$0x3FA1]  }
0x2f: {  	lr =	sadd.s32 s0, s3;
	s0 =	sld [smem:$0x3F98]  }
0x30: {  	s3 =	sld [smem:$0x3F9B]  }
0x31: {  	[smem:$0x3FA4] =	sst s10  }
0x32: {  	s10 =	sld [smem:$0x3FA2];
	_ =	sdelay $0x3  }
0x33: {  	p0 =	seq.s32 s10, $0x1;
	s10 =	sld [smem:$0x3FA4];
	_ =	sdelay $0x3  }
0x34: {  	[smem:$0x3FA4] =	sst s10  }
0x35: {  	s10 =	sld [smem:$0x3FA3];
	_ =	sdelay $0x3  }
0x36: {  	p1 =	seq.s32 s10, $0x1;
	s10 =	sld [smem:$0x3FA4];
	_ =	sdelay $0x3  }
0x37: {  	[smem:$0x3FA4] =	sst s10  }
0x38: {  	s10 =	sld [smem:$0x3FA5]  }
0x39: {  	_ = 	snop;
	(pc) =	sbr.ind lr, $3  }
0x3a: {  	_ = 	snop  }
0x3b: {  	_ = 	snop  }
0x3c: {  	p2 =	seq.s32 s10, $0x1;
	s10 =	sld [smem:$0x3FA4]  }
0x3d: {  	_ =	shalt  }
0x3e: {  	_ =	shalt  }
0x3f: {  	_ =	shalt  }
0x40: {  	_ =	shalt  }
0x41: {  	_ =	shalt  }
0x42: {  	_ =	shalt  }
0x43: {  	_ =	shalt  }
0x44: {  	_ =	shalt  }
0x45: {  	_ =	shalt  }
0x46: {  	_ =	shalt  }
0x47: {  	_ =	shalt  }
0x48: {  	_ =	shalt  }
0x49: {  	_ =	shalt  }
0x4a: {  	_ =	shalt  }
0x4b: {  	_ =	shalt  }
0x4c: {  	_ =	shalt  }
0x4d: {  	_ =	shalt  }
0x4e: {  	_ =	shalt  }
0x4f: {  	_ =	shalt  }
0x50: {  	_ =	shalt  }
0x51: {  	_ =	shalt  }
0x52: {  	_ =	shalt  }
0x53: {  	_ =	shalt  }
0x54: {  	_ =	shalt  }
0x55: {  	_ =	shalt  }
0x56: {  	_ =	shalt  }
0x57: {  	_ =	shalt  }
0x58: {  	_ =	shalt  }
0x59: {  	_ =	shalt  }
0x5a: {  	_ =	shalt  }
0x5b: {  	_ =	shalt  }
0x5c: {  	_ =	shalt  }
0x5d: {  	_ =	shalt  }
0x5e: {  	_ =	shalt  }
0x5f: {  	_ =	shalt  }
0x60: {  	_ =	shalt  }
0x61: {  	_ =	shalt  }
0x62: {  	_ =	shalt  }
0x63: {  	_ =	shalt  }
0x64: {  	_ =	shalt  }
0x65: {  	_ =	shalt  }
0x66: {  	_ =	shalt  }
0x67: {  	_ =	shalt  }
0x68: {  	_ =	shalt  }
0x69: {  	_ =	shalt  }
0x6a: {  	_ =	shalt  }
0x6b: {  	_ =	shalt  }
0x6c: {  	_ =	shalt  }
0x6d: {  	_ =	shalt  }
0x6e: {  	_ =	shalt  }
0x6f: {  	_ =	shalt  }
0x70: {  	_ =	shalt  }
0x71: {  	_ =	shalt  }
0x72: {  	_ =	shalt  }
0x73: {  	_ =	shalt  }
0x74: {  	_ =	shalt  }
0x75: {  	_ =	shalt  }
0x76: {  	_ =	shalt  }
0x77: {  	_ =	shalt  }
0x78: {  	_ =	shalt  }
0x79: {  	_ =	shalt  }
0x7a: {  	_ =	shalt  }
0x7b: {  	_ =	shalt  }
0x7c: {  	_ =	shalt  }
0x7d: {  	_ =	shalt  }
0x7e: {  	_ =	shalt  }
0x7f: {  	_ =	shalt  }
0x80: {  	_ =	shalt  }
0x81: {  	_ =	shalt  }
0x82: {  	_ =	shalt  }
0x83: {  	_ =	shalt  }
0x84: {  	_ =	shalt  }
0x85: {  	_ =	shalt  }
0x86: {  	_ =	shalt  }
0x87: {  	_ =	shalt  }
.Lfunc_end0:
.L_simem_size_0:
called_computation.2_lowered:
.L_overlay_start_0:
0x88: {  	s2 =	sld [smem:$0x3FD9]  }
0x89: {  	s3 =	sld [smem:$0x3FFE];
	_ =	sdelay $0x1  }
0x8a: {  	s1 =	srdreg.scid  }
0x8b: {  	s0 =	sand.u32 $0x1, s1  }
0x8c: {  	s16 =	sshll.u32 s0, $0xA;
	s2 =	sadd.s32 s3, s2  }
0x8d: {  	s2 =	sadd.s32 s2, s16  }
0x8e: {  	[smem:$0x3FB0] =	sst s2  }
0x8f: {  	_ = 	snop  }
0x90: {  	(tm) =	ssettm $0x1  }
0x91: {  	s17 =	sld [smem:$0x3FFB];
	_ =	sdelay $0x3  }
0x92: {  	_ =	strace s17  }
0x93: {  	s2 =	sld [smem:$0x3FFC];
	_ =	sdelay $0x3  }
0x94: {  	_ =	strace s2  }
0x95: {  	s2 =	sld [smem:$0x3FFD];
	_ =	sdelay $0x3  }
0x96: {  	_ =	strace s2  }
0x97: {  	_ =	strace $0x8FFFFFFF  }
0x98: {  	s18 =	sld [smem:$0x3FDB];
	_ =	sdelay $0x1  }
0x99: {  	s19 =	simm.s32 $_scs_section_size  }
0x9a: {  	s4 =	simm.s32 $_size__tile_overlayer_lowered;
	s5 =	simm.s32 $_tile_overlayer_lowered  }
0x9b: {  	s22 =	simm.s32 $0x1BFF;
	s21 =	sshll.u32 s5, $0x1;
	s2 =	sadd.s32 s19, s18  }
0x9c: {  	s6 =	simm.s32 $0x0;
	s20 =	sshll.u32 s4, $0x1;
	s4 =	sadd.s32 s21, s2  }
0x9d: {  	[timem:s6], [sflag:s22] =	dma.local [hbm:s4], s20  }
0x9e: {  	_ =	swait.ge [sflag:s22], s20  }
0x9f: {  	s3 =	ssub.s32 $0x0, s20;
	[sflag:s22] =	ssyncset.done $0x0  }
0xa0: {  	[sflag:s22] =	ssyncadd.s32 s3;
	_ =	sdelay $0x1  }
0xa1: {  	s23 =	simm.s32 $0x1B8B  }
0xa2: {  	_ =	swait.ge [sflag:s23], $0x1  }
0xa3: {  	[sflag:s23] =	ssyncset.done $0x0  }
0xa4: {  	s25 =	simm.s32 $0x1B8E;
	s24 =	sld [smem:$0x3FFE];
	[sflag:s23] =	ssyncadd.s32 $0xFFFFFFFF  }
0xa5: {  	s26 =	simm.s32 $execute0_lowered;
	[smem:$0x3FD2] =	sst s25  }
0xa6: {  	s4 =	sshll.u32 s26, $0x1;
	_ =	strace $0x8000004C;
	[dreg:$0x1] =	wrdreg $0xFFFFFFFF  }
0xa7: {  	s28 =	simm.s32 $_size_execute0_lowered;
	s2 =	sadd.s32 s2, s4;
	[dreg:$0x0] =	wrdreg $0x0  }
0xa8: {  	s4 =	sshll.u32 s28, $0x1;
	[dreg:$0x2] =	wrdreg s2  }
0xa9: {  	[dreg:$0x3] =	wrdreg s4  }
0xaa: {  	[dreg:$0x4] =	wrdreg $0xC0  }
0xab: {  	_ =	task [dreg:s6], $0x5FFFF  }
0xac: {  	[dreg:$0x1] =	wrdreg $0xFFFFFFFF  }
0xad: {  	[dreg:$0x0] =	wrdreg $0x60  }
0xae: {  	[dreg:$0x2] =	wrdreg s24  }
0xaf: {  	[dreg:$0x3] =	wrdreg $0x9  }
0xb0: {  	_ =	task.clear_ibuf [dreg:s6], $0x4FFFF;
	_ =	strace $0x9000004C  }
0xb1: {  	s29 =	simm.s32 $0x9;
	_ =	strace $0x8000004E  }
0xb2: {  	_ =	swait.ge [sflag:s29], $0x1  }
0xb3: {  	[sflag:s29] =	ssyncadd.s32 $0xFFFFFFFF  }
0xb4: {  	_ =	strace $0x9000004E  }
0xb5: {  	_ =	sfence  }
0xb6: {  	s30 =	sld [smem:$0x0];
	_ =	sdelay $0x2  }
0xb7: {  	s31 =	sshll.u32 s1, $0xD;
	s1 =	sshrl.u32 s1, $0x2  }
0xb8: {  	s3 =	sand.u32 $0x4000, s31;
	s1 =	sadd.s32 s1, s30  }
0xb9: {  	s0 =	sor.u32 s3, s0;
	s1 =	sshll.u32 s1, $0x11  }
0xba: {  	s0 =	sor.u32 s1, s0  }
0xbb: {  	s0 =	sadd.s32 $0x8F2B, s0  }
0xbc: {  	[sflag:s0] =	ssyncadd.remote.s32 $0x1  }
0xbd: {  	_ =	sfence.sel $0xFFFF  }
0xbe: {  	[dreg:$0x0] =	wrdreg $0xFFFFFFFF;
	(pc) =	sbr.abs _section_cstart, $3  }
0xbf: {  	[dreg:$0x1] =	wrdreg $0xFFFFFFFF  }
0xc0: {  	_ =	task.clear_ibuf [dreg:s6], $0x2FFFF;
	_ =	strace $0x9FFFFFFF  }
0xc1: {  	(tm) =	ssettm $0x7FFFFFFF  }
tec
execute0_lowered:
.L_overlay_start_1:
0x0: {  	(tag) =	ssettag $0x1  }
0x1: {  	s1 =	srdreg.scid  }
0x2: {  	s0 =	stileid.u32;
	s1 =	sand.u32 $0x1, s1  }
0x3: {  	s2 =	sshll.u32 s0, $0x5;
	s3 =	sshll.u32 s1, $0x4  }
0x4: {  	s5 =	rddreg [dreg:$0x0];
	s3 =	sor.u32 s3, s2;
	s2 =	simm.s32 $0x0  }
0x5: {  	s26 =	simm.s32 $0x880;
	[smem:$0x7FF] =	sst s2  }
0x6: {  	s0 =	simm.s32 $0x1080;
	_ =	strace $0x8000004D;
	[dreg:$0x4] =	wrdreg s26  }
0x7: {  	s6 =	simm.s32 $0x2080;
	[dreg:$0x5] =	wrdreg s0  }
0x8: {  	s7 =	simm.s32 $0x2880;
	[dreg:$0x7] =	wrdreg s6  }
0x9: {  	s8 =	simm.s32 $0x3080;
	[dreg:$0x8] =	wrdreg s7  }
0xa: {  	s9 =	simm.s32 $0x3880;
	[dreg:$0x9] =	wrdreg s8  }
0xb: {  	s10 =	simm.s32 $0x4080;
	[dreg:$0xa] =	wrdreg s9  }
0xc: {  	s11 =	simm.s32 $0x4880;
	[dreg:$0xb] =	wrdreg s10  }
0xd: {  	s12 =	simm.s32 $0x5080;
	[dreg:$0xc] =	wrdreg s11  }
0xe: {  	s13 =	simm.s32 $0x5880;
	[dreg:$0xd] =	wrdreg s12  }
0xf: {  	s14 =	simm.s32 $0x6080;
	[dreg:$0xe] =	wrdreg s13  }
0x10: {  	s15 =	simm.s32 $0x6880;
	[dreg:$0xf] =	wrdreg s14  }
0x11: {  	s16 =	simm.s32 $0x7080;
	[dreg:$0x10] =	wrdreg s15  }
0x12: {  	s17 =	simm.s32 $0x7880;
	s18 =	simm.s32 $0x8080;
	[dreg:$0x11] =	wrdreg s16  }
0x13: {  	s19 =	simm.s32 $0x8880;
	s20 =	simm.s32 $0x9080;
	[dreg:$0x12] =	wrdreg s17  }
0x14: {  	s21 =	simm.s32 $0x9880;
	s22 =	simm.s32 $0xA080;
	[dreg:$0x13] =	wrdreg s18  }
0x15: {  	s23 =	simm.s32 $0xA880;
	s24 =	simm.s32 $0xB880;
	[dreg:$0x14] =	wrdreg s19  }
0x16: {  	s28 =	simm.s32 $0x16080;
	s29 =	simm.s32 $0x16880;
	[dreg:$0x15] =	wrdreg s20  }
0x17: {  	s30 =	simm.s32 $0x17080;
	s31 =	simm.s32 $0x17880;
	[dreg:$0x16] =	wrdreg s21  }
0x18: {  	s4 =	smul.u32 $0x300, s3;
	s3 =	sadd.s32 s3, s5;
	[dreg:$0x17] =	wrdreg s22  }
0x19: {  	s1 =	ssub.s32 $0x2, s1;
	s3 =	sadd.s32 $0x16DC00, s3;
	[dreg:$0x18] =	wrdreg s23  }
0x1a: {  	s6 =	sshrl.u32 s1, $0x1;
	s7 =	simm.s32 $0xB080;
	[dreg:$0x1a] =	wrdreg s24  }
0x1b: {  	s8 =	simm.s32 $0x80;
	s26 =	simm.s32 $0xC880;
	s10 =	simm.s32 $0xD880  }
0x1c: {  	s11 =	simm.s32 $0xE080;
	s12 =	simm.s32 $0xE880;
	s13 =	simm.s32 $0xF080  }
0x1d: {  	s14 =	simm.s32 $0xF880;
	s15 =	simm.s32 $0x10080;
	s16 =	simm.s32 $0x10880  }
0x1e: {  	s17 =	simm.s32 $0x11080;
	s18 =	simm.s32 $0x11880;
	s19 =	simm.s32 $0x12080  }
0x1f: {  	s20 =	simm.s32 $0x12880;
	s21 =	simm.s32 $0x13080;
	s22 =	simm.s32 $0x13880  }
0x20: {  	s23 =	simm.s32 $0x14080;
	s24 =	simm.s32 $0x14880;
	[dreg:$0x2] =	wrdreg s3  }
0x21: {  	s4 =	sadd.s32 s4, s5;
	s3 =	sadd.s32 $0x5400, s5;
	[dreg:$0x19] =	wrdreg s7  }
0x22: {  	s1 =	ssub.s32 s1, s6;
	s7 =	simm.s32 $0x2;
	[dreg:$0x1c] =	wrdreg s26  }
0x23: {  	s26 =	simm.s32 $0x15880;
	s25 =	sadd.s32 $0x7EC00, s4;
	s4 =	simm.s32 $0x1880  }
0x24: {  	v2 =	vlaneseq.u32;
	s6 =	smax.u32 s1, $0x1;
	s1 =	simm.s32 $0x1;
	[dreg:$0x3] =	wrdreg s25  }
0x25: {  	vm0 =	vmmov $0xffff;
	v1 =	vshrl.u32 v2, $0x3;
	[dreg:$0x6] =	wrdreg s4;
	s4 =	sadd.s32 $0x5500, s5;
	s25 =	simm.s32 $0xC080  }
0x26: {  	v0 =	vand.u32 $0x7, v2;
	v2 =	vor.u32 $0x8, v2;
	v1 =	vmul.u32 $0x8, v1;
	s5 =	sadd.s32 $0x5600, s5;
	[dreg:$0x1b] =	wrdreg s25;
	s25 =	simm.s32 $0x15080  }
.LBB2_1:
0x27: {  	s0 =	rddreg [dreg:$0x2]  }
0x28: {  	[tilespmem:s2], [sflag:$0x2] =	stream.linear.gather [hbm4b:s0+s2], $0x80, $0x38;
	[tilespmem:$0x18080] =	vst v63  }
0x29: {  	_ =	swait.ge [sflag:s7], $0x80  }
0x2a: {  	[sflag:s7] =	ssyncset.done $0x0  }
0x2b: {  	[sflag:s7] =	ssyncadd.s32 $0xFFFFFF80  }
0x2c: {  	v3 =	vld [tilespmem:$0x0];
	_ =	sdelay $0x4  }
0x2d: {  	v4 =	vshrl.u32 v3, $0x3  }
0x2e: {  	v4 =	vmul.u32 $0x30, v4  }
0x2f: {  	v3 =	vand.u32 $0x7, v3  }
0x30: {  	v3 =	vor.u32 v3, v4  }
0x31: {  	v4 =	vperm.xlane v3, v0;
	_ =	sdelay $0x1  }
0x32: {  	v4 =	vadd.s32 v1, v4;
	_ =	sdelay $0x3  }
0x33: {  	v3 =	vperm.xlane v3, v2  }
0x34: {  	[tilespmem:s8], [sflag:$0x1] =	stream.indirect_vreg.gather [hbm4b:s3+s2], $0x80, v4, vm0, $0xb8;
	[tilespmem:$0x18080] =	vst v63  }
0x35: {  	s0 =	rddreg [dreg:$0x4];
	v3 =	vadd.s32 v1, v3  }
0x36: {  	[tilespmem:s0], [sflag:$0x1] =	stream.indirect_vreg.gather [hbm4b:s4+s2], $0x80, v4, vm0, $0xb8;
	[tilespmem:$0x18080] =	vst v63  }
0x37: {  	s9 =	rddreg [dreg:$0x5]  }
0x38: {  	[tilespmem:s9], [sflag:$0x1] =	stream.indirect_vreg.gather [hbm4b:s5+s2], $0x80, v4, vm0, $0xb8;
	[tilespmem:$0x18080] =	vst v63  }
0x39: {  	s0 =	rddreg [dreg:$0x6]  }
0x3a: {  	[tilespmem:s0], [sflag:$0x1] =	stream.indirect_vreg.gather [hbm4b:s3+s2], $0x80, v3, vm0, $0xb8;
	[tilespmem:$0x18080] =	vst v63  }
0x3b: {  	s9 =	rddreg [dreg:$0x7]  }
0x3c: {  	[tilespmem:s9], [sflag:$0x1] =	stream.indirect_vreg.gather [hbm4b:s4+s2], $0x80, v3, vm0, $0xb8;
	[tilespmem:$0x18080] =	vst v63  }
0x3d: {  	s0 =	rddreg [dreg:$0x8]  }
0x3e: {  	[tilespmem:s0], [sflag:$0x1] =	stream.indirect_vreg.gather [hbm4b:s5+s2], $0x80, v3, vm0, $0xb8;
	[tilespmem:$0x18080] =	vst v63  }
0x3f: {  	v3 =	vld [tilespmem:$0x10];
	_ =	sdelay $0x4  }
0x40: {  	v57 =	vshrl.u32 v3, $0x3  }
0x41: {  	v4 =	vmul.u32 $0x30, v57  }
0x42: {  	v3 =	vand.u32 $0x7, v3  }
0x43: {  	v3 =	vor.u32 v3, v4  }
0x44: {  	v4 =	vperm.xlane v3, v0;
	_ =	sdelay $0x1  }
0x45: {  	v4 =	vadd.s32 v1, v4;
	_ =	sdelay $0x3  }
0x46: {  	s0 =	rddreg [dreg:$0x9];
	v3 =	vperm.xlane v3, v2  }
0x47: {  	[tilespmem:s0], [sflag:$0x1] =	stream.indirect_vreg.gather [hbm4b:s3+s2], $0x80, v4, vm0, $0xb8;
	[tilespmem:$0x18080] =	vst v63  }
0x48: {  	s9 =	rddreg [dreg:$0xa];
	v3 =	vadd.s32 v1, v3  }
0x49: {  	[tilespmem:s9], [sflag:$0x1] =	stream.indirect_vreg.gather [hbm4b:s4+s2], $0x80, v4, vm0, $0xb8;
	[tilespmem:$0x18080] =	vst v63  }
0x4a: {  	s0 =	rddreg [dreg:$0xb]  }
0x4b: {  	[tilespmem:s0], [sflag:$0x1] =	stream.indirect_vreg.gather [hbm4b:s5+s2], $0x80, v4, vm0, $0xb8;
	[tilespmem:$0x18080] =	vst v63  }
0x4c: {  	s9 =	rddreg [dreg:$0xc]  }
0x4d: {  	[tilespmem:s9], [sflag:$0x1] =	stream.indirect_vreg.gather [hbm4b:s3+s2], $0x80, v3, vm0, $0xb8;
	[tilespmem:$0x18080] =	vst v63  }
0x4e: {  	s0 =	rddreg [dreg:$0xd]  }
0x4f: {  	[tilespmem:s0], [sflag:$0x1] =	stream.indirect_vreg.gather [hbm4b:s4+s2], $0x80, v3, vm0, $0xb8;
	[tilespmem:$0x18080] =	vst v63  }
0x50: {  	s9 =	rddreg [dreg:$0xe]  }
0x51: {  	[tilespmem:s9], [sflag:$0x1] =	stream.indirect_vreg.gather [hbm4b:s5+s2], $0x80, v3, vm0, $0xb8;
	[tilespmem:$0x18080] =	vst v63  }
0x52: {  	v3 =	vld [tilespmem:$0x20];
	_ =	sdelay $0x4  }
0x53: {  	v58 =	vshrl.u32 v3, $0x3  }
0x54: {  	v4 =	vmul.u32 $0x30, v58  }
0x55: {  	v3 =	vand.u32 $0x7, v3  }
0x56: {  	v3 =	vor.u32 v3, v4  }
0x57: {  	v4 =	vperm.xlane v3, v0;
	_ =	sdelay $0x1  }
0x58: {  	v4 =	vadd.s32 v1, v4;
	_ =	sdelay $0x3  }
0x59: {  	s0 =	rddreg [dreg:$0xf];
	v3 =	vperm.xlane v3, v2  }
0x5a: {  	[tilespmem:s0], [sflag:$0x1] =	stream.indirect_vreg.gather [hbm4b:s3+s2], $0x80, v4, vm0, $0xb8;
	[tilespmem:$0x18080] =	vst v63  }
0x5b: {  	s9 =	rddreg [dreg:$0x10];
	v3 =	vadd.s32 v1, v3  }
0x5c: {  	[tilespmem:s9], [sflag:$0x1] =	stream.indirect_vreg.gather [hbm4b:s4+s2], $0x80, v4, vm0, $0xb8;
	[tilespmem:$0x18080] =	vst v63  }
0x5d: {  	s0 =	rddreg [dreg:$0x11]  }
0x5e: {  	[tilespmem:s0], [sflag:$0x1] =	stream.indirect_vreg.gather [hbm4b:s5+s2], $0x80, v4, vm0, $0xb8;
	[tilespmem:$0x18080] =	vst v63  }
0x5f: {  	s9 =	rddreg [dreg:$0x12]  }
0x60: {  	[tilespmem:s9], [sflag:$0x1] =	stream.indirect_vreg.gather [hbm4b:s3+s2], $0x80, v3, vm0, $0xb8;
	[tilespmem:$0x18080] =	vst v63  }
0x61: {  	s0 =	rddreg [dreg:$0x13]  }
0x62: {  	[tilespmem:s0], [sflag:$0x1] =	stream.indirect_vreg.gather [hbm4b:s4+s2], $0x80, v3, vm0, $0xb8;
	[tilespmem:$0x18080] =	vst v63  }
0x63: {  	s9 =	rddreg [dreg:$0x14]  }
0x64: {  	[tilespmem:s9], [sflag:$0x1] =	stream.indirect_vreg.gather [hbm4b:s5+s2], $0x80, v3, vm0, $0xb8;
	[tilespmem:$0x18080] =	vst v63  }
0x65: {  	v3 =	vld [tilespmem:$0x30];
	_ =	sdelay $0x4  }
0x66: {  	v59 =	vshrl.u32 v3, $0x3  }
0x67: {  	v4 =	vmul.u32 $0x30, v59  }
0x68: {  	v3 =	vand.u32 $0x7, v3  }
0x69: {  	v3 =	vor.u32 v3, v4  }
0x6a: {  	v4 =	vperm.xlane v3, v0;
	_ =	sdelay $0x1  }
0x6b: {  	v4 =	vadd.s32 v1, v4;
	_ =	sdelay $0x3  }
0x6c: {  	s0 =	rddreg [dreg:$0x15];
	v3 =	vperm.xlane v3, v2  }
0x6d: {  	[tilespmem:s0], [sflag:$0x1] =	stream.indirect_vreg.gather [hbm4b:s3+s2], $0x80, v4, vm0, $0xb8;
	[tilespmem:$0x18080] =	vst v63  }
0x6e: {  	s9 =	rddreg [dreg:$0x16];
	v3 =	vadd.s32 v1, v3  }
0x6f: {  	[tilespmem:s9], [sflag:$0x1] =	stream.indirect_vreg.gather [hbm4b:s4+s2], $0x80, v4, vm0, $0xb8;
	[tilespmem:$0x18080] =	vst v63  }
0x70: {  	s0 =	rddreg [dreg:$0x17]  }
0x71: {  	[tilespmem:s0], [sflag:$0x1] =	stream.indirect_vreg.gather [hbm4b:s5+s2], $0x80, v4, vm0, $0xb8;
	[tilespmem:$0x18080] =	vst v63  }
0x72: {  	s9 =	rddreg [dreg:$0x18]  }
0x73: {  	[tilespmem:s9], [sflag:$0x1] =	stream.indirect_vreg.gather [hbm4b:s3+s2], $0x80, v3, vm0, $0xb8;
	[tilespmem:$0x18080] =	vst v63  }
0x74: {  	s0 =	rddreg [dreg:$0x19]  }
0x75: {  	[tilespmem:s0], [sflag:$0x1] =	stream.indirect_vreg.gather [hbm4b:s4+s2], $0x80, v3, vm0, $0xb8;
	[tilespmem:$0x18080] =	vst v63  }
0x76: {  	s9 =	rddreg [dreg:$0x1a]  }
0x77: {  	[tilespmem:s9], [sflag:$0x1] =	stream.indirect_vreg.gather [hbm4b:s5+s2], $0x80, v3, vm0, $0xb8;
	[tilespmem:$0x18080] =	vst v63  }
0x78: {  	v3 =	vld [tilespmem:$0x40];
	_ =	sdelay $0x4  }
0x79: {  	v60 =	vshrl.u32 v3, $0x3  }
0x7a: {  	v4 =	vmul.u32 $0x30, v60  }
0x7b: {  	v3 =	vand.u32 $0x7, v3  }
0x7c: {  	v3 =	vor.u32 v3, v4  }
0x7d: {  	v4 =	vperm.xlane v3, v0;
	_ =	sdelay $0x1  }
0x7e: {  	v4 =	vadd.s32 v1, v4;
	_ =	sdelay $0x3  }
0x7f: {  	s0 =	rddreg [dreg:$0x1b];
	v3 =	vperm.xlane v3, v2  }
0x80: {  	[tilespmem:s0], [sflag:$0x1] =	stream.indirect_vreg.gather [hbm4b:s3+s2], $0x80, v4, vm0, $0xb8;
	[tilespmem:$0x18080] =	vst v63  }
0x81: {  	s9 =	rddreg [dreg:$0x1c];
	v3 =	vadd.s32 v1, v3  }
0x82: {  	[tilespmem:s9], [sflag:$0x1] =	stream.indirect_vreg.gather [hbm4b:s4+s2], $0x80, v4, vm0, $0xb8;
	[tilespmem:$0x18080] =	vst v63  }
0x83: {  	s9 =	simm.s32 $0xD080  }
0x84: {  	[tilespmem:s9], [sflag:$0x1] =	stream.indirect_vreg.gather [hbm4b:s5+s2], $0x80, v4, vm0, $0xb8;
	[tilespmem:$0x18080] =	vst v63  }
0x85: {  	_ = 	snop  }
0x86: {  	[tilespmem:s10], [sflag:$0x1] =	stream.indirect_vreg.gather [hbm4b:s3+s2], $0x80, v3, vm0, $0xb8;
	[tilespmem:$0x18080] =	vst v63  }
0x87: {  	_ = 	snop  }
0x88: {  	[tilespmem:s11], [sflag:$0x1] =	stream.indirect_vreg.gather [hbm4b:s4+s2], $0x80, v3, vm0, $0xb8;
	[tilespmem:$0x18080] =	vst v63  }
0x89: {  	_ = 	snop  }
0x8a: {  	[tilespmem:s12], [sflag:$0x1] =	stream.indirect_vreg.gather [hbm4b:s5+s2], $0x80, v3, vm0, $0xb8;
	[tilespmem:$0x18080] =	vst v63  }
0x8b: {  	v3 =	vld [tilespmem:$0x50];
	_ =	sdelay $0x4  }
0x8c: {  	v61 =	vshrl.u32 v3, $0x3  }
0x8d: {  	v4 =	vmul.u32 $0x30, v61  }
0x8e: {  	v3 =	vand.u32 $0x7, v3  }
0x8f: {  	v3 =	vor.u32 v3, v4  }
0x90: {  	v4 =	vperm.xlane v3, v0;
	_ =	sdelay $0x1  }
0x91: {  	v4 =	vadd.s32 v1, v4;
	_ =	sdelay $0x3  }
0x92: {  	v3 =	vperm.xlane v3, v2  }
0x93: {  	[tilespmem:s13], [sflag:$0x1] =	stream.indirect_vreg.gather [hbm4b:s3+s2], $0x80, v4, vm0, $0xb8;
	[tilespmem:$0x18080] =	vst v63  }
0x94: {  	v3 =	vadd.s32 v1, v3  }
0x95: {  	[tilespmem:s14], [sflag:$0x1] =	stream.indirect_vreg.gather [hbm4b:s4+s2], $0x80, v4, vm0, $0xb8;
	[tilespmem:$0x18080] =	vst v63  }
0x96: {  	_ = 	snop  }
0x97: {  	[tilespmem:s15], [sflag:$0x1] =	stream.indirect_vreg.gather [hbm4b:s5+s2], $0x80, v4, vm0, $0xb8;
	[tilespmem:$0x18080] =	vst v63  }
0x98: {  	_ = 	snop  }
0x99: {  	[tilespmem:s16], [sflag:$0x1] =	stream.indirect_vreg.gather [hbm4b:s3+s2], $0x80, v3, vm0, $0xb8;
	[tilespmem:$0x18080] =	vst v63  }
0x9a: {  	_ = 	snop  }
0x9b: {  	[tilespmem:s17], [sflag:$0x1] =	stream.indirect_vreg.gather [hbm4b:s4+s2], $0x80, v3, vm0, $0xb8;
	[tilespmem:$0x18080] =	vst v63  }
0x9c: {  	_ = 	snop  }
0x9d: {  	[tilespmem:s18], [sflag:$0x1] =	stream.indirect_vreg.gather [hbm4b:s5+s2], $0x80, v3, vm0, $0xb8;
	[tilespmem:$0x18080] =	vst v63  }
0x9e: {  	v3 =	vld [tilespmem:$0x60];
	_ =	sdelay $0x4  }
0x9f: {  	v62 =	vshrl.u32 v3, $0x3  }
0xa0: {  	v4 =	vmul.u32 $0x30, v62  }
0xa1: {  	v3 =	vand.u32 $0x7, v3  }
0xa2: {  	v3 =	vor.u32 v3, v4  }
0xa3: {  	v4 =	vperm.xlane v3, v0;
	_ =	sdelay $0x1  }
0xa4: {  	v4 =	vadd.s32 v1, v4;
	_ =	sdelay $0x3  }
0xa5: {  	v3 =	vperm.xlane v3, v2  }
0xa6: {  	[tilespmem:s19], [sflag:$0x1] =	stream.indirect_vreg.gather [hbm4b:s3+s2], $0x80, v4, vm0, $0xb8;
	[tilespmem:$0x18080] =	vst v63  }
0xa7: {  	v3 =	vadd.s32 v1, v3  }
0xa8: {  	[tilespmem:s20], [sflag:$0x1] =	stream.indirect_vreg.gather [hbm4b:s4+s2], $0x80, v4, vm0, $0xb8;
	[tilespmem:$0x18080] =	vst v63  }
0xa9: {  	_ = 	snop  }
0xaa: {  	[tilespmem:s21], [sflag:$0x1] =	stream.indirect_vreg.gather [hbm4b:s5+s2], $0x80, v4, vm0, $0xb8;
	[tilespmem:$0x18080] =	vst v63  }
0xab: {  	_ = 	snop  }
0xac: {  	[tilespmem:s22], [sflag:$0x1] =	stream.indirect_vreg.gather [hbm4b:s3+s2], $0x80, v3, vm0, $0xb8;
	[tilespmem:$0x18080] =	vst v63  }
0xad: {  	_ = 	snop  }
0xae: {  	[tilespmem:s23], [sflag:$0x1] =	stream.indirect_vreg.gather [hbm4b:s4+s2], $0x80, v3, vm0, $0xb8;
	[tilespmem:$0x18080] =	vst v63  }
0xaf: {  	_ = 	snop  }
0xb0: {  	[tilespmem:s24], [sflag:$0x1] =	stream.indirect_vreg.gather [hbm4b:s5+s2], $0x80, v3, vm0, $0xb8;
	[tilespmem:$0x18080] =	vst v63  }
0xb1: {  	v3 =	vld [tilespmem:$0x70];
	_ =	sdelay $0x4  }
0xb2: {  	v63 =	vshrl.u32 v3, $0x3  }
0xb3: {  	v4 =	vmul.u32 $0x30, v63  }
0xb4: {  	v3 =	vand.u32 $0x7, v3  }
0xb5: {  	v3 =	vor.u32 v3, v4  }
0xb6: {  	v4 =	vperm.xlane v3, v0;
	_ =	sdelay $0x1  }
0xb7: {  	v4 =	vadd.s32 v1, v4;
	_ =	sdelay $0x3  }
0xb8: {  	v3 =	vperm.xlane v3, v2  }
0xb9: {  	[tilespmem:s25], [sflag:$0x1] =	stream.indirect_vreg.gather [hbm4b:s3+s2], $0x80, v4, vm0, $0xb8;
	[tilespmem:$0x18080] =	vst v63  }
0xba: {  	v3 =	vadd.s32 v1, v3  }
0xbb: {  	[tilespmem:s26], [sflag:$0x1] =	stream.indirect_vreg.gather [hbm4b:s4+s2], $0x80, v4, vm0, $0xb8;
	[tilespmem:$0x18080] =	vst v63  }
0xbc: {  	_ = 	snop  }
0xbd: {  	[tilespmem:s28], [sflag:$0x1] =	stream.indirect_vreg.gather [hbm4b:s5+s2], $0x80, v4, vm0, $0xb8;
	[tilespmem:$0x18080] =	vst v63  }
0xbe: {  	_ = 	snop  }
0xbf: {  	[tilespmem:s29], [sflag:$0x1] =	stream.indirect_vreg.gather [hbm4b:s3+s2], $0x80, v3, vm0, $0xb8;
	[tilespmem:$0x18080] =	vst v63  }
0xc0: {  	_ = 	snop  }
0xc1: {  	[tilespmem:s30], [sflag:$0x1] =	stream.indirect_vreg.gather [hbm4b:s4+s2], $0x80, v3, vm0, $0xb8;
	[tilespmem:$0x18080] =	vst v63  }
0xc2: {  	_ = 	snop  }
0xc3: {  	[tilespmem:s31], [sflag:$0x1] =	stream.indirect_vreg.gather [hbm4b:s5+s2], $0x80, v3, vm0, $0xb8;
	[tilespmem:$0x18080] =	vst v63  }
0xc4: {  	_ =	swait.ge [sflag:s1], $0x18000  }
0xc5: {  	p0 =	sne.s32 s6, $0x1;
	[sflag:s1] =	ssyncset.done $0x0  }
.Ltmp0:
0xc6: {  	s9 =	rddreg [dreg:$0x3];
	[sflag:s1] =	ssyncadd.s32 $0xFFFE8000;
	(pc) =	sbr.rel @p0 .LBB2_1-.Ltmp0, $4  }
0xc7: {  	[hbm4b:s9+s2] =	stream.linear.scatter [tilespmem:s8], [sflag:$0x2], $0x18000, $0x38;
	[tilespmem:$0x18080] =	vst v63  }
0xc8: {  	_ =	swait.ge [sflag:s7], $0x18000  }
0xc9: {  	[sflag:s7] =	ssyncset.done $0x0  }
0xca: {  	s6 =	sadd.s32 $0xFFFFFFFF, s6;
	[sflag:s7] =	ssyncadd.s32 $0xFFFE8000  }
0xcb: {  	_ =	sfence.sel $0x180000  }
0xcc: {  	[bflag:$0x0] =	sbarrier.arrive $0xFFFF  }
0xcd: {  	_ =	strace $0x9000004D  }
0xce: {  	s0 =	stileid.u32;
	[bflag:$0x2] =	sbarrier.arrive $0xFFFF  }
0xcf: {  	p0 =	sne.s32 s0, $0x0;
	s0 =	rddreg [dreg:$0x1]  }
0xd0: {  	s0 =	sadd.s32 @!p0 $0x100000, s0  }
0xd1: {  	[sflag:s0] =	ssyncadd.tile.s32 @!p0 $0x1;
	_ =	shalt  }
.Lfunc_end2:
_tile_overlayer_lowered:
.L_overlay_start_2:
0xd2: {  	(tag) =	ssettag $0x2  }
0xd3: {  	s0 =	rddreg [dreg:$0x0];
	s2 =	stileid.u32  }
0xd4: {  	s1 =	rddreg [dreg:$0x1];
	p0 =	sne.s32 s2, $0x0  }
0xd5: {  	s3 =	rddreg [dreg:$0x2];
	[bflag:$0x3] =	sbarrier.arrive $0xFFFF;
	s2 =	simm.s32 @!p0 $0x1C02  }
0xd6: {  	[timem:s3], [sflag:s2] =	dma.local @!p0 [hbm:s0], s1  }
0xd7: {  	s0 =	simm.s32 @!p0 $0x2  }
0xd8: {  	_ =	swait.ge @!p0 [sflag:s0], s1  }
0xd9: {  	s1 =	ssub.s32 @!p0 $0x0, s1;
	[sflag:s0] =	ssyncset.done @!p0 $0x0  }
0xda: {  	[sflag:s0] =	ssyncadd.s32 @!p0 s1  }
0xdb: {  	[bflag:$0x3] =	sbarrier.arrive $0xFFFF  }
0xdc: {  	_ =	shalt  }

</sc_bundles>
